<compile_context>
chip_gen: v7x
topology: tpu7x:2x2x1
jax: 0.10.2.dev20260603
libtpu: 0.0.44.dev20260713+nightly
codegen_flags: <defaults>
</compile_context>

<pallas_src>
import functools

import jax
import jax.numpy as jnp
from jax import lax
from jax.experimental import pallas as pl
from jax.experimental.pallas import tpu as pltpu
from jax.experimental.pallas import tpu_sc as plsc

EMBED = 100
EPAD = 128
BATCH = 16384
NROWS = 100000

NC = 2
NS = 16
NW = NC * NS
LANES = 16
BPW = BATCH // NW
CHUNK = 128
NCHUNK = BPW // CHUNK

REPACK_ROWS = 5000


def _tc_repack(user_emb, recipe_emb):
    def body(u_ref, r_ref, uo_ref, ro_ref):
        zpad = jnp.zeros((REPACK_ROWS, EPAD - EMBED), jnp.float32)
        uo_ref[...] = jnp.concatenate([u_ref[...], zpad], axis=-1)
        ro_ref[...] = jnp.concatenate([r_ref[...], zpad], axis=-1)

    grid = NROWS // REPACK_ROWS
    spec_in = pl.BlockSpec((REPACK_ROWS, EMBED), lambda i: (i, 0))
    spec_out = pl.BlockSpec((REPACK_ROWS, EPAD), lambda i: (i, 0))
    return pl.pallas_call(
        body,
        grid=(grid,),
        in_specs=[spec_in, spec_in],
        out_specs=[spec_out, spec_out],
        out_shape=[jax.ShapeDtypeStruct((NROWS, EPAD), jnp.float32)] * 2,
    )(user_emb, recipe_emb)


def _sc_gather_contract(user_emb, recipe_emb, cat_emb, ubias, rbias,
                        uidx_a, ridx_a, cidx_a):
    mesh = plsc.VectorSubcoreMesh(core_axis_name="c", subcore_axis_name="s")

    @functools.partial(
        pl.kernel,
        out_type=[
            jax.ShapeDtypeStruct((NW, LANES), jnp.float32),
            jax.ShapeDtypeStruct((BATCH,), jnp.float32),
        ],
        mesh=mesh,
        compiler_params=pltpu.CompilerParams(use_tc_tiling_on_sc=True),
        scratch_types=[
            pltpu.VMEM((NCHUNK, CHUNK), jnp.int32),
            pltpu.VMEM((NCHUNK, CHUNK), jnp.int32),
            pltpu.VMEM((NCHUNK, CHUNK), jnp.int32),
            pltpu.VMEM((CHUNK, EPAD), jnp.float32),
            pltpu.VMEM((CHUNK, EPAD), jnp.float32),
            pltpu.VMEM((CHUNK, EPAD), jnp.float32),
            pltpu.VMEM((NCHUNK, CHUNK), jnp.float32),
            pltpu.VMEM((NCHUNK, CHUNK), jnp.float32),
            pltpu.VMEM((NCHUNK, CHUNK), jnp.float32),
            pltpu.VMEM((LANES,), jnp.float32),
            pltpu.SemaphoreType.DMA,
            pltpu.SemaphoreType.DMA,
        ],
    )
    def body(uemb_h, remb_h, cemb_h, ub_h, rb_h, ui_h, ri_h, ci_h,
             part_h, bsum_h,
             uidx, ridx, cidx, urows, rrows, crows, ub, rb, bsum, accv,
             semg, semb):
        wid = lax.axis_index("s") * NC + lax.axis_index("c")
        base = wid * BPW

        for j in range(NCHUNK):
            off = pl.ds(base + j * CHUNK, CHUNK)
            pltpu.sync_copy(ui_h.at[off], uidx.at[j])
            pltpu.sync_copy(ri_h.at[off], ridx.at[j])
            pltpu.sync_copy(ci_h.at[off], cidx.at[j])

        bias_cps = []
        for j in range(NCHUNK):
            bias_cps.append(pltpu.async_copy(ub_h.at[uidx.at[j]], ub.at[j], semb))
            bias_cps.append(pltpu.async_copy(rb_h.at[ridx.at[j]], rb.at[j], semb))

        acc = jnp.zeros((LANES,), jnp.float32)
        for j in range(NCHUNK):
            cu = pltpu.async_copy(uemb_h.at[uidx.at[j]], urows, semg)
            cr = pltpu.async_copy(remb_h.at[ridx.at[j]], rrows, semg)
            cc = pltpu.async_copy(cemb_h.at[cidx.at[j]], crows, semg)
            cu.wait(); cr.wait(); cc.wait()

            def row_body(i, a, _u=urows, _r=rrows, _c=crows):
                for t in range(7):
                    sl = pl.ds(16 * t, LANES)
                    a = a + (_u[i, sl] + _c[i, sl]) * _r[i, sl]
                return a

            acc = lax.fori_loop(0, CHUNK, row_body, acc)

        for cp in bias_cps:
            cp.wait()
        for j in range(NCHUNK):
            for k in range(CHUNK // LANES):
                sl = pl.ds(k * LANES, LANES)
                bsum[j, sl] = ub[j, sl] + rb[j, sl]
            pltpu.sync_copy(bsum.at[j], bsum_h.at[pl.ds(base + j * CHUNK, CHUNK)])

        accv[...] = acc
        pltpu.sync_copy(accv, part_h.at[wid])

    return body(user_emb, recipe_emb, cat_emb, ubias, rbias,
                uidx_a, ridx_a, cidx_a)


def _tc_epilogue(partials, bias_sum_2d):
    def body(part_ref, bsum_ref, out_ref):
        s = jnp.sum(part_ref[...])
        out_ref[...] = jax.nn.sigmoid(bsum_ref[...] + s)

    return pl.pallas_call(
        body,
        out_shape=jax.ShapeDtypeStruct(bias_sum_2d.shape, jnp.float32),
    )(partials, bias_sum_2d)


def kernel(user_emb, user_bias_tbl, recipe_emb, recipe_bias_tbl, cat_emb, inputs):
    idx = inputs.astype(jnp.int32)
    uidx = idx[:, 0]
    ridx = idx[:, 1]
    cidx = idx[:, 2]
    ubias = user_bias_tbl.reshape(-1)
    rbias = recipe_bias_tbl.reshape(-1)

    ue, re_ = _tc_repack(user_emb, recipe_emb)
    ce = jnp.pad(cat_emb, [(0, 0), (0, EPAD - EMBED)])

    partials, bias_sum = _sc_gather_contract(
        ue, re_, ce, ubias, rbias, uidx, ridx, cidx)

    out2d = _tc_epilogue(partials, bias_sum.reshape(128, 128))
    return out2d.reshape(BATCH, 1)

# --- scband reference (transcript-rebuilt; emitter-appended) ---
"""Pipeline reference for scband-recommender-net-37881611551375 (READ-ONLY COPY).

The authoritative reference and input builder live on the scoring server;
editing this copy changes nothing except your own understanding.
"""

import jax, jax.numpy as jnp
import numpy as np

NUM_USERS = 100000
NUM_RECIPES = 100000
NUM_CATEGORIES = 1000
EMBED = 100
BATCH = 16384


def setup_inputs(seed: int = 0) -> dict:
    key = jax.random.key(seed)
    k_u, k_r, k_c, k_ue, k_ub, k_re, k_rb, k_ce = jax.random.split(key, 8)
    users = jax.random.randint(k_u, (BATCH,), 0, NUM_USERS, dtype=jnp.int64 if jax.config.jax_enable_x64 else jnp.int32)
    recipes = jax.random.randint(k_r, (BATCH,), 0, NUM_RECIPES, dtype=users.dtype)
    cats = jax.random.randint(k_c, (BATCH,), 0, NUM_CATEGORIES, dtype=users.dtype)
    inputs = jnp.stack([users, recipes, cats], axis=1)
    # he_normal-ish init for embeddings (stddev = sqrt(2/fan_in)), biases zero-init like keras default uniform ~ small
    user_emb = jax.random.normal(k_ue, (NUM_USERS, EMBED), dtype=jnp.float32) * np.sqrt(2.0 / EMBED)
    user_bias_tbl = jax.random.uniform(k_ub, (NUM_USERS, 1), dtype=jnp.float32, minval=-0.05, maxval=0.05)
    recipe_emb = jax.random.normal(k_re, (NUM_RECIPES, EMBED), dtype=jnp.float32) * np.sqrt(2.0 / EMBED)
    recipe_bias_tbl = jax.random.uniform(k_rb, (NUM_RECIPES, 1), dtype=jnp.float32, minval=-0.05, maxval=0.05)
    cat_emb = jax.random.normal(k_ce, (NUM_CATEGORIES, EMBED), dtype=jnp.float32) * np.sqrt(2.0 / EMBED)
    return {
        "user_emb": user_emb,
        "user_bias_tbl": user_bias_tbl,
        "recipe_emb": recipe_emb,
        "recipe_bias_tbl": recipe_bias_tbl,
        "cat_emb": cat_emb,
        "inputs": inputs,
    }


def reference(user_emb, user_bias_tbl, recipe_emb, recipe_bias_tbl, cat_emb, inputs):
    user_vector = jnp.take(user_emb, inputs[:, 0], axis=0)          # [B, E]
    user_bias = jnp.take(user_bias_tbl, inputs[:, 0], axis=0)       # [B, 1]
    recipe_vector = jnp.take(recipe_emb, inputs[:, 1], axis=0)      # [B, E]
    recipe_bias = jnp.take(recipe_bias_tbl, inputs[:, 1], axis=0)   # [B, 1]
    category_vector = jnp.take(cat_emb, inputs[:, 2], axis=0)       # [B, E]
    # Faithful to tf.tensordot(a, b, 2): full double contraction -> scalar
    dot_user_recipe = jnp.tensordot(user_vector, recipe_vector, 2)
    dot_recipe_category = jnp.tensordot(recipe_vector, category_vector, 2)
    x = dot_user_recipe + dot_recipe_category + user_bias + recipe_bias  # broadcast scalar + [B,1]
    return jax.nn.sigmoid(x)

if __name__ == "__main__":
    import jax
    _d = setup_inputs()
    print(jax.jit(kernel)(*tuple(_d.values())))

</pallas_src>

<mosaic_0001>
#map = affine_map<(d0, d1) -> (0, 0)>
#map1 = affine_map<(d0, d1) -> (0)>
module attributes {stable_mosaic.version = 14 : i64} {
  func.func @body(%arg0: i32, %arg1: i32, %arg2: memref<100000x128xf32, #tpu.memory_space<hbm>>, %arg3: memref<100000x128xf32, #tpu.memory_space<hbm>>, %arg4: memref<1000x128xf32, #tpu.memory_space<hbm>>, %arg5: memref<100000xf32, #tpu.memory_space<hbm>>, %arg6: memref<100000xf32, #tpu.memory_space<hbm>>, %arg7: memref<16384xi32, #tpu.memory_space<hbm>>, %arg8: memref<16384xi32, #tpu.memory_space<hbm>>, %arg9: memref<16384xi32, #tpu.memory_space<hbm>>, %arg10: memref<32x16xf32, #tpu.memory_space<hbm>>, %arg11: memref<16384xf32, #tpu.memory_space<hbm>>, %arg12: memref<4x128xi32, #tpu.memory_space<vmem>>, %arg13: memref<4x128xi32, #tpu.memory_space<vmem>>, %arg14: memref<4x128xi32, #tpu.memory_space<vmem>>, %arg15: memref<128x128xf32, #tpu.memory_space<vmem>>, %arg16: memref<128x128xf32, #tpu.memory_space<vmem>>, %arg17: memref<128x128xf32, #tpu.memory_space<vmem>>, %arg18: memref<4x128xf32, #tpu.memory_space<vmem>>, %arg19: memref<4x128xf32, #tpu.memory_space<vmem>>, %arg20: memref<4x128xf32, #tpu.memory_space<vmem>>, %arg21: memref<16xf32, #tpu.memory_space<vmem>>, %arg22: memref<!tpu.dma_semaphore, #tpu.memory_space<semaphore_mem>>, %arg23: memref<!tpu.dma_semaphore, #tpu.memory_space<semaphore_mem>>) attributes {dimension_semantics = [#tpu.dimension_semantics<core_parallel>, #tpu.dimension_semantics<subcore_parallel>], iteration_bounds = array<i64: 2, 16>, scalar_prefetch = 0 : i64, scratch_operands = 12 : i64, tpu.core_type = #tpu.core_type<sc_vector_subcore>, window_params = [{transform_indices = #map}, {transform_indices = #map}, {transform_indices = #map}, {transform_indices = #map1}, {transform_indices = #map1}, {transform_indices = #map1}, {transform_indices = #map1}, {transform_indices = #map1}, {transform_indices = #map}, {transform_indices = #map1}]} {
    %mul3A = arith.constant 2 : i32
    %mul3A_0 = arith.muli %arg1, %mul3A : i32
    %add3A = arith.addi %mul3A_0, %arg0 : i32
    %mul3A_1 = arith.constant 512 : i32
    %mul3A_2 = arith.muli %add3A, %mul3A_1 : i32
    %add3A_3 = arith.constant 0 : i32
    %add3A_4 = arith.addi %mul3A_2, %add3A_3 : i32
    %run_scoped3A = arith.constant 0 : i32
    "tpu.region"() ({
      %run_scoped3A_930 = tpu.sem_alloc : memref<!tpu.dma_semaphore, #tpu.memory_space<semaphore_mem>>
      %dma_start3A_931 = arith.constant 0 : i32
      %dma_start3A_932 = tpu.memref_slice %arg12[%run_scoped3A, %dma_start3A_931] : memref<4x128xi32, #tpu.memory_space<vmem>> -> memref<1x128xi32, #tpu.memory_space<vmem>>
      %dma_start3A_933 = tpu.memref_squeeze %dma_start3A_932 : memref<1x128xi32, #tpu.memory_space<vmem>> -> memref<128xi32, #tpu.memory_space<vmem>>
      %dma_start3A_934 = tpu.memref_slice %arg7[%add3A_4] : memref<16384xi32, #tpu.memory_space<hbm>> -> memref<128xi32, #tpu.memory_space<hbm>>
      %dma_start3A_935 = arith.constant 0 : i32
      %dma_start3A_936 = tpu.memref_slice %arg12[%run_scoped3A, %dma_start3A_935] : memref<4x128xi32, #tpu.memory_space<vmem>> -> memref<1x128xi32, #tpu.memory_space<vmem>>
      %dma_start3A_937 = tpu.memref_squeeze %dma_start3A_936 : memref<1x128xi32, #tpu.memory_space<vmem>> -> memref<128xi32, #tpu.memory_space<vmem>>
      %dma_start3A_938 = tpu.memref_slice %arg7[%add3A_4] : memref<16384xi32, #tpu.memory_space<hbm>> -> memref<128xi32, #tpu.memory_space<hbm>>
      tpu.enqueue_dma source(%dma_start3A_938 : memref<128xi32, #tpu.memory_space<hbm>>) target(%dma_start3A_937 : memref<128xi32, #tpu.memory_space<vmem>>) target_semaphore(%run_scoped3A_930 : memref<!tpu.dma_semaphore, #tpu.memory_space<semaphore_mem>>)
      %dma_wait3A_939 = arith.constant 0 : i32
      %dma_wait3A_940 = tpu.memref_slice %arg12[%run_scoped3A, %dma_wait3A_939] : memref<4x128xi32, #tpu.memory_space<vmem>> -> memref<1x128xi32, #tpu.memory_space<vmem>>
      %dma_wait3A_941 = tpu.memref_squeeze %dma_wait3A_940 : memref<1x128xi32, #tpu.memory_space<vmem>> -> memref<128xi32, #tpu.memory_space<vmem>>
      %dma_wait3A_942 = tpu.memref_slice %arg7[%add3A_4] : memref<16384xi32, #tpu.memory_space<hbm>> -> memref<128xi32, #tpu.memory_space<hbm>>
      %dma_wait3A_943 = arith.constant 0 : i32
      %dma_wait3A_944 = tpu.memref_slice %arg12[%run_scoped3A, %dma_wait3A_943] : memref<4x128xi32, #tpu.memory_space<vmem>> -> memref<1x128xi32, #tpu.memory_space<vmem>>
      %dma_wait3A_945 = tpu.memref_squeeze %dma_wait3A_944 : memref<1x128xi32, #tpu.memory_space<vmem>> -> memref<128xi32, #tpu.memory_space<vmem>>
      %dma_wait3A_946 = tpu.memref_slice %arg7[%add3A_4] : memref<16384xi32, #tpu.memory_space<hbm>> -> memref<128xi32, #tpu.memory_space<hbm>>
      tpu.wait_dma2 semaphore(%run_scoped3A_930 : memref<!tpu.dma_semaphore, #tpu.memory_space<semaphore_mem>>) src(%dma_wait3A_946 : memref<128xi32, #tpu.memory_space<hbm>>) dst(%dma_wait3A_945 : memref<128xi32, #tpu.memory_space<vmem>>)
      tpu.yield
    }) : () -> ()
    %run_scoped3A_5 = arith.constant 0 : i32
    "tpu.region"() ({
      %run_scoped3A_930 = tpu.sem_alloc : memref<!tpu.dma_semaphore, #tpu.memory_space<semaphore_mem>>
      %dma_start3A_931 = arith.constant 0 : i32
      %dma_start3A_932 = tpu.memref_slice %arg13[%run_scoped3A_5, %dma_start3A_931] : memref<4x128xi32, #tpu.memory_space<vmem>> -> memref<1x128xi32, #tpu.memory_space<vmem>>
      %dma_start3A_933 = tpu.memref_squeeze %dma_start3A_932 : memref<1x128xi32, #tpu.memory_space<vmem>> -> memref<128xi32, #tpu.memory_space<vmem>>
      %dma_start3A_934 = tpu.memref_slice %arg8[%add3A_4] : memref<16384xi32, #tpu.memory_space<hbm>> -> memref<128xi32, #tpu.memory_space<hbm>>
      %dma_start3A_935 = arith.constant 0 : i32
      %dma_start3A_936 = tpu.memref_slice %arg13[%run_scoped3A_5, %dma_start3A_935] : memref<4x128xi32, #tpu.memory_space<vmem>> -> memref<1x128xi32, #tpu.memory_space<vmem>>
      %dma_start3A_937 = tpu.memref_squeeze %dma_start3A_936 : memref<1x128xi32, #tpu.memory_space<vmem>> -> memref<128xi32, #tpu.memory_space<vmem>>
      %dma_start3A_938 = tpu.memref_slice %arg8[%add3A_4] : memref<16384xi32, #tpu.memory_space<hbm>> -> memref<128xi32, #tpu.memory_space<hbm>>
      tpu.enqueue_dma source(%dma_start3A_938 : memref<128xi32, #tpu.memory_space<hbm>>) target(%dma_start3A_937 : memref<128xi32, #tpu.memory_space<vmem>>) target_semaphore(%run_scoped3A_930 : memref<!tpu.dma_semaphore, #tpu.memory_space<semaphore_mem>>)
      %dma_wait3A_939 = arith.constant 0 : i32
      %dma_wait3A_940 = tpu.memref_slice %arg13[%run_scoped3A_5, %dma_wait3A_939] : memref<4x128xi32, #tpu.memory_space<vmem>> -> memref<1x128xi32, #tpu.memory_space<vmem>>
      %dma_wait3A_941 = tpu.memref_squeeze %dma_wait3A_940 : memref<1x128xi32, #tpu.memory_space<vmem>> -> memref<128xi32, #tpu.memory_space<vmem>>
      %dma_wait3A_942 = tpu.memref_slice %arg8[%add3A_4] : memref<16384xi32, #tpu.memory_space<hbm>> -> memref<128xi32, #tpu.memory_space<hbm>>
      %dma_wait3A_943 = arith.constant 0 : i32
      %dma_wait3A_944 = tpu.memref_slice %arg13[%run_scoped3A_5, %dma_wait3A_943] : memref<4x128xi32, #tpu.memory_space<vmem>> -> memref<1x128xi32, #tpu.memory_space<vmem>>
      %dma_wait3A_945 = tpu.memref_squeeze %dma_wait3A_944 : memref<1x128xi32, #tpu.memory_space<vmem>> -> memref<128xi32, #tpu.memory_space<vmem>>
      %dma_wait3A_946 = tpu.memref_slice %arg8[%add3A_4] : memref<16384xi32, #tpu.memory_space<hbm>> -> memref<128xi32, #tpu.memory_space<hbm>>
      tpu.wait_dma2 semaphore(%run_scoped3A_930 : memref<!tpu.dma_semaphore, #tpu.memory_space<semaphore_mem>>) src(%dma_wait3A_946 : memref<128xi32, #tpu.memory_space<hbm>>) dst(%dma_wait3A_945 : memref<128xi32, #tpu.memory_space<vmem>>)
      tpu.yield
    }) : () -> ()
    %run_scoped3A_6 = arith.constant 0 : i32
    "tpu.region"() ({
      %run_scoped3A_930 = tpu.sem_alloc : memref<!tpu.dma_semaphore, #tpu.memory_space<semaphore_mem>>
      %dma_start3A_931 = arith.constant 0 : i32
      %dma_start3A_932 = tpu.memref_slice %arg14[%run_scoped3A_6, %dma_start3A_931] : memref<4x128xi32, #tpu.memory_space<vmem>> -> memref<1x128xi32, #tpu.memory_space<vmem>>
      %dma_start3A_933 = tpu.memref_squeeze %dma_start3A_932 : memref<1x128xi32, #tpu.memory_space<vmem>> -> memref<128xi32, #tpu.memory_space<vmem>>
      %dma_start3A_934 = tpu.memref_slice %arg9[%add3A_4] : memref<16384xi32, #tpu.memory_space<hbm>> -> memref<128xi32, #tpu.memory_space<hbm>>
      %dma_start3A_935 = arith.constant 0 : i32
      %dma_start3A_936 = tpu.memref_slice %arg14[%run_scoped3A_6, %dma_start3A_935] : memref<4x128xi32, #tpu.memory_space<vmem>> -> memref<1x128xi32, #tpu.memory_space<vmem>>
      %dma_start3A_937 = tpu.memref_squeeze %dma_start3A_936 : memref<1x128xi32, #tpu.memory_space<vmem>> -> memref<128xi32, #tpu.memory_space<vmem>>
      %dma_start3A_938 = tpu.memref_slice %arg9[%add3A_4] : memref<16384xi32, #tpu.memory_space<hbm>> -> memref<128xi32, #tpu.memory_space<hbm>>
      tpu.enqueue_dma source(%dma_start3A_938 : memref<128xi32, #tpu.memory_space<hbm>>) target(%dma_start3A_937 : memref<128xi32, #tpu.memory_space<vmem>>) target_semaphore(%run_scoped3A_930 : memref<!tpu.dma_semaphore, #tpu.memory_space<semaphore_mem>>)
      %dma_wait3A_939 = arith.constant 0 : i32
      %dma_wait3A_940 = tpu.memref_slice %arg14[%run_scoped3A_6, %dma_wait3A_939] : memref<4x128xi32, #tpu.memory_space<vmem>> -> memref<1x128xi32, #tpu.memory_space<vmem>>
      %dma_wait3A_941 = tpu.memref_squeeze %dma_wait3A_940 : memref<1x128xi32, #tpu.memory_space<vmem>> -> memref<128xi32, #tpu.memory_space<vmem>>
      %dma_wait3A_942 = tpu.memref_slice %arg9[%add3A_4] : memref<16384xi32, #tpu.memory_space<hbm>> -> memref<128xi32, #tpu.memory_space<hbm>>
      %dma_wait3A_943 = arith.constant 0 : i32
      %dma_wait3A_944 = tpu.memref_slice %arg14[%run_scoped3A_6, %dma_wait3A_943] : memref<4x128xi32, #tpu.memory_space<vmem>> -> memref<1x128xi32, #tpu.memory_space<vmem>>
      %dma_wait3A_945 = tpu.memref_squeeze %dma_wait3A_944 : memref<1x128xi32, #tpu.memory_space<vmem>> -> memref<128xi32, #tpu.memory_space<vmem>>
      %dma_wait3A_946 = tpu.memref_slice %arg9[%add3A_4] : memref<16384xi32, #tpu.memory_space<hbm>> -> memref<128xi32, #tpu.memory_space<hbm>>
      tpu.wait_dma2 semaphore(%run_scoped3A_930 : memref<!tpu.dma_semaphore, #tpu.memory_space<semaphore_mem>>) src(%dma_wait3A_946 : memref<128xi32, #tpu.memory_space<hbm>>) dst(%dma_wait3A_945 : memref<128xi32, #tpu.memory_space<vmem>>)
      tpu.yield
    }) : () -> ()
    %add3A_7 = arith.constant 128 : i32
    %add3A_8 = arith.addi %mul3A_2, %add3A_7 : i32
    %run_scoped3A_9 = arith.constant 1 : i32
    "tpu.region"() ({
      %run_scoped3A_930 = tpu.sem_alloc : memref<!tpu.dma_semaphore, #tpu.memory_space<semaphore_mem>>
      %dma_start3A_931 = arith.constant 0 : i32
      %dma_start3A_932 = tpu.memref_slice %arg12[%run_scoped3A_9, %dma_start3A_931] : memref<4x128xi32, #tpu.memory_space<vmem>> -> memref<1x128xi32, #tpu.memory_space<vmem>>
      %dma_start3A_933 = tpu.memref_squeeze %dma_start3A_932 : memref<1x128xi32, #tpu.memory_space<vmem>> -> memref<128xi32, #tpu.memory_space<vmem>>
      %dma_start3A_934 = tpu.memref_slice %arg7[%add3A_8] : memref<16384xi32, #tpu.memory_space<hbm>> -> memref<128xi32, #tpu.memory_space<hbm>>
      %dma_start3A_935 = arith.constant 0 : i32
      %dma_start3A_936 = tpu.memref_slice %arg12[%run_scoped3A_9, %dma_start3A_935] : memref<4x128xi32, #tpu.memory_space<vmem>> -> memref<1x128xi32, #tpu.memory_space<vmem>>
      %dma_start3A_937 = tpu.memref_squeeze %dma_start3A_936 : memref<1x128xi32, #tpu.memory_space<vmem>> -> memref<128xi32, #tpu.memory_space<vmem>>
      %dma_start3A_938 = tpu.memref_slice %arg7[%add3A_8] : memref<16384xi32, #tpu.memory_space<hbm>> -> memref<128xi32, #tpu.memory_space<hbm>>
      tpu.enqueue_dma source(%dma_start3A_938 : memref<128xi32, #tpu.memory_space<hbm>>) target(%dma_start3A_937 : memref<128xi32, #tpu.memory_space<vmem>>) target_semaphore(%run_scoped3A_930 : memref<!tpu.dma_semaphore, #tpu.memory_space<semaphore_mem>>)
      %dma_wait3A_939 = arith.constant 0 : i32
      %dma_wait3A_940 = tpu.memref_slice %arg12[%run_scoped3A_9, %dma_wait3A_939] : memref<4x128xi32, #tpu.memory_space<vmem>> -> memref<1x128xi32, #tpu.memory_space<vmem>>
      %dma_wait3A_941 = tpu.memref_squeeze %dma_wait3A_940 : memref<1x128xi32, #tpu.memory_space<vmem>> -> memref<128xi32, #tpu.memory_space<vmem>>
      %dma_wait3A_942 = tpu.memref_slice %arg7[%add3A_8] : memref<16384xi32, #tpu.memory_space<hbm>> -> memref<128xi32, #tpu.memory_space<hbm>>
      %dma_wait3A_943 = arith.constant 0 : i32
      %dma_wait3A_944 = tpu.memref_slice %arg12[%run_scoped3A_9, %dma_wait3A_943] : memref<4x128xi32, #tpu.memory_space<vmem>> -> memref<1x128xi32, #tpu.memory_space<vmem>>
      %dma_wait3A_945 = tpu.memref_squeeze %dma_wait3A_944 : memref<1x128xi32, #tpu.memory_space<vmem>> -> memref<128xi32, #tpu.memory_space<vmem>>
      %dma_wait3A_946 = tpu.memref_slice %arg7[%add3A_8] : memref<16384xi32, #tpu.memory_space<hbm>> -> memref<128xi32, #tpu.memory_space<hbm>>
      tpu.wait_dma2 semaphore(%run_scoped3A_930 : memref<!tpu.dma_semaphore, #tpu.memory_space<semaphore_mem>>) src(%dma_wait3A_946 : memref<128xi32, #tpu.memory_space<hbm>>) dst(%dma_wait3A_945 : memref<128xi32, #tpu.memory_space<vmem>>)
      tpu.yield
    }) : () -> ()
    %run_scoped3A_10 = arith.constant 1 : i32
    "tpu.region"() ({
      %run_scoped3A_930 = tpu.sem_alloc : memref<!tpu.dma_semaphore, #tpu.memory_space<semaphore_mem>>
      %dma_start3A_931 = arith.constant 0 : i32
      %dma_start3A_932 = tpu.memref_slice %arg13[%run_scoped3A_10, %dma_start3A_931] : memref<4x128xi32, #tpu.memory_space<vmem>> -> memref<1x128xi32, #tpu.memory_space<vmem>>
      %dma_start3A_933 = tpu.memref_squeeze %dma_start3A_932 : memref<1x128xi32, #tpu.memory_space<vmem>> -> memref<128xi32, #tpu.memory_space<vmem>>
      %dma_start3A_934 = tpu.memref_slice %arg8[%add3A_8] : memref<16384xi32, #tpu.memory_space<hbm>> -> memref<128xi32, #tpu.memory_space<hbm>>
      %dma_start3A_935 = arith.constant 0 : i32
      %dma_start3A_936 = tpu.memref_slice %arg13[%run_scoped3A_10, %dma_start3A_935] : memref<4x128xi32, #tpu.memory_space<vmem>> -> memref<1x128xi32, #tpu.memory_space<vmem>>
      %dma_start3A_937 = tpu.memref_squeeze %dma_start3A_936 : memref<1x128xi32, #tpu.memory_space<vmem>> -> memref<128xi32, #tpu.memory_space<vmem>>
      %dma_start3A_938 = tpu.memref_slice %arg8[%add3A_8] : memref<16384xi32, #tpu.memory_space<hbm>> -> memref<128xi32, #tpu.memory_space<hbm>>
      tpu.enqueue_dma source(%dma_start3A_938 : memref<128xi32, #tpu.memory_space<hbm>>) target(%dma_start3A_937 : memref<128xi32, #tpu.memory_space<vmem>>) target_semaphore(%run_scoped3A_930 : memref<!tpu.dma_semaphore, #tpu.memory_space<semaphore_mem>>)
      %dma_wait3A_939 = arith.constant 0 : i32
      %dma_wait3A_940 = tpu.memref_slice %arg13[%run_scoped3A_10, %dma_wait3A_939] : memref<4x128xi32, #tpu.memory_space<vmem>> -> memref<1x128xi32, #tpu.memory_space<vmem>>
      %dma_wait3A_941 = tpu.memref_squeeze %dma_wait3A_940 : memref<1x128xi32, #tpu.memory_space<vmem>> -> memref<128xi32, #tpu.memory_space<vmem>>
      %dma_wait3A_942 = tpu.memref_slice %arg8[%add3A_8] : memref<16384xi32, #tpu.memory_space<hbm>> -> memref<128xi32, #tpu.memory_space<hbm>>
      %dma_wait3A_943 = arith.constant 0 : i32
      %dma_wait3A_944 = tpu.memref_slice %arg13[%run_scoped3A_10, %dma_wait3A_943] : memref<4x128xi32, #tpu.memory_space<vmem>> -> memref<1x128xi32, #tpu.memory_space<vmem>>
      %dma_wait3A_945 = tpu.memref_squeeze %dma_wait3A_944 : memref<1x128xi32, #tpu.memory_space<vmem>> -> memref<128xi32, #tpu.memory_space<vmem>>
      %dma_wait3A_946 = tpu.memref_slice %arg8[%add3A_8] : memref<16384xi32, #tpu.memory_space<hbm>> -> memref<128xi32, #tpu.memory_space<hbm>>
      tpu.wait_dma2 semaphore(%run_scoped3A_930 : memref<!tpu.dma_semaphore, #tpu.memory_space<semaphore_mem>>) src(%dma_wait3A_946 : memref<128xi32, #tpu.memory_space<hbm>>) dst(%dma_wait3A_945 : memref<128xi32, #tpu.memory_space<vmem>>)
      tpu.yield
    }) : () -> ()
    %run_scoped3A_11 = arith.constant 1 : i32
    "tpu.region"() ({
      %run_scoped3A_930 = tpu.sem_alloc : memref<!tpu.dma_semaphore, #tpu.memory_space<semaphore_mem>>
      %dma_start3A_931 = arith.constant 0 : i32
      %dma_start3A_932 = tpu.memref_slice %arg14[%run_scoped3A_11, %dma_start3A_931] : memref<4x128xi32, #tpu.memory_space<vmem>> -> memref<1x128xi32, #tpu.memory_space<vmem>>
      %dma_start3A_933 = tpu.memref_squeeze %dma_start3A_932 : memref<1x128xi32, #tpu.memory_space<vmem>> -> memref<128xi32, #tpu.memory_space<vmem>>
      %dma_start3A_934 = tpu.memref_slice %arg9[%add3A_8] : memref<16384xi32, #tpu.memory_space<hbm>> -> memref<128xi32, #tpu.memory_space<hbm>>
      %dma_start3A_935 = arith.constant 0 : i32
      %dma_start3A_936 = tpu.memref_slice %arg14[%run_scoped3A_11, %dma_start3A_935] : memref<4x128xi32, #tpu.memory_space<vmem>> -> memref<1x128xi32, #tpu.memory_space<vmem>>
      %dma_start3A_937 = tpu.memref_squeeze %dma_start3A_936 : memref<1x128xi32, #tpu.memory_space<vmem>> -> memref<128xi32, #tpu.memory_space<vmem>>
      %dma_start3A_938 = tpu.memref_slice %arg9[%add3A_8] : memref<16384xi32, #tpu.memory_space<hbm>> -> memref<128xi32, #tpu.memory_space<hbm>>
      tpu.enqueue_dma source(%dma_start3A_938 : memref<128xi32, #tpu.memory_space<hbm>>) target(%dma_start3A_937 : memref<128xi32, #tpu.memory_space<vmem>>) target_semaphore(%run_scoped3A_930 : memref<!tpu.dma_semaphore, #tpu.memory_space<semaphore_mem>>)
      %dma_wait3A_939 = arith.constant 0 : i32
      %dma_wait3A_940 = tpu.memref_slice %arg14[%run_scoped3A_11, %dma_wait3A_939] : memref<4x128xi32, #tpu.memory_space<vmem>> -> memref<1x128xi32, #tpu.memory_space<vmem>>
      %dma_wait3A_941 = tpu.memref_squeeze %dma_wait3A_940 : memref<1x128xi32, #tpu.memory_space<vmem>> -> memref<128xi32, #tpu.memory_space<vmem>>
      %dma_wait3A_942 = tpu.memref_slice %arg9[%add3A_8] : memref<16384xi32, #tpu.memory_space<hbm>> -> memref<128xi32, #tpu.memory_space<hbm>>
      %dma_wait3A_943 = arith.constant 0 : i32
      %dma_wait3A_944 = tpu.memref_slice %arg14[%run_scoped3A_11, %dma_wait3A_943] : memref<4x128xi32, #tpu.memory_space<vmem>> -> memref<1x128xi32, #tpu.memory_space<vmem>>
      %dma_wait3A_945 = tpu.memref_squeeze %dma_wait3A_944 : memref<1x128xi32, #tpu.memory_space<vmem>> -> memref<128xi32, #tpu.memory_space<vmem>>
      %dma_wait3A_946 = tpu.memref_slice %arg9[%add3A_8] : memref<16384xi32, #tpu.memory_space<hbm>> -> memref<128xi32, #tpu.memory_space<hbm>>
      tpu.wait_dma2 semaphore(%run_scoped3A_930 : memref<!tpu.dma_semaphore, #tpu.memory_space<semaphore_mem>>) src(%dma_wait3A_946 : memref<128xi32, #tpu.memory_space<hbm>>) dst(%dma_wait3A_945 : memref<128xi32, #tpu.memory_space<vmem>>)
      tpu.yield
    }) : () -> ()
    %add3A_12 = arith.constant 256 : i32
    %add3A_13 = arith.addi %mul3A_2, %add3A_12 : i32
    %run_scoped3A_14 = arith.constant 2 : i32
    "tpu.region"() ({
      %run_scoped3A_930 = tpu.sem_alloc : memref<!tpu.dma_semaphore, #tpu.memory_space<semaphore_mem>>
      %dma_start3A_931 = arith.constant 0 : i32
      %dma_start3A_932 = tpu.memref_slice %arg12[%run_scoped3A_14, %dma_start3A_931] : memref<4x128xi32, #tpu.memory_space<vmem>> -> memref<1x128xi32, #tpu.memory_space<vmem>>
      %dma_start3A_933 = tpu.memref_squeeze %dma_start3A_932 : memref<1x128xi32, #tpu.memory_space<vmem>> -> memref<128xi32, #tpu.memory_space<vmem>>
      %dma_start3A_934 = tpu.memref_slice %arg7[%add3A_13] : memref<16384xi32, #tpu.memory_space<hbm>> -> memref<128xi32, #tpu.memory_space<hbm>>
      %dma_start3A_935 = arith.constant 0 : i32
      %dma_start3A_936 = tpu.memref_slice %arg12[%run_scoped3A_14, %dma_start3A_935] : memref<4x128xi32, #tpu.memory_space<vmem>> -> memref<1x128xi32, #tpu.memory_space<vmem>>
      %dma_start3A_937 = tpu.memref_squeeze %dma_start3A_936 : memref<1x128xi32, #tpu.memory_space<vmem>> -> memref<128xi32, #tpu.memory_space<vmem>>
      %dma_start3A_938 = tpu.memref_slice %arg7[%add3A_13] : memref<16384xi32, #tpu.memory_space<hbm>> -> memref<128xi32, #tpu.memory_space<hbm>>
      tpu.enqueue_dma source(%dma_start3A_938 : memref<128xi32, #tpu.memory_space<hbm>>) target(%dma_start3A_937 : memref<128xi32, #tpu.memory_space<vmem>>) target_semaphore(%run_scoped3A_930 : memref<!tpu.dma_semaphore, #tpu.memory_space<semaphore_mem>>)
      %dma_wait3A_939 = arith.constant 0 : i32
      %dma_wait3A_940 = tpu.memref_slice %arg12[%run_scoped3A_14, %dma_wait3A_939] : memref<4x128xi32, #tpu.memory_space<vmem>> -> memref<1x128xi32, #tpu.memory_space<vmem>>
      %dma_wait3A_941 = tpu.memref_squeeze %dma_wait3A_940 : memref<1x128xi32, #tpu.memory_space<vmem>> -> memref<128xi32, #tpu.memory_space<vmem>>
      %dma_wait3A_942 = tpu.memref_slice %arg7[%add3A_13] : memref<16384xi32, #tpu.memory_space<hbm>> -> memref<128xi32, #tpu.memory_space<hbm>>
      %dma_wait3A_943 = arith.constant 0 : i32
      %dma_wait3A_944 = tpu.memref_slice %arg12[%run_scoped3A_14, %dma_wait3A_943] : memref<4x128xi32, #tpu.memory_space<vmem>> -> memref<1x128xi32, #tpu.memory_space<vmem>>
      %dma_wait3A_945 = tpu.memref_squeeze %dma_wait3A_944 : memref<1x128xi32, #tpu.memory_space<vmem>> -> memref<128xi32, #tpu.memory_space<vmem>>
      %dma_wait3A_946 = tpu.memref_slice %arg7[%add3A_13] : memref<16384xi32, #tpu.memory_space<hbm>> -> memref<128xi32, #tpu.memory_space<hbm>>
      tpu.wait_dma2 semaphore(%run_scoped3A_930 : memref<!tpu.dma_semaphore, #tpu.memory_space<semaphore_mem>>) src(%dma_wait3A_946 : memref<128xi32, #tpu.memory_space<hbm>>) dst(%dma_wait3A_945 : memref<128xi32, #tpu.memory_space<vmem>>)
      tpu.yield
    }) : () -> ()
    %run_scoped3A_15 = arith.constant 2 : i32
    "tpu.region"() ({
      %run_scoped3A_930 = tpu.sem_alloc : memref<!tpu.dma_semaphore, #tpu.memory_space<semaphore_mem>>
      %dma_start3A_931 = arith.constant 0 : i32
      %dma_start3A_932 = tpu.memref_slice %arg13[%run_scoped3A_15, %dma_start3A_931] : memref<4x128xi32, #tpu.memory_space<vmem>> -> memref<1x128xi32, #tpu.memory_space<vmem>>
      %dma_start3A_933 = tpu.memref_squeeze %dma_start3A_932 : memref<1x128xi32, #tpu.memory_space<vmem>> -> memref<128xi32, #tpu.memory_space<vmem>>
      %dma_start3A_934 = tpu.memref_slice %arg8[%add3A_13] : memref<16384xi32, #tpu.memory_space<hbm>> -> memref<128xi32, #tpu.memory_space<hbm>>
      %dma_start3A_935 = arith.constant 0 : i32
      %dma_start3A_936 = tpu.memref_slice %arg13[%run_scoped3A_15, %dma_start3A_935] : memref<4x128xi32, #tpu.memory_space<vmem>> -> memref<1x128xi32, #tpu.memory_space<vmem>>
      %dma_start3A_937 = tpu.memref_squeeze %dma_start3A_936 : memref<1x128xi32, #tpu.memory_space<vmem>> -> memref<128xi32, #tpu.memory_space<vmem>>
      %dma_start3A_938 = tpu.memref_slice %arg8[%add3A_13] : memref<16384xi32, #tpu.memory_space<hbm>> -> memref<128xi32, #tpu.memory_space<hbm>>
      tpu.enqueue_dma source(%dma_start3A_938 : memref<128xi32, #tpu.memory_space<hbm>>) target(%dma_start3A_937 : memref<128xi32, #tpu.memory_space<vmem>>) target_semaphore(%run_scoped3A_930 : memref<!tpu.dma_semaphore, #tpu.memory_space<semaphore_mem>>)
      %dma_wait3A_939 = arith.constant 0 : i32
      %dma_wait3A_940 = tpu.memref_slice %arg13[%run_scoped3A_15, %dma_wait3A_939] : memref<4x128xi32, #tpu.memory_space<vmem>> -> memref<1x128xi32, #tpu.memory_space<vmem>>
      %dma_wait3A_941 = tpu.memref_squeeze %dma_wait3A_940 : memref<1x128xi32, #tpu.memory_space<vmem>> -> memref<128xi32, #tpu.memory_space<vmem>>
      %dma_wait3A_942 = tpu.memref_slice %arg8[%add3A_13] : memref<16384xi32, #tpu.memory_space<hbm>> -> memref<128xi32, #tpu.memory_space<hbm>>
      %dma_wait3A_943 = arith.constant 0 : i32
      %dma_wait3A_944 = tpu.memref_slice %arg13[%run_scoped3A_15, %dma_wait3A_943] : memref<4x128xi32, #tpu.memory_space<vmem>> -> memref<1x128xi32, #tpu.memory_space<vmem>>
      %dma_wait3A_945 = tpu.memref_squeeze %dma_wait3A_944 : memref<1x128xi32, #tpu.memory_space<vmem>> -> memref<128xi32, #tpu.memory_space<vmem>>
      %dma_wait3A_946 = tpu.memref_slice %arg8[%add3A_13] : memref<16384xi32, #tpu.memory_space<hbm>> -> memref<128xi32, #tpu.memory_space<hbm>>
      tpu.wait_dma2 semaphore(%run_scoped3A_930 : memref<!tpu.dma_semaphore, #tpu.memory_space<semaphore_mem>>) src(%dma_wait3A_946 : memref<128xi32, #tpu.memory_space<hbm>>) dst(%dma_wait3A_945 : memref<128xi32, #tpu.memory_space<vmem>>)
      tpu.yield
    }) : () -> ()
    %run_scoped3A_16 = arith.constant 2 : i32
    "tpu.region"() ({
      %run_scoped3A_930 = tpu.sem_alloc : memref<!tpu.dma_semaphore, #tpu.memory_space<semaphore_mem>>
      %dma_start3A_931 = arith.constant 0 : i32
      %dma_start3A_932 = tpu.memref_slice %arg14[%run_scoped3A_16, %dma_start3A_931] : memref<4x128xi32, #tpu.memory_space<vmem>> -> memref<1x128xi32, #tpu.memory_space<vmem>>
      %dma_start3A_933 = tpu.memref_squeeze %dma_start3A_932 : memref<1x128xi32, #tpu.memory_space<vmem>> -> memref<128xi32, #tpu.memory_space<vmem>>
      %dma_start3A_934 = tpu.memref_slice %arg9[%add3A_13] : memref<16384xi32, #tpu.memory_space<hbm>> -> memref<128xi32, #tpu.memory_space<hbm>>
      %dma_start3A_935 = arith.constant 0 : i32
      %dma_start3A_936 = tpu.memref_slice %arg14[%run_scoped3A_16, %dma_start3A_935] : memref<4x128xi32, #tpu.memory_space<vmem>> -> memref<1x128xi32, #tpu.memory_space<vmem>>
      %dma_start3A_937 = tpu.memref_squeeze %dma_start3A_936 : memref<1x128xi32, #tpu.memory_space<vmem>> -> memref<128xi32, #tpu.memory_space<vmem>>
      %dma_start3A_938 = tpu.memref_slice %arg9[%add3A_13] : memref<16384xi32, #tpu.memory_space<hbm>> -> memref<128xi32, #tpu.memory_space<hbm>>
      tpu.enqueue_dma source(%dma_start3A_938 : memref<128xi32, #tpu.memory_space<hbm>>) target(%dma_start3A_937 : memref<128xi32, #tpu.memory_space<vmem>>) target_semaphore(%run_scoped3A_930 : memref<!tpu.dma_semaphore, #tpu.memory_space<semaphore_mem>>)
      %dma_wait3A_939 = arith.constant 0 : i32
      %dma_wait3A_940 = tpu.memref_slice %arg14[%run_scoped3A_16, %dma_wait3A_939] : memref<4x128xi32, #tpu.memory_space<vmem>> -> memref<1x128xi32, #tpu.memory_space<vmem>>
      %dma_wait3A_941 = tpu.memref_squeeze %dma_wait3A_940 : memref<1x128xi32, #tpu.memory_space<vmem>> -> memref<128xi32, #tpu.memory_space<vmem>>
      %dma_wait3A_942 = tpu.memref_slice %arg9[%add3A_13] : memref<16384xi32, #tpu.memory_space<hbm>> -> memref<128xi32, #tpu.memory_space<hbm>>
      %dma_wait3A_943 = arith.constant 0 : i32
      %dma_wait3A_944 = tpu.memref_slice %arg14[%run_scoped3A_16, %dma_wait3A_943] : memref<4x128xi32, #tpu.memory_space<vmem>> -> memref<1x128xi32, #tpu.memory_space<vmem>>
      %dma_wait3A_945 = tpu.memref_squeeze %dma_wait3A_944 : memref<1x128xi32, #tpu.memory_space<vmem>> -> memref<128xi32, #tpu.memory_space<vmem>>
      %dma_wait3A_946 = tpu.memref_slice %arg9[%add3A_13] : memref<16384xi32, #tpu.memory_space<hbm>> -> memref<128xi32, #tpu.memory_space<hbm>>
      tpu.wait_dma2 semaphore(%run_scoped3A_930 : memref<!tpu.dma_semaphore, #tpu.memory_space<semaphore_mem>>) src(%dma_wait3A_946 : memref<128xi32, #tpu.memory_space<hbm>>) dst(%dma_wait3A_945 : memref<128xi32, #tpu.memory_space<vmem>>)
      tpu.yield
    }) : () -> ()
    %add3A_17 = arith.constant 384 : i32
    %add3A_18 = arith.addi %mul3A_2, %add3A_17 : i32
    %run_scoped3A_19 = arith.constant 3 : i32
    "tpu.region"() ({
      %run_scoped3A_930 = tpu.sem_alloc : memref<!tpu.dma_semaphore, #tpu.memory_space<semaphore_mem>>
      %dma_start3A_931 = arith.constant 0 : i32
      %dma_start3A_932 = tpu.memref_slice %arg12[%run_scoped3A_19, %dma_start3A_931] : memref<4x128xi32, #tpu.memory_space<vmem>> -> memref<1x128xi32, #tpu.memory_space<vmem>>
      %dma_start3A_933 = tpu.memref_squeeze %dma_start3A_932 : memref<1x128xi32, #tpu.memory_space<vmem>> -> memref<128xi32, #tpu.memory_space<vmem>>
      %dma_start3A_934 = tpu.memref_slice %arg7[%add3A_18] : memref<16384xi32, #tpu.memory_space<hbm>> -> memref<128xi32, #tpu.memory_space<hbm>>
      %dma_start3A_935 = arith.constant 0 : i32
      %dma_start3A_936 = tpu.memref_slice %arg12[%run_scoped3A_19, %dma_start3A_935] : memref<4x128xi32, #tpu.memory_space<vmem>> -> memref<1x128xi32, #tpu.memory_space<vmem>>
      %dma_start3A_937 = tpu.memref_squeeze %dma_start3A_936 : memref<1x128xi32, #tpu.memory_space<vmem>> -> memref<128xi32, #tpu.memory_space<vmem>>
      %dma_start3A_938 = tpu.memref_slice %arg7[%add3A_18] : memref<16384xi32, #tpu.memory_space<hbm>> -> memref<128xi32, #tpu.memory_space<hbm>>
      tpu.enqueue_dma source(%dma_start3A_938 : memref<128xi32, #tpu.memory_space<hbm>>) target(%dma_start3A_937 : memref<128xi32, #tpu.memory_space<vmem>>) target_semaphore(%run_scoped3A_930 : memref<!tpu.dma_semaphore, #tpu.memory_space<semaphore_mem>>)
      %dma_wait3A_939 = arith.constant 0 : i32
      %dma_wait3A_940 = tpu.memref_slice %arg12[%run_scoped3A_19, %dma_wait3A_939] : memref<4x128xi32, #tpu.memory_space<vmem>> -> memref<1x128xi32, #tpu.memory_space<vmem>>
      %dma_wait3A_941 = tpu.memref_squeeze %dma_wait3A_940 : memref<1x128xi32, #tpu.memory_space<vmem>> -> memref<128xi32, #tpu.memory_space<vmem>>
      %dma_wait3A_942 = tpu.memref_slice %arg7[%add3A_18] : memref<16384xi32, #tpu.memory_space<hbm>> -> memref<128xi32, #tpu.memory_space<hbm>>
      %dma_wait3A_943 = arith.constant 0 : i32
      %dma_wait3A_944 = tpu.memref_slice %arg12[%run_scoped3A_19, %dma_wait3A_943] : memref<4x128xi32, #tpu.memory_space<vmem>> -> memref<1x128xi32, #tpu.memory_space<vmem>>
      %dma_wait3A_945 = tpu.memref_squeeze %dma_wait3A_944 : memref<1x128xi32, #tpu.memory_space<vmem>> -> memref<128xi32, #tpu.memory_space<vmem>>
      %dma_wait3A_946 = tpu.memref_slice %arg7[%add3A_18] : memref<16384xi32, #tpu.memory_space<hbm>> -> memref<128xi32, #tpu.memory_space<hbm>>
      tpu.wait_dma2 semaphore(%run_scoped3A_930 : memref<!tpu.dma_semaphore, #tpu.memory_space<semaphore_mem>>) src(%dma_wait3A_946 : memref<128xi32, #tpu.memory_space<hbm>>) dst(%dma_wait3A_945 : memref<128xi32, #tpu.memory_space<vmem>>)
      tpu.yield
    }) : () -> ()
    %run_scoped3A_20 = arith.constant 3 : i32
    "tpu.region"() ({
      %run_scoped3A_930 = tpu.sem_alloc : memref<!tpu.dma_semaphore, #tpu.memory_space<semaphore_mem>>
      %dma_start3A_931 = arith.constant 0 : i32
      %dma_start3A_932 = tpu.memref_slice %arg13[%run_scoped3A_20, %dma_start3A_931] : memref<4x128xi32, #tpu.memory_space<vmem>> -> memref<1x128xi32, #tpu.memory_space<vmem>>
      %dma_start3A_933 = tpu.memref_squeeze %dma_start3A_932 : memref<1x128xi32, #tpu.memory_space<vmem>> -> memref<128xi32, #tpu.memory_space<vmem>>
      %dma_start3A_934 = tpu.memref_slice %arg8[%add3A_18] : memref<16384xi32, #tpu.memory_space<hbm>> -> memref<128xi32, #tpu.memory_space<hbm>>
      %dma_start3A_935 = arith.constant 0 : i32
      %dma_start3A_936 = tpu.memref_slice %arg13[%run_scoped3A_20, %dma_start3A_935] : memref<4x128xi32, #tpu.memory_space<vmem>> -> memref<1x128xi32, #tpu.memory_space<vmem>>
      %dma_start3A_937 = tpu.memref_squeeze %dma_start3A_936 : memref<1x128xi32, #tpu.memory_space<vmem>> -> memref<128xi32, #tpu.memory_space<vmem>>
      %dma_start3A_938 = tpu.memref_slice %arg8[%add3A_18] : memref<16384xi32, #tpu.memory_space<hbm>> -> memref<128xi32, #tpu.memory_space<hbm>>
      tpu.enqueue_dma source(%dma_start3A_938 : memref<128xi32, #tpu.memory_space<hbm>>) target(%dma_start3A_937 : memref<128xi32, #tpu.memory_space<vmem>>) target_semaphore(%run_scoped3A_930 : memref<!tpu.dma_semaphore, #tpu.memory_space<semaphore_mem>>)
      %dma_wait3A_939 = arith.constant 0 : i32
      %dma_wait3A_940 = tpu.memref_slice %arg13[%run_scoped3A_20, %dma_wait3A_939] : memref<4x128xi32, #tpu.memory_space<vmem>> -> memref<1x128xi32, #tpu.memory_space<vmem>>
      %dma_wait3A_941 = tpu.memref_squeeze %dma_wait3A_940 : memref<1x128xi32, #tpu.memory_space<vmem>> -> memref<128xi32, #tpu.memory_space<vmem>>
      %dma_wait3A_942 = tpu.memref_slice %arg8[%add3A_18] : memref<16384xi32, #tpu.memory_space<hbm>> -> memref<128xi32, #tpu.memory_space<hbm>>
      %dma_wait3A_943 = arith.constant 0 : i32
      %dma_wait3A_944 = tpu.memref_slice %arg13[%run_scoped3A_20, %dma_wait3A_943] : memref<4x128xi32, #tpu.memory_space<vmem>> -> memref<1x128xi32, #tpu.memory_space<vmem>>
      %dma_wait3A_945 = tpu.memref_squeeze %dma_wait3A_944 : memref<1x128xi32, #tpu.memory_space<vmem>> -> memref<128xi32, #tpu.memory_space<vmem>>
      %dma_wait3A_946 = tpu.memref_slice %arg8[%add3A_18] : memref<16384xi32, #tpu.memory_space<hbm>> -> memref<128xi32, #tpu.memory_space<hbm>>
      tpu.wait_dma2 semaphore(%run_scoped3A_930 : memref<!tpu.dma_semaphore, #tpu.memory_space<semaphore_mem>>) src(%dma_wait3A_946 : memref<128xi32, #tpu.memory_space<hbm>>) dst(%dma_wait3A_945 : memref<128xi32, #tpu.memory_space<vmem>>)
      tpu.yield
    }) : () -> ()
    %run_scoped3A_21 = arith.constant 3 : i32
    "tpu.region"() ({
      %run_scoped3A_930 = tpu.sem_alloc : memref<!tpu.dma_semaphore, #tpu.memory_space<semaphore_mem>>
      %dma_start3A_931 = arith.constant 0 : i32
      %dma_start3A_932 = tpu.memref_slice %arg14[%run_scoped3A_21, %dma_start3A_931] : memref<4x128xi32, #tpu.memory_space<vmem>> -> memref<1x128xi32, #tpu.memory_space<vmem>>
      %dma_start3A_933 = tpu.memref_squeeze %dma_start3A_932 : memref<1x128xi32, #tpu.memory_space<vmem>> -> memref<128xi32, #tpu.memory_space<vmem>>
      %dma_start3A_934 = tpu.memref_slice %arg9[%add3A_18] : memref<16384xi32, #tpu.memory_space<hbm>> -> memref<128xi32, #tpu.memory_space<hbm>>
      %dma_start3A_935 = arith.constant 0 : i32
      %dma_start3A_936 = tpu.memref_slice %arg14[%run_scoped3A_21, %dma_start3A_935] : memref<4x128xi32, #tpu.memory_space<vmem>> -> memref<1x128xi32, #tpu.memory_space<vmem>>
      %dma_start3A_937 = tpu.memref_squeeze %dma_start3A_936 : memref<1x128xi32, #tpu.memory_space<vmem>> -> memref<128xi32, #tpu.memory_space<vmem>>
      %dma_start3A_938 = tpu.memref_slice %arg9[%add3A_18] : memref<16384xi32, #tpu.memory_space<hbm>> -> memref<128xi32, #tpu.memory_space<hbm>>
      tpu.enqueue_dma source(%dma_start3A_938 : memref<128xi32, #tpu.memory_space<hbm>>) target(%dma_start3A_937 : memref<128xi32, #tpu.memory_space<vmem>>) target_semaphore(%run_scoped3A_930 : memref<!tpu.dma_semaphore, #tpu.memory_space<semaphore_mem>>)
      %dma_wait3A_939 = arith.constant 0 : i32
      %dma_wait3A_940 = tpu.memref_slice %arg14[%run_scoped3A_21, %dma_wait3A_939] : memref<4x128xi32, #tpu.memory_space<vmem>> -> memref<1x128xi32, #tpu.memory_space<vmem>>
      %dma_wait3A_941 = tpu.memref_squeeze %dma_wait3A_940 : memref<1x128xi32, #tpu.memory_space<vmem>> -> memref<128xi32, #tpu.memory_space<vmem>>
      %dma_wait3A_942 = tpu.memref_slice %arg9[%add3A_18] : memref<16384xi32, #tpu.memory_space<hbm>> -> memref<128xi32, #tpu.memory_space<hbm>>
      %dma_wait3A_943 = arith.constant 0 : i32
      %dma_wait3A_944 = tpu.memref_slice %arg14[%run_scoped3A_21, %dma_wait3A_943] : memref<4x128xi32, #tpu.memory_space<vmem>> -> memref<1x128xi32, #tpu.memory_space<vmem>>
      %dma_wait3A_945 = tpu.memref_squeeze %dma_wait3A_944 : memref<1x128xi32, #tpu.memory_space<vmem>> -> memref<128xi32, #tpu.memory_space<vmem>>
      %dma_wait3A_946 = tpu.memref_slice %arg9[%add3A_18] : memref<16384xi32, #tpu.memory_space<hbm>> -> memref<128xi32, #tpu.memory_space<hbm>>
      tpu.wait_dma2 semaphore(%run_scoped3A_930 : memref<!tpu.dma_semaphore, #tpu.memory_space<semaphore_mem>>) src(%dma_wait3A_946 : memref<128xi32, #tpu.memory_space<hbm>>) dst(%dma_wait3A_945 : memref<128xi32, #tpu.memory_space<vmem>>)
      tpu.yield
    }) : () -> ()
    %dma_start3A = arith.constant 0 : i32
    %dma_start3A_22 = arith.constant 0 : i32
    %dma_start3A_23 = arith.constant 0 : i32
    %dma_start3A_24 = tpu.memref_slice %arg18[%dma_start3A_22, %dma_start3A_23] : memref<4x128xf32, #tpu.memory_space<vmem>> -> memref<1x128xf32, #tpu.memory_space<vmem>>
    %dma_start3A_25 = tpu.memref_squeeze %dma_start3A_24 : memref<1x128xf32, #tpu.memory_space<vmem>> -> memref<128xf32, #tpu.memory_space<vmem>>
    %dma_start3A_26 = arith.constant 0 : i32
    %dma_start3A_27 = tpu.memref_slice %arg12[%dma_start3A, %dma_start3A_26] : memref<4x128xi32, #tpu.memory_space<vmem>> -> memref<1x128xi32, #tpu.memory_space<vmem>>
    %dma_start3A_28 = tpu.memref_squeeze %dma_start3A_27 : memref<1x128xi32, #tpu.memory_space<vmem>> -> memref<128xi32, #tpu.memory_space<vmem>>
    %dma_start3A_29 = arith.constant 0 : i32
    %dma_start3A_30 = tpu.memref_slice %arg5[%dma_start3A_29] : memref<100000xf32, #tpu.memory_space<hbm>> -> memref<100000xf32, #tpu.memory_space<hbm>>
    tpu.enqueue_indirect_dma source(%dma_start3A_30 : memref<100000xf32, #tpu.memory_space<hbm>>) target(%dma_start3A_25 : memref<128xf32, #tpu.memory_space<vmem>>) offsets(%dma_start3A_28 : memref<128xi32, #tpu.memory_space<vmem>>) semaphore(%arg23 : memref<!tpu.dma_semaphore, #tpu.memory_space<semaphore_mem>>)
    %dma_start3A_31 = arith.constant 0 : i32
    %dma_start3A_32 = arith.constant 0 : i32
    %dma_start3A_33 = arith.constant 0 : i32
    %dma_start3A_34 = tpu.memref_slice %arg19[%dma_start3A_32, %dma_start3A_33] : memref<4x128xf32, #tpu.memory_space<vmem>> -> memref<1x128xf32, #tpu.memory_space<vmem>>
    %dma_start3A_35 = tpu.memref_squeeze %dma_start3A_34 : memref<1x128xf32, #tpu.memory_space<vmem>> -> memref<128xf32, #tpu.memory_space<vmem>>
    %dma_start3A_36 = arith.constant 0 : i32
    %dma_start3A_37 = tpu.memref_slice %arg13[%dma_start3A_31, %dma_start3A_36] : memref<4x128xi32, #tpu.memory_space<vmem>> -> memref<1x128xi32, #tpu.memory_space<vmem>>
    %dma_start3A_38 = tpu.memref_squeeze %dma_start3A_37 : memref<1x128xi32, #tpu.memory_space<vmem>> -> memref<128xi32, #tpu.memory_space<vmem>>
    %dma_start3A_39 = arith.constant 0 : i32
    %dma_start3A_40 = tpu.memref_slice %arg6[%dma_start3A_39] : memref<100000xf32, #tpu.memory_space<hbm>> -> memref<100000xf32, #tpu.memory_space<hbm>>
    tpu.enqueue_indirect_dma source(%dma_start3A_40 : memref<100000xf32, #tpu.memory_space<hbm>>) target(%dma_start3A_35 : memref<128xf32, #tpu.memory_space<vmem>>) offsets(%dma_start3A_38 : memref<128xi32, #tpu.memory_space<vmem>>) semaphore(%arg23 : memref<!tpu.dma_semaphore, #tpu.memory_space<semaphore_mem>>)
    %dma_start3A_41 = arith.constant 1 : i32
    %dma_start3A_42 = arith.constant 1 : i32
    %dma_start3A_43 = arith.constant 0 : i32
    %dma_start3A_44 = tpu.memref_slice %arg18[%dma_start3A_42, %dma_start3A_43] : memref<4x128xf32, #tpu.memory_space<vmem>> -> memref<1x128xf32, #tpu.memory_space<vmem>>
    %dma_start3A_45 = tpu.memref_squeeze %dma_start3A_44 : memref<1x128xf32, #tpu.memory_space<vmem>> -> memref<128xf32, #tpu.memory_space<vmem>>
    %dma_start3A_46 = arith.constant 0 : i32
    %dma_start3A_47 = tpu.memref_slice %arg12[%dma_start3A_41, %dma_start3A_46] : memref<4x128xi32, #tpu.memory_space<vmem>> -> memref<1x128xi32, #tpu.memory_space<vmem>>
    %dma_start3A_48 = tpu.memref_squeeze %dma_start3A_47 : memref<1x128xi32, #tpu.memory_space<vmem>> -> memref<128xi32, #tpu.memory_space<vmem>>
    %dma_start3A_49 = arith.constant 0 : i32
    %dma_start3A_50 = tpu.memref_slice %arg5[%dma_start3A_49] : memref<100000xf32, #tpu.memory_space<hbm>> -> memref<100000xf32, #tpu.memory_space<hbm>>
    tpu.enqueue_indirect_dma source(%dma_start3A_50 : memref<100000xf32, #tpu.memory_space<hbm>>) target(%dma_start3A_45 : memref<128xf32, #tpu.memory_space<vmem>>) offsets(%dma_start3A_48 : memref<128xi32, #tpu.memory_space<vmem>>) semaphore(%arg23 : memref<!tpu.dma_semaphore, #tpu.memory_space<semaphore_mem>>)
    %dma_start3A_51 = arith.constant 1 : i32
    %dma_start3A_52 = arith.constant 1 : i32
    %dma_start3A_53 = arith.constant 0 : i32
    %dma_start3A_54 = tpu.memref_slice %arg19[%dma_start3A_52, %dma_start3A_53] : memref<4x128xf32, #tpu.memory_space<vmem>> -> memref<1x128xf32, #tpu.memory_space<vmem>>
    %dma_start3A_55 = tpu.memref_squeeze %dma_start3A_54 : memref<1x128xf32, #tpu.memory_space<vmem>> -> memref<128xf32, #tpu.memory_space<vmem>>
    %dma_start3A_56 = arith.constant 0 : i32
    %dma_start3A_57 = tpu.memref_slice %arg13[%dma_start3A_51, %dma_start3A_56] : memref<4x128xi32, #tpu.memory_space<vmem>> -> memref<1x128xi32, #tpu.memory_space<vmem>>
    %dma_start3A_58 = tpu.memref_squeeze %dma_start3A_57 : memref<1x128xi32, #tpu.memory_space<vmem>> -> memref<128xi32, #tpu.memory_space<vmem>>
    %dma_start3A_59 = arith.constant 0 : i32
    %dma_start3A_60 = tpu.memref_slice %arg6[%dma_start3A_59] : memref<100000xf32, #tpu.memory_space<hbm>> -> memref<100000xf32, #tpu.memory_space<hbm>>
    tpu.enqueue_indirect_dma source(%dma_start3A_60 : memref<100000xf32, #tpu.memory_space<hbm>>) target(%dma_start3A_55 : memref<128xf32, #tpu.memory_space<vmem>>) offsets(%dma_start3A_58 : memref<128xi32, #tpu.memory_space<vmem>>) semaphore(%arg23 : memref<!tpu.dma_semaphore, #tpu.memory_space<semaphore_mem>>)
    %dma_start3A_61 = arith.constant 2 : i32
    %dma_start3A_62 = arith.constant 2 : i32
    %dma_start3A_63 = arith.constant 0 : i32
    %dma_start3A_64 = tpu.memref_slice %arg18[%dma_start3A_62, %dma_start3A_63] : memref<4x128xf32, #tpu.memory_space<vmem>> -> memref<1x128xf32, #tpu.memory_space<vmem>>
    %dma_start3A_65 = tpu.memref_squeeze %dma_start3A_64 : memref<1x128xf32, #tpu.memory_space<vmem>> -> memref<128xf32, #tpu.memory_space<vmem>>
    %dma_start3A_66 = arith.constant 0 : i32
    %dma_start3A_67 = tpu.memref_slice %arg12[%dma_start3A_61, %dma_start3A_66] : memref<4x128xi32, #tpu.memory_space<vmem>> -> memref<1x128xi32, #tpu.memory_space<vmem>>
    %dma_start3A_68 = tpu.memref_squeeze %dma_start3A_67 : memref<1x128xi32, #tpu.memory_space<vmem>> -> memref<128xi32, #tpu.memory_space<vmem>>
    %dma_start3A_69 = arith.constant 0 : i32
    %dma_start3A_70 = tpu.memref_slice %arg5[%dma_start3A_69] : memref<100000xf32, #tpu.memory_space<hbm>> -> memref<100000xf32, #tpu.memory_space<hbm>>
    tpu.enqueue_indirect_dma source(%dma_start3A_70 : memref<100000xf32, #tpu.memory_space<hbm>>) target(%dma_start3A_65 : memref<128xf32, #tpu.memory_space<vmem>>) offsets(%dma_start3A_68 : memref<128xi32, #tpu.memory_space<vmem>>) semaphore(%arg23 : memref<!tpu.dma_semaphore, #tpu.memory_space<semaphore_mem>>)
    %dma_start3A_71 = arith.constant 2 : i32
    %dma_start3A_72 = arith.constant 2 : i32
    %dma_start3A_73 = arith.constant 0 : i32
    %dma_start3A_74 = tpu.memref_slice %arg19[%dma_start3A_72, %dma_start3A_73] : memref<4x128xf32, #tpu.memory_space<vmem>> -> memref<1x128xf32, #tpu.memory_space<vmem>>
    %dma_start3A_75 = tpu.memref_squeeze %dma_start3A_74 : memref<1x128xf32, #tpu.memory_space<vmem>> -> memref<128xf32, #tpu.memory_space<vmem>>
    %dma_start3A_76 = arith.constant 0 : i32
    %dma_start3A_77 = tpu.memref_slice %arg13[%dma_start3A_71, %dma_start3A_76] : memref<4x128xi32, #tpu.memory_space<vmem>> -> memref<1x128xi32, #tpu.memory_space<vmem>>
    %dma_start3A_78 = tpu.memref_squeeze %dma_start3A_77 : memref<1x128xi32, #tpu.memory_space<vmem>> -> memref<128xi32, #tpu.memory_space<vmem>>
    %dma_start3A_79 = arith.constant 0 : i32
    %dma_start3A_80 = tpu.memref_slice %arg6[%dma_start3A_79] : memref<100000xf32, #tpu.memory_space<hbm>> -> memref<100000xf32, #tpu.memory_space<hbm>>
    tpu.enqueue_indirect_dma source(%dma_start3A_80 : memref<100000xf32, #tpu.memory_space<hbm>>) target(%dma_start3A_75 : memref<128xf32, #tpu.memory_space<vmem>>) offsets(%dma_start3A_78 : memref<128xi32, #tpu.memory_space<vmem>>) semaphore(%arg23 : memref<!tpu.dma_semaphore, #tpu.memory_space<semaphore_mem>>)
    %dma_start3A_81 = arith.constant 3 : i32
    %dma_start3A_82 = arith.constant 3 : i32
    %dma_start3A_83 = arith.constant 0 : i32
    %dma_start3A_84 = tpu.memref_slice %arg18[%dma_start3A_82, %dma_start3A_83] : memref<4x128xf32, #tpu.memory_space<vmem>> -> memref<1x128xf32, #tpu.memory_space<vmem>>
    %dma_start3A_85 = tpu.memref_squeeze %dma_start3A_84 : memref<1x128xf32, #tpu.memory_space<vmem>> -> memref<128xf32, #tpu.memory_space<vmem>>
    %dma_start3A_86 = arith.constant 0 : i32
    %dma_start3A_87 = tpu.memref_slice %arg12[%dma_start3A_81, %dma_start3A_86] : memref<4x128xi32, #tpu.memory_space<vmem>> -> memref<1x128xi32, #tpu.memory_space<vmem>>
    %dma_start3A_88 = tpu.memref_squeeze %dma_start3A_87 : memref<1x128xi32, #tpu.memory_space<vmem>> -> memref<128xi32, #tpu.memory_space<vmem>>
    %dma_start3A_89 = arith.constant 0 : i32
    %dma_start3A_90 = tpu.memref_slice %arg5[%dma_start3A_89] : memref<100000xf32, #tpu.memory_space<hbm>> -> memref<100000xf32, #tpu.memory_space<hbm>>
    tpu.enqueue_indirect_dma source(%dma_start3A_90 : memref<100000xf32, #tpu.memory_space<hbm>>) target(%dma_start3A_85 : memref<128xf32, #tpu.memory_space<vmem>>) offsets(%dma_start3A_88 : memref<128xi32, #tpu.memory_space<vmem>>) semaphore(%arg23 : memref<!tpu.dma_semaphore, #tpu.memory_space<semaphore_mem>>)
    %dma_start3A_91 = arith.constant 3 : i32
    %dma_start3A_92 = arith.constant 3 : i32
    %dma_start3A_93 = arith.constant 0 : i32
    %dma_start3A_94 = tpu.memref_slice %arg19[%dma_start3A_92, %dma_start3A_93] : memref<4x128xf32, #tpu.memory_space<vmem>> -> memref<1x128xf32, #tpu.memory_space<vmem>>
    %dma_start3A_95 = tpu.memref_squeeze %dma_start3A_94 : memref<1x128xf32, #tpu.memory_space<vmem>> -> memref<128xf32, #tpu.memory_space<vmem>>
    %dma_start3A_96 = arith.constant 0 : i32
    %dma_start3A_97 = tpu.memref_slice %arg13[%dma_start3A_91, %dma_start3A_96] : memref<4x128xi32, #tpu.memory_space<vmem>> -> memref<1x128xi32, #tpu.memory_space<vmem>>
    %dma_start3A_98 = tpu.memref_squeeze %dma_start3A_97 : memref<1x128xi32, #tpu.memory_space<vmem>> -> memref<128xi32, #tpu.memory_space<vmem>>
    %dma_start3A_99 = arith.constant 0 : i32
    %dma_start3A_100 = tpu.memref_slice %arg6[%dma_start3A_99] : memref<100000xf32, #tpu.memory_space<hbm>> -> memref<100000xf32, #tpu.memory_space<hbm>>
    tpu.enqueue_indirect_dma source(%dma_start3A_100 : memref<100000xf32, #tpu.memory_space<hbm>>) target(%dma_start3A_95 : memref<128xf32, #tpu.memory_space<vmem>>) offsets(%dma_start3A_98 : memref<128xi32, #tpu.memory_space<vmem>>) semaphore(%arg23 : memref<!tpu.dma_semaphore, #tpu.memory_space<semaphore_mem>>)
    %broadcast_in_dim3A = arith.constant 0.000000e+00 : f32
    %broadcast_in_dim3A_101 = vector.broadcast %broadcast_in_dim3A : f32 to vector<16xf32>
    %dma_start3A_102 = arith.constant 0 : i32
    %dma_start3A_103 = arith.constant 0 : i32
    %dma_start3A_104 = tpu.memref_slice %arg12[%dma_start3A_102, %dma_start3A_103] : memref<4x128xi32, #tpu.memory_space<vmem>> -> memref<1x128xi32, #tpu.memory_space<vmem>>
    %dma_start3A_105 = tpu.memref_squeeze %dma_start3A_104 : memref<1x128xi32, #tpu.memory_space<vmem>> -> memref<128xi32, #tpu.memory_space<vmem>>
    %dma_start3A_106 = arith.constant 0 : i32
    %dma_start3A_107 = arith.constant 0 : i32
    %dma_start3A_108 = tpu.memref_slice %arg2[%dma_start3A_106, %dma_start3A_107] : memref<100000x128xf32, #tpu.memory_space<hbm>> -> memref<100000x128xf32, #tpu.memory_space<hbm>>
    tpu.enqueue_indirect_dma source(%dma_start3A_108 : memref<100000x128xf32, #tpu.memory_space<hbm>>) target(%arg15 : memref<128x128xf32, #tpu.memory_space<vmem>>) offsets(%dma_start3A_105 : memref<128xi32, #tpu.memory_space<vmem>>) semaphore(%arg22 : memref<!tpu.dma_semaphore, #tpu.memory_space<semaphore_mem>>)
    %dma_start3A_109 = arith.constant 0 : i32
    %dma_start3A_110 = arith.constant 0 : i32
    %dma_start3A_111 = tpu.memref_slice %arg13[%dma_start3A_109, %dma_start3A_110] : memref<4x128xi32, #tpu.memory_space<vmem>> -> memref<1x128xi32, #tpu.memory_space<vmem>>
    %dma_start3A_112 = tpu.memref_squeeze %dma_start3A_111 : memref<1x128xi32, #tpu.memory_space<vmem>> -> memref<128xi32, #tpu.memory_space<vmem>>
    %dma_start3A_113 = arith.constant 0 : i32
    %dma_start3A_114 = arith.constant 0 : i32
    %dma_start3A_115 = tpu.memref_slice %arg3[%dma_start3A_113, %dma_start3A_114] : memref<100000x128xf32, #tpu.memory_space<hbm>> -> memref<100000x128xf32, #tpu.memory_space<hbm>>
    tpu.enqueue_indirect_dma source(%dma_start3A_115 : memref<100000x128xf32, #tpu.memory_space<hbm>>) target(%arg16 : memref<128x128xf32, #tpu.memory_space<vmem>>) offsets(%dma_start3A_112 : memref<128xi32, #tpu.memory_space<vmem>>) semaphore(%arg22 : memref<!tpu.dma_semaphore, #tpu.memory_space<semaphore_mem>>)
    %dma_start3A_116 = arith.constant 0 : i32
    %dma_start3A_117 = arith.constant 0 : i32
    %dma_start3A_118 = tpu.memref_slice %arg14[%dma_start3A_116, %dma_start3A_117] : memref<4x128xi32, #tpu.memory_space<vmem>> -> memref<1x128xi32, #tpu.memory_space<vmem>>
    %dma_start3A_119 = tpu.memref_squeeze %dma_start3A_118 : memref<1x128xi32, #tpu.memory_space<vmem>> -> memref<128xi32, #tpu.memory_space<vmem>>
    %dma_start3A_120 = arith.constant 0 : i32
    %dma_start3A_121 = arith.constant 0 : i32
    %dma_start3A_122 = tpu.memref_slice %arg4[%dma_start3A_120, %dma_start3A_121] : memref<1000x128xf32, #tpu.memory_space<hbm>> -> memref<1000x128xf32, #tpu.memory_space<hbm>>
    tpu.enqueue_indirect_dma source(%dma_start3A_122 : memref<1000x128xf32, #tpu.memory_space<hbm>>) target(%arg17 : memref<128x128xf32, #tpu.memory_space<vmem>>) offsets(%dma_start3A_119 : memref<128xi32, #tpu.memory_space<vmem>>) semaphore(%arg22 : memref<!tpu.dma_semaphore, #tpu.memory_space<semaphore_mem>>)
    %dma_wait3A = arith.constant 0 : i32
    %dma_wait3A_123 = arith.constant 0 : i32
    %dma_wait3A_124 = tpu.memref_slice %arg12[%dma_wait3A, %dma_wait3A_123] : memref<4x128xi32, #tpu.memory_space<vmem>> -> memref<1x128xi32, #tpu.memory_space<vmem>>
    %dma_wait3A_125 = tpu.memref_squeeze %dma_wait3A_124 : memref<1x128xi32, #tpu.memory_space<vmem>> -> memref<128xi32, #tpu.memory_space<vmem>>
    %dma_wait3A_126 = arith.constant 0 : i32
    %dma_wait3A_127 = arith.constant 0 : i32
    %dma_wait3A_128 = tpu.memref_slice %arg2[%dma_wait3A_126, %dma_wait3A_127] : memref<100000x128xf32, #tpu.memory_space<hbm>> -> memref<100000x128xf32, #tpu.memory_space<hbm>>
    tpu.wait_indirect_dma semaphore(%arg22 : memref<!tpu.dma_semaphore, #tpu.memory_space<semaphore_mem>>) src(%dma_wait3A_128 : memref<100000x128xf32, #tpu.memory_space<hbm>>) dst(%arg15 : memref<128x128xf32, #tpu.memory_space<vmem>>)
    %dma_wait3A_129 = arith.constant 0 : i32
    %dma_wait3A_130 = arith.constant 0 : i32
    %dma_wait3A_131 = tpu.memref_slice %arg13[%dma_wait3A_129, %dma_wait3A_130] : memref<4x128xi32, #tpu.memory_space<vmem>> -> memref<1x128xi32, #tpu.memory_space<vmem>>
    %dma_wait3A_132 = tpu.memref_squeeze %dma_wait3A_131 : memref<1x128xi32, #tpu.memory_space<vmem>> -> memref<128xi32, #tpu.memory_space<vmem>>
    %dma_wait3A_133 = arith.constant 0 : i32
    %dma_wait3A_134 = arith.constant 0 : i32
    %dma_wait3A_135 = tpu.memref_slice %arg3[%dma_wait3A_133, %dma_wait3A_134] : memref<100000x128xf32, #tpu.memory_space<hbm>> -> memref<100000x128xf32, #tpu.memory_space<hbm>>
    tpu.wait_indirect_dma semaphore(%arg22 : memref<!tpu.dma_semaphore, #tpu.memory_space<semaphore_mem>>) src(%dma_wait3A_135 : memref<100000x128xf32, #tpu.memory_space<hbm>>) dst(%arg16 : memref<128x128xf32, #tpu.memory_space<vmem>>)
    %dma_wait3A_136 = arith.constant 0 : i32
    %dma_wait3A_137 = arith.constant 0 : i32
    %dma_wait3A_138 = tpu.memref_slice %arg14[%dma_wait3A_136, %dma_wait3A_137] : memref<4x128xi32, #tpu.memory_space<vmem>> -> memref<1x128xi32, #tpu.memory_space<vmem>>
    %dma_wait3A_139 = tpu.memref_squeeze %dma_wait3A_138 : memref<1x128xi32, #tpu.memory_space<vmem>> -> memref<128xi32, #tpu.memory_space<vmem>>
    %dma_wait3A_140 = arith.constant 0 : i32
    %dma_wait3A_141 = arith.constant 0 : i32
    %dma_wait3A_142 = tpu.memref_slice %arg4[%dma_wait3A_140, %dma_wait3A_141] : memref<1000x128xf32, #tpu.memory_space<hbm>> -> memref<1000x128xf32, #tpu.memory_space<hbm>>
    tpu.wait_indirect_dma semaphore(%arg22 : memref<!tpu.dma_semaphore, #tpu.memory_space<semaphore_mem>>) src(%dma_wait3A_142 : memref<1000x128xf32, #tpu.memory_space<hbm>>) dst(%arg17 : memref<128x128xf32, #tpu.memory_space<vmem>>)
    %scan3A = arith.constant 0 : i32
    %scan3A_143 = arith.constant 128 : i32
    %scan3A_144 = arith.addi %scan3A, %scan3A_143 : i32
    %scan3A_145 = arith.constant 1 : i32
    %scan3A_146 = scf.for %scan3A_930 = %scan3A to %scan3A_144 step %scan3A_145 iter_args(%scan3A_931 = %broadcast_in_dim3A_101) -> (vector<16xf32>)  : i32 {
      %get3A_932 = arith.index_cast %scan3A_930 : i32 to index
      %get3A_933 = arith.constant 0 : index
      %get3A_934 = tpu.vector_load %arg15[%get3A_932, %get3A_933] {strides = array<i32>} : memref<128x128xf32, #tpu.memory_space<vmem>>, vector<1x16xf32>,
      %get3A_935 = vector.shape_cast %get3A_934 : vector<1x16xf32> to vector<16xf32>
      %get3A_936 = arith.index_cast %scan3A_930 : i32 to index
      %get3A_937 = arith.constant 0 : index
      %get3A_938 = tpu.vector_load %arg17[%get3A_936, %get3A_937] {strides = array<i32>} : memref<128x128xf32, #tpu.memory_space<vmem>>, vector<1x16xf32>,
      %get3A_939 = vector.shape_cast %get3A_938 : vector<1x16xf32> to vector<16xf32>
      %add3A_940 = arith.addf %get3A_935, %get3A_939 : vector<16xf32>
      %get3A_941 = arith.index_cast %scan3A_930 : i32 to index
      %get3A_942 = arith.constant 0 : index
      %get3A_943 = tpu.vector_load %arg16[%get3A_941, %get3A_942] {strides = array<i32>} : memref<128x128xf32, #tpu.memory_space<vmem>>, vector<1x16xf32>,
      %get3A_944 = vector.shape_cast %get3A_943 : vector<1x16xf32> to vector<16xf32>
      %mul3A_945 = arith.mulf %add3A_940, %get3A_944 : vector<16xf32>
      %add3A_946 = arith.addf %scan3A_931, %mul3A_945 : vector<16xf32>
      %get3A_947 = arith.index_cast %scan3A_930 : i32 to index
      %get3A_948 = arith.constant 16 : index
      %get3A_949 = tpu.vector_load %arg15[%get3A_947, %get3A_948] {strides = array<i32>} : memref<128x128xf32, #tpu.memory_space<vmem>>, vector<1x16xf32>,
      %get3A_950 = vector.shape_cast %get3A_949 : vector<1x16xf32> to vector<16xf32>
      %get3A_951 = arith.index_cast %scan3A_930 : i32 to index
      %get3A_952 = arith.constant 16 : index
      %get3A_953 = tpu.vector_load %arg17[%get3A_951, %get3A_952] {strides = array<i32>} : memref<128x128xf32, #tpu.memory_space<vmem>>, vector<1x16xf32>,
      %get3A_954 = vector.shape_cast %get3A_953 : vector<1x16xf32> to vector<16xf32>
      %add3A_955 = arith.addf %get3A_950, %get3A_954 : vector<16xf32>
      %get3A_956 = arith.index_cast %scan3A_930 : i32 to index
      %get3A_957 = arith.constant 16 : index
      %get3A_958 = tpu.vector_load %arg16[%get3A_956, %get3A_957] {strides = array<i32>} : memref<128x128xf32, #tpu.memory_space<vmem>>, vector<1x16xf32>,
      %get3A_959 = vector.shape_cast %get3A_958 : vector<1x16xf32> to vector<16xf32>
      %mul3A_960 = arith.mulf %add3A_955, %get3A_959 : vector<16xf32>
      %add3A_961 = arith.addf %add3A_946, %mul3A_960 : vector<16xf32>
      %get3A_962 = arith.index_cast %scan3A_930 : i32 to index
      %get3A_963 = arith.constant 32 : index
      %get3A_964 = tpu.vector_load %arg15[%get3A_962, %get3A_963] {strides = array<i32>} : memref<128x128xf32, #tpu.memory_space<vmem>>, vector<1x16xf32>,
      %get3A_965 = vector.shape_cast %get3A_964 : vector<1x16xf32> to vector<16xf32>
      %get3A_966 = arith.index_cast %scan3A_930 : i32 to index
      %get3A_967 = arith.constant 32 : index
      %get3A_968 = tpu.vector_load %arg17[%get3A_966, %get3A_967] {strides = array<i32>} : memref<128x128xf32, #tpu.memory_space<vmem>>, vector<1x16xf32>,
      %get3A_969 = vector.shape_cast %get3A_968 : vector<1x16xf32> to vector<16xf32>
      %add3A_970 = arith.addf %get3A_965, %get3A_969 : vector<16xf32>
      %get3A_971 = arith.index_cast %scan3A_930 : i32 to index
      %get3A_972 = arith.constant 32 : index
      %get3A_973 = tpu.vector_load %arg16[%get3A_971, %get3A_972] {strides = array<i32>} : memref<128x128xf32, #tpu.memory_space<vmem>>, vector<1x16xf32>,
      %get3A_974 = vector.shape_cast %get3A_973 : vector<1x16xf32> to vector<16xf32>
      %mul3A_975 = arith.mulf %add3A_970, %get3A_974 : vector<16xf32>
      %add3A_976 = arith.addf %add3A_961, %mul3A_975 : vector<16xf32>
      %get3A_977 = arith.index_cast %scan3A_930 : i32 to index
      %get3A_978 = arith.constant 48 : index
      %get3A_979 = tpu.vector_load %arg15[%get3A_977, %get3A_978] {strides = array<i32>} : memref<128x128xf32, #tpu.memory_space<vmem>>, vector<1x16xf32>,
      %get3A_980 = vector.shape_cast %get3A_979 : vector<1x16xf32> to vector<16xf32>
      %get3A_981 = arith.index_cast %scan3A_930 : i32 to index
      %get3A_982 = arith.constant 48 : index
      %get3A_983 = tpu.vector_load %arg17[%get3A_981, %get3A_982] {strides = array<i32>} : memref<128x128xf32, #tpu.memory_space<vmem>>, vector<1x16xf32>,
      %get3A_984 = vector.shape_cast %get3A_983 : vector<1x16xf32> to vector<16xf32>
      %add3A_985 = arith.addf %get3A_980, %get3A_984 : vector<16xf32>
      %get3A_986 = arith.index_cast %scan3A_930 : i32 to index
      %get3A_987 = arith.constant 48 : index
      %get3A_988 = tpu.vector_load %arg16[%get3A_986, %get3A_987] {strides = array<i32>} : memref<128x128xf32, #tpu.memory_space<vmem>>, vector<1x16xf32>,
      %get3A_989 = vector.shape_cast %get3A_988 : vector<1x16xf32> to vector<16xf32>
      %mul3A_990 = arith.mulf %add3A_985, %get3A_989 : vector<16xf32>
      %add3A_991 = arith.addf %add3A_976, %mul3A_990 : vector<16xf32>
      %get3A_992 = arith.index_cast %scan3A_930 : i32 to index
      %get3A_993 = arith.constant 64 : index
      %get3A_994 = tpu.vector_load %arg15[%get3A_992, %get3A_993] {strides = array<i32>} : memref<128x128xf32, #tpu.memory_space<vmem>>, vector<1x16xf32>,
      %get3A_995 = vector.shape_cast %get3A_994 : vector<1x16xf32> to vector<16xf32>
      %get3A_996 = arith.index_cast %scan3A_930 : i32 to index
      %get3A_997 = arith.constant 64 : index
      %get3A_998 = tpu.vector_load %arg17[%get3A_996, %get3A_997] {strides = array<i32>} : memref<128x128xf32, #tpu.memory_space<vmem>>, vector<1x16xf32>,
      %get3A_999 = vector.shape_cast %get3A_998 : vector<1x16xf32> to vector<16xf32>
      %add3A_1000 = arith.addf %get3A_995, %get3A_999 : vector<16xf32>
      %get3A_1001 = arith.index_cast %scan3A_930 : i32 to index
      %get3A_1002 = arith.constant 64 : index
      %get3A_1003 = tpu.vector_load %arg16[%get3A_1001, %get3A_1002] {strides = array<i32>} : memref<128x128xf32, #tpu.memory_space<vmem>>, vector<1x16xf32>,
      %get3A_1004 = vector.shape_cast %get3A_1003 : vector<1x16xf32> to vector<16xf32>
      %mul3A_1005 = arith.mulf %add3A_1000, %get3A_1004 : vector<16xf32>
      %add3A_1006 = arith.addf %add3A_991, %mul3A_1005 : vector<16xf32>
      %get3A_1007 = arith.index_cast %scan3A_930 : i32 to index
      %get3A_1008 = arith.constant 80 : index
      %get3A_1009 = tpu.vector_load %arg15[%get3A_1007, %get3A_1008] {strides = array<i32>} : memref<128x128xf32, #tpu.memory_space<vmem>>, vector<1x16xf32>,
      %get3A_1010 = vector.shape_cast %get3A_1009 : vector<1x16xf32> to vector<16xf32>
      %get3A_1011 = arith.index_cast %scan3A_930 : i32 to index
      %get3A_1012 = arith.constant 80 : index
      %get3A_1013 = tpu.vector_load %arg17[%get3A_1011, %get3A_1012] {strides = array<i32>} : memref<128x128xf32, #tpu.memory_space<vmem>>, vector<1x16xf32>,
      %get3A_1014 = vector.shape_cast %get3A_1013 : vector<1x16xf32> to vector<16xf32>
      %add3A_1015 = arith.addf %get3A_1010, %get3A_1014 : vector<16xf32>
      %get3A_1016 = arith.index_cast %scan3A_930 : i32 to index
      %get3A_1017 = arith.constant 80 : index
      %get3A_1018 = tpu.vector_load %arg16[%get3A_1016, %get3A_1017] {strides = array<i32>} : memref<128x128xf32, #tpu.memory_space<vmem>>, vector<1x16xf32>,
      %get3A_1019 = vector.shape_cast %get3A_1018 : vector<1x16xf32> to vector<16xf32>
      %mul3A_1020 = arith.mulf %add3A_1015, %get3A_1019 : vector<16xf32>
      %add3A_1021 = arith.addf %add3A_1006, %mul3A_1020 : vector<16xf32>
      %get3A_1022 = arith.index_cast %scan3A_930 : i32 to index
      %get3A_1023 = arith.constant 96 : index
      %get3A_1024 = tpu.vector_load %arg15[%get3A_1022, %get3A_1023] {strides = array<i32>} : memref<128x128xf32, #tpu.memory_space<vmem>>, vector<1x16xf32>,
      %get3A_1025 = vector.shape_cast %get3A_1024 : vector<1x16xf32> to vector<16xf32>
      %get3A_1026 = arith.index_cast %scan3A_930 : i32 to index
      %get3A_1027 = arith.constant 96 : index
      %get3A_1028 = tpu.vector_load %arg17[%get3A_1026, %get3A_1027] {strides = array<i32>} : memref<128x128xf32, #tpu.memory_space<vmem>>, vector<1x16xf32>,
      %get3A_1029 = vector.shape_cast %get3A_1028 : vector<1x16xf32> to vector<16xf32>
      %add3A_1030 = arith.addf %get3A_1025, %get3A_1029 : vector<16xf32>
      %get3A_1031 = arith.index_cast %scan3A_930 : i32 to index
      %get3A_1032 = arith.constant 96 : index
      %get3A_1033 = tpu.vector_load %arg16[%get3A_1031, %get3A_1032] {strides = array<i32>} : memref<128x128xf32, #tpu.memory_space<vmem>>, vector<1x16xf32>,
      %get3A_1034 = vector.shape_cast %get3A_1033 : vector<1x16xf32> to vector<16xf32>
      %mul3A_1035 = arith.mulf %add3A_1030, %get3A_1034 : vector<16xf32>
      %add3A_1036 = arith.addf %add3A_1021, %mul3A_1035 : vector<16xf32>
      scf.yield %add3A_1036 : vector<16xf32>
    }
    %scan3A_147 = arith.constant 128 : i32
    %dma_start3A_148 = arith.constant 1 : i32
    %dma_start3A_149 = arith.constant 0 : i32
    %dma_start3A_150 = tpu.memref_slice %arg12[%dma_start3A_148, %dma_start3A_149] : memref<4x128xi32, #tpu.memory_space<vmem>> -> memref<1x128xi32, #tpu.memory_space<vmem>>
    %dma_start3A_151 = tpu.memref_squeeze %dma_start3A_150 : memref<1x128xi32, #tpu.memory_space<vmem>> -> memref<128xi32, #tpu.memory_space<vmem>>
    %dma_start3A_152 = arith.constant 0 : i32
    %dma_start3A_153 = arith.constant 0 : i32
    %dma_start3A_154 = tpu.memref_slice %arg2[%dma_start3A_152, %dma_start3A_153] : memref<100000x128xf32, #tpu.memory_space<hbm>> -> memref<100000x128xf32, #tpu.memory_space<hbm>>
    tpu.enqueue_indirect_dma source(%dma_start3A_154 : memref<100000x128xf32, #tpu.memory_space<hbm>>) target(%arg15 : memref<128x128xf32, #tpu.memory_space<vmem>>) offsets(%dma_start3A_151 : memref<128xi32, #tpu.memory_space<vmem>>) semaphore(%arg22 : memref<!tpu.dma_semaphore, #tpu.memory_space<semaphore_mem>>)
    %dma_start3A_155 = arith.constant 1 : i32
    %dma_start3A_156 = arith.constant 0 : i32
    %dma_start3A_157 = tpu.memref_slice %arg13[%dma_start3A_155, %dma_start3A_156] : memref<4x128xi32, #tpu.memory_space<vmem>> -> memref<1x128xi32, #tpu.memory_space<vmem>>
    %dma_start3A_158 = tpu.memref_squeeze %dma_start3A_157 : memref<1x128xi32, #tpu.memory_space<vmem>> -> memref<128xi32, #tpu.memory_space<vmem>>
    %dma_start3A_159 = arith.constant 0 : i32
    %dma_start3A_160 = arith.constant 0 : i32
    %dma_start3A_161 = tpu.memref_slice %arg3[%dma_start3A_159, %dma_start3A_160] : memref<100000x128xf32, #tpu.memory_space<hbm>> -> memref<100000x128xf32, #tpu.memory_space<hbm>>
    tpu.enqueue_indirect_dma source(%dma_start3A_161 : memref<100000x128xf32, #tpu.memory_space<hbm>>) target(%arg16 : memref<128x128xf32, #tpu.memory_space<vmem>>) offsets(%dma_start3A_158 : memref<128xi32, #tpu.memory_space<vmem>>) semaphore(%arg22 : memref<!tpu.dma_semaphore, #tpu.memory_space<semaphore_mem>>)
    %dma_start3A_162 = arith.constant 1 : i32
    %dma_start3A_163 = arith.constant 0 : i32
    %dma_start3A_164 = tpu.memref_slice %arg14[%dma_start3A_162, %dma_start3A_163] : memref<4x128xi32, #tpu.memory_space<vmem>> -> memref<1x128xi32, #tpu.memory_space<vmem>>
    %dma_start3A_165 = tpu.memref_squeeze %dma_start3A_164 : memref<1x128xi32, #tpu.memory_space<vmem>> -> memref<128xi32, #tpu.memory_space<vmem>>
    %dma_start3A_166 = arith.constant 0 : i32
    %dma_start3A_167 = arith.constant 0 : i32
    %dma_start3A_168 = tpu.memref_slice %arg4[%dma_start3A_166, %dma_start3A_167] : memref<1000x128xf32, #tpu.memory_space<hbm>> -> memref<1000x128xf32, #tpu.memory_space<hbm>>
    tpu.enqueue_indirect_dma source(%dma_start3A_168 : memref<1000x128xf32, #tpu.memory_space<hbm>>) target(%arg17 : memref<128x128xf32, #tpu.memory_space<vmem>>) offsets(%dma_start3A_165 : memref<128xi32, #tpu.memory_space<vmem>>) semaphore(%arg22 : memref<!tpu.dma_semaphore, #tpu.memory_space<semaphore_mem>>)
    %dma_wait3A_169 = arith.constant 1 : i32
    %dma_wait3A_170 = arith.constant 0 : i32
    %dma_wait3A_171 = tpu.memref_slice %arg12[%dma_wait3A_169, %dma_wait3A_170] : memref<4x128xi32, #tpu.memory_space<vmem>> -> memref<1x128xi32, #tpu.memory_space<vmem>>
    %dma_wait3A_172 = tpu.memref_squeeze %dma_wait3A_171 : memref<1x128xi32, #tpu.memory_space<vmem>> -> memref<128xi32, #tpu.memory_space<vmem>>
    %dma_wait3A_173 = arith.constant 0 : i32
    %dma_wait3A_174 = arith.constant 0 : i32
    %dma_wait3A_175 = tpu.memref_slice %arg2[%dma_wait3A_173, %dma_wait3A_174] : memref<100000x128xf32, #tpu.memory_space<hbm>> -> memref<100000x128xf32, #tpu.memory_space<hbm>>
    tpu.wait_indirect_dma semaphore(%arg22 : memref<!tpu.dma_semaphore, #tpu.memory_space<semaphore_mem>>) src(%dma_wait3A_175 : memref<100000x128xf32, #tpu.memory_space<hbm>>) dst(%arg15 : memref<128x128xf32, #tpu.memory_space<vmem>>)
    %dma_wait3A_176 = arith.constant 1 : i32
    %dma_wait3A_177 = arith.constant 0 : i32
    %dma_wait3A_178 = tpu.memref_slice %arg13[%dma_wait3A_176, %dma_wait3A_177] : memref<4x128xi32, #tpu.memory_space<vmem>> -> memref<1x128xi32, #tpu.memory_space<vmem>>
    %dma_wait3A_179 = tpu.memref_squeeze %dma_wait3A_178 : memref<1x128xi32, #tpu.memory_space<vmem>> -> memref<128xi32, #tpu.memory_space<vmem>>
    %dma_wait3A_180 = arith.constant 0 : i32
    %dma_wait3A_181 = arith.constant 0 : i32
    %dma_wait3A_182 = tpu.memref_slice %arg3[%dma_wait3A_180, %dma_wait3A_181] : memref<100000x128xf32, #tpu.memory_space<hbm>> -> memref<100000x128xf32, #tpu.memory_space<hbm>>
    tpu.wait_indirect_dma semaphore(%arg22 : memref<!tpu.dma_semaphore, #tpu.memory_space<semaphore_mem>>) src(%dma_wait3A_182 : memref<100000x128xf32, #tpu.memory_space<hbm>>) dst(%arg16 : memref<128x128xf32, #tpu.memory_space<vmem>>)
    %dma_wait3A_183 = arith.constant 1 : i32
    %dma_wait3A_184 = arith.constant 0 : i32
    %dma_wait3A_185 = tpu.memref_slice %arg14[%dma_wait3A_183, %dma_wait3A_184] : memref<4x128xi32, #tpu.memory_space<vmem>> -> memref<1x128xi32, #tpu.memory_space<vmem>>
    %dma_wait3A_186 = tpu.memref_squeeze %dma_wait3A_185 : memref<1x128xi32, #tpu.memory_space<vmem>> -> memref<128xi32, #tpu.memory_space<vmem>>
    %dma_wait3A_187 = arith.constant 0 : i32
    %dma_wait3A_188 = arith.constant 0 : i32
    %dma_wait3A_189 = tpu.memref_slice %arg4[%dma_wait3A_187, %dma_wait3A_188] : memref<1000x128xf32, #tpu.memory_space<hbm>> -> memref<1000x128xf32, #tpu.memory_space<hbm>>
    tpu.wait_indirect_dma semaphore(%arg22 : memref<!tpu.dma_semaphore, #tpu.memory_space<semaphore_mem>>) src(%dma_wait3A_189 : memref<1000x128xf32, #tpu.memory_space<hbm>>) dst(%arg17 : memref<128x128xf32, #tpu.memory_space<vmem>>)
    %scan3A_190 = arith.constant 0 : i32
    %scan3A_191 = arith.constant 128 : i32
    %scan3A_192 = arith.addi %scan3A_190, %scan3A_191 : i32
    %scan3A_193 = arith.constant 1 : i32
    %scan3A_194 = scf.for %scan3A_930 = %scan3A_190 to %scan3A_192 step %scan3A_193 iter_args(%scan3A_931 = %scan3A_146) -> (vector<16xf32>)  : i32 {
      %get3A_932 = arith.index_cast %scan3A_930 : i32 to index
      %get3A_933 = arith.constant 0 : index
      %get3A_934 = tpu.vector_load %arg15[%get3A_932, %get3A_933] {strides = array<i32>} : memref<128x128xf32, #tpu.memory_space<vmem>>, vector<1x16xf32>,
      %get3A_935 = vector.shape_cast %get3A_934 : vector<1x16xf32> to vector<16xf32>
      %get3A_936 = arith.index_cast %scan3A_930 : i32 to index
      %get3A_937 = arith.constant 0 : index
      %get3A_938 = tpu.vector_load %arg17[%get3A_936, %get3A_937] {strides = array<i32>} : memref<128x128xf32, #tpu.memory_space<vmem>>, vector<1x16xf32>,
      %get3A_939 = vector.shape_cast %get3A_938 : vector<1x16xf32> to vector<16xf32>
      %add3A_940 = arith.addf %get3A_935, %get3A_939 : vector<16xf32>
      %get3A_941 = arith.index_cast %scan3A_930 : i32 to index
      %get3A_942 = arith.constant 0 : index
      %get3A_943 = tpu.vector_load %arg16[%get3A_941, %get3A_942] {strides = array<i32>} : memref<128x128xf32, #tpu.memory_space<vmem>>, vector<1x16xf32>,
      %get3A_944 = vector.shape_cast %get3A_943 : vector<1x16xf32> to vector<16xf32>
      %mul3A_945 = arith.mulf %add3A_940, %get3A_944 : vector<16xf32>
      %add3A_946 = arith.addf %scan3A_931, %mul3A_945 : vector<16xf32>
      %get3A_947 = arith.index_cast %scan3A_930 : i32 to index
      %get3A_948 = arith.constant 16 : index
      %get3A_949 = tpu.vector_load %arg15[%get3A_947, %get3A_948] {strides = array<i32>} : memref<128x128xf32, #tpu.memory_space<vmem>>, vector<1x16xf32>,
      %get3A_950 = vector.shape_cast %get3A_949 : vector<1x16xf32> to vector<16xf32>
      %get3A_951 = arith.index_cast %scan3A_930 : i32 to index
      %get3A_952 = arith.constant 16 : index
      %get3A_953 = tpu.vector_load %arg17[%get3A_951, %get3A_952] {strides = array<i32>} : memref<128x128xf32, #tpu.memory_space<vmem>>, vector<1x16xf32>,
      %get3A_954 = vector.shape_cast %get3A_953 : vector<1x16xf32> to vector<16xf32>
      %add3A_955 = arith.addf %get3A_950, %get3A_954 : vector<16xf32>
      %get3A_956 = arith.index_cast %scan3A_930 : i32 to index
      %get3A_957 = arith.constant 16 : index
      %get3A_958 = tpu.vector_load %arg16[%get3A_956, %get3A_957] {strides = array<i32>} : memref<128x128xf32, #tpu.memory_space<vmem>>, vector<1x16xf32>,
      %get3A_959 = vector.shape_cast %get3A_958 : vector<1x16xf32> to vector<16xf32>
      %mul3A_960 = arith.mulf %add3A_955, %get3A_959 : vector<16xf32>
      %add3A_961 = arith.addf %add3A_946, %mul3A_960 : vector<16xf32>
      %get3A_962 = arith.index_cast %scan3A_930 : i32 to index
      %get3A_963 = arith.constant 32 : index
      %get3A_964 = tpu.vector_load %arg15[%get3A_962, %get3A_963] {strides = array<i32>} : memref<128x128xf32, #tpu.memory_space<vmem>>, vector<1x16xf32>,
      %get3A_965 = vector.shape_cast %get3A_964 : vector<1x16xf32> to vector<16xf32>
      %get3A_966 = arith.index_cast %scan3A_930 : i32 to index
      %get3A_967 = arith.constant 32 : index
      %get3A_968 = tpu.vector_load %arg17[%get3A_966, %get3A_967] {strides = array<i32>} : memref<128x128xf32, #tpu.memory_space<vmem>>, vector<1x16xf32>,
      %get3A_969 = vector.shape_cast %get3A_968 : vector<1x16xf32> to vector<16xf32>
      %add3A_970 = arith.addf %get3A_965, %get3A_969 : vector<16xf32>
      %get3A_971 = arith.index_cast %scan3A_930 : i32 to index
      %get3A_972 = arith.constant 32 : index
      %get3A_973 = tpu.vector_load %arg16[%get3A_971, %get3A_972] {strides = array<i32>} : memref<128x128xf32, #tpu.memory_space<vmem>>, vector<1x16xf32>,
      %get3A_974 = vector.shape_cast %get3A_973 : vector<1x16xf32> to vector<16xf32>
      %mul3A_975 = arith.mulf %add3A_970, %get3A_974 : vector<16xf32>
      %add3A_976 = arith.addf %add3A_961, %mul3A_975 : vector<16xf32>
      %get3A_977 = arith.index_cast %scan3A_930 : i32 to index
      %get3A_978 = arith.constant 48 : index
      %get3A_979 = tpu.vector_load %arg15[%get3A_977, %get3A_978] {strides = array<i32>} : memref<128x128xf32, #tpu.memory_space<vmem>>, vector<1x16xf32>,
      %get3A_980 = vector.shape_cast %get3A_979 : vector<1x16xf32> to vector<16xf32>
      %get3A_981 = arith.index_cast %scan3A_930 : i32 to index
      %get3A_982 = arith.constant 48 : index
      %get3A_983 = tpu.vector_load %arg17[%get3A_981, %get3A_982] {strides = array<i32>} : memref<128x128xf32, #tpu.memory_space<vmem>>, vector<1x16xf32>,
      %get3A_984 = vector.shape_cast %get3A_983 : vector<1x16xf32> to vector<16xf32>
      %add3A_985 = arith.addf %get3A_980, %get3A_984 : vector<16xf32>
      %get3A_986 = arith.index_cast %scan3A_930 : i32 to index
      %get3A_987 = arith.constant 48 : index
      %get3A_988 = tpu.vector_load %arg16[%get3A_986, %get3A_987] {strides = array<i32>} : memref<128x128xf32, #tpu.memory_space<vmem>>, vector<1x16xf32>,
      %get3A_989 = vector.shape_cast %get3A_988 : vector<1x16xf32> to vector<16xf32>
      %mul3A_990 = arith.mulf %add3A_985, %get3A_989 : vector<16xf32>
      %add3A_991 = arith.addf %add3A_976, %mul3A_990 : vector<16xf32>
      %get3A_992 = arith.index_cast %scan3A_930 : i32 to index
      %get3A_993 = arith.constant 64 : index
      %get3A_994 = tpu.vector_load %arg15[%get3A_992, %get3A_993] {strides = array<i32>} : memref<128x128xf32, #tpu.memory_space<vmem>>, vector<1x16xf32>,
      %get3A_995 = vector.shape_cast %get3A_994 : vector<1x16xf32> to vector<16xf32>
      %get3A_996 = arith.index_cast %scan3A_930 : i32 to index
      %get3A_997 = arith.constant 64 : index
      %get3A_998 = tpu.vector_load %arg17[%get3A_996, %get3A_997] {strides = array<i32>} : memref<128x128xf32, #tpu.memory_space<vmem>>, vector<1x16xf32>,
      %get3A_999 = vector.shape_cast %get3A_998 : vector<1x16xf32> to vector<16xf32>
      %add3A_1000 = arith.addf %get3A_995, %get3A_999 : vector<16xf32>
      %get3A_1001 = arith.index_cast %scan3A_930 : i32 to index
      %get3A_1002 = arith.constant 64 : index
      %get3A_1003 = tpu.vector_load %arg16[%get3A_1001, %get3A_1002] {strides = array<i32>} : memref<128x128xf32, #tpu.memory_space<vmem>>, vector<1x16xf32>,
      %get3A_1004 = vector.shape_cast %get3A_1003 : vector<1x16xf32> to vector<16xf32>
      %mul3A_1005 = arith.mulf %add3A_1000, %get3A_1004 : vector<16xf32>
      %add3A_1006 = arith.addf %add3A_991, %mul3A_1005 : vector<16xf32>
      %get3A_1007 = arith.index_cast %scan3A_930 : i32 to index
      %get3A_1008 = arith.constant 80 : index
      %get3A_1009 = tpu.vector_load %arg15[%get3A_1007, %get3A_1008] {strides = array<i32>} : memref<128x128xf32, #tpu.memory_space<vmem>>, vector<1x16xf32>,
      %get3A_1010 = vector.shape_cast %get3A_1009 : vector<1x16xf32> to vector<16xf32>
      %get3A_1011 = arith.index_cast %scan3A_930 : i32 to index
      %get3A_1012 = arith.constant 80 : index
      %get3A_1013 = tpu.vector_load %arg17[%get3A_1011, %get3A_1012] {strides = array<i32>} : memref<128x128xf32, #tpu.memory_space<vmem>>, vector<1x16xf32>,
      %get3A_1014 = vector.shape_cast %get3A_1013 : vector<1x16xf32> to vector<16xf32>
      %add3A_1015 = arith.addf %get3A_1010, %get3A_1014 : vector<16xf32>
      %get3A_1016 = arith.index_cast %scan3A_930 : i32 to index
      %get3A_1017 = arith.constant 80 : index
      %get3A_1018 = tpu.vector_load %arg16[%get3A_1016, %get3A_1017] {strides = array<i32>} : memref<128x128xf32, #tpu.memory_space<vmem>>, vector<1x16xf32>,
      %get3A_1019 = vector.shape_cast %get3A_1018 : vector<1x16xf32> to vector<16xf32>
      %mul3A_1020 = arith.mulf %add3A_1015, %get3A_1019 : vector<16xf32>
      %add3A_1021 = arith.addf %add3A_1006, %mul3A_1020 : vector<16xf32>
      %get3A_1022 = arith.index_cast %scan3A_930 : i32 to index
      %get3A_1023 = arith.constant 96 : index
      %get3A_1024 = tpu.vector_load %arg15[%get3A_1022, %get3A_1023] {strides = array<i32>} : memref<128x128xf32, #tpu.memory_space<vmem>>, vector<1x16xf32>,
      %get3A_1025 = vector.shape_cast %get3A_1024 : vector<1x16xf32> to vector<16xf32>
      %get3A_1026 = arith.index_cast %scan3A_930 : i32 to index
      %get3A_1027 = arith.constant 96 : index
      %get3A_1028 = tpu.vector_load %arg17[%get3A_1026, %get3A_1027] {strides = array<i32>} : memref<128x128xf32, #tpu.memory_space<vmem>>, vector<1x16xf32>,
      %get3A_1029 = vector.shape_cast %get3A_1028 : vector<1x16xf32> to vector<16xf32>
      %add3A_1030 = arith.addf %get3A_1025, %get3A_1029 : vector<16xf32>
      %get3A_1031 = arith.index_cast %scan3A_930 : i32 to index
      %get3A_1032 = arith.constant 96 : index
      %get3A_1033 = tpu.vector_load %arg16[%get3A_1031, %get3A_1032] {strides = array<i32>} : memref<128x128xf32, #tpu.memory_space<vmem>>, vector<1x16xf32>,
      %get3A_1034 = vector.shape_cast %get3A_1033 : vector<1x16xf32> to vector<16xf32>
      %mul3A_1035 = arith.mulf %add3A_1030, %get3A_1034 : vector<16xf32>
      %add3A_1036 = arith.addf %add3A_1021, %mul3A_1035 : vector<16xf32>
      scf.yield %add3A_1036 : vector<16xf32>
    }
    %scan3A_195 = arith.constant 128 : i32
    %dma_start3A_196 = arith.constant 2 : i32
    %dma_start3A_197 = arith.constant 0 : i32
    %dma_start3A_198 = tpu.memref_slice %arg12[%dma_start3A_196, %dma_start3A_197] : memref<4x128xi32, #tpu.memory_space<vmem>> -> memref<1x128xi32, #tpu.memory_space<vmem>>
    %dma_start3A_199 = tpu.memref_squeeze %dma_start3A_198 : memref<1x128xi32, #tpu.memory_space<vmem>> -> memref<128xi32, #tpu.memory_space<vmem>>
    %dma_start3A_200 = arith.constant 0 : i32
    %dma_start3A_201 = arith.constant 0 : i32
    %dma_start3A_202 = tpu.memref_slice %arg2[%dma_start3A_200, %dma_start3A_201] : memref<100000x128xf32, #tpu.memory_space<hbm>> -> memref<100000x128xf32, #tpu.memory_space<hbm>>
    tpu.enqueue_indirect_dma source(%dma_start3A_202 : memref<100000x128xf32, #tpu.memory_space<hbm>>) target(%arg15 : memref<128x128xf32, #tpu.memory_space<vmem>>) offsets(%dma_start3A_199 : memref<128xi32, #tpu.memory_space<vmem>>) semaphore(%arg22 : memref<!tpu.dma_semaphore, #tpu.memory_space<semaphore_mem>>)
    %dma_start3A_203 = arith.constant 2 : i32
    %dma_start3A_204 = arith.constant 0 : i32
    %dma_start3A_205 = tpu.memref_slice %arg13[%dma_start3A_203, %dma_start3A_204] : memref<4x128xi32, #tpu.memory_space<vmem>> -> memref<1x128xi32, #tpu.memory_space<vmem>>
    %dma_start3A_206 = tpu.memref_squeeze %dma_start3A_205 : memref<1x128xi32, #tpu.memory_space<vmem>> -> memref<128xi32, #tpu.memory_space<vmem>>
    %dma_start3A_207 = arith.constant 0 : i32
    %dma_start3A_208 = arith.constant 0 : i32
    %dma_start3A_209 = tpu.memref_slice %arg3[%dma_start3A_207, %dma_start3A_208] : memref<100000x128xf32, #tpu.memory_space<hbm>> -> memref<100000x128xf32, #tpu.memory_space<hbm>>
    tpu.enqueue_indirect_dma source(%dma_start3A_209 : memref<100000x128xf32, #tpu.memory_space<hbm>>) target(%arg16 : memref<128x128xf32, #tpu.memory_space<vmem>>) offsets(%dma_start3A_206 : memref<128xi32, #tpu.memory_space<vmem>>) semaphore(%arg22 : memref<!tpu.dma_semaphore, #tpu.memory_space<semaphore_mem>>)
    %dma_start3A_210 = arith.constant 2 : i32
    %dma_start3A_211 = arith.constant 0 : i32
    %dma_start3A_212 = tpu.memref_slice %arg14[%dma_start3A_210, %dma_start3A_211] : memref<4x128xi32, #tpu.memory_space<vmem>> -> memref<1x128xi32, #tpu.memory_space<vmem>>
    %dma_start3A_213 = tpu.memref_squeeze %dma_start3A_212 : memref<1x128xi32, #tpu.memory_space<vmem>> -> memref<128xi32, #tpu.memory_space<vmem>>
    %dma_start3A_214 = arith.constant 0 : i32
    %dma_start3A_215 = arith.constant 0 : i32
    %dma_start3A_216 = tpu.memref_slice %arg4[%dma_start3A_214, %dma_start3A_215] : memref<1000x128xf32, #tpu.memory_space<hbm>> -> memref<1000x128xf32, #tpu.memory_space<hbm>>
    tpu.enqueue_indirect_dma source(%dma_start3A_216 : memref<1000x128xf32, #tpu.memory_space<hbm>>) target(%arg17 : memref<128x128xf32, #tpu.memory_space<vmem>>) offsets(%dma_start3A_213 : memref<128xi32, #tpu.memory_space<vmem>>) semaphore(%arg22 : memref<!tpu.dma_semaphore, #tpu.memory_space<semaphore_mem>>)
    %dma_wait3A_217 = arith.constant 2 : i32
    %dma_wait3A_218 = arith.constant 0 : i32
    %dma_wait3A_219 = tpu.memref_slice %arg12[%dma_wait3A_217, %dma_wait3A_218] : memref<4x128xi32, #tpu.memory_space<vmem>> -> memref<1x128xi32, #tpu.memory_space<vmem>>
    %dma_wait3A_220 = tpu.memref_squeeze %dma_wait3A_219 : memref<1x128xi32, #tpu.memory_space<vmem>> -> memref<128xi32, #tpu.memory_space<vmem>>
    %dma_wait3A_221 = arith.constant 0 : i32
    %dma_wait3A_222 = arith.constant 0 : i32
    %dma_wait3A_223 = tpu.memref_slice %arg2[%dma_wait3A_221, %dma_wait3A_222] : memref<100000x128xf32, #tpu.memory_space<hbm>> -> memref<100000x128xf32, #tpu.memory_space<hbm>>
    tpu.wait_indirect_dma semaphore(%arg22 : memref<!tpu.dma_semaphore, #tpu.memory_space<semaphore_mem>>) src(%dma_wait3A_223 : memref<100000x128xf32, #tpu.memory_space<hbm>>) dst(%arg15 : memref<128x128xf32, #tpu.memory_space<vmem>>)
    %dma_wait3A_224 = arith.constant 2 : i32
    %dma_wait3A_225 = arith.constant 0 : i32
    %dma_wait3A_226 = tpu.memref_slice %arg13[%dma_wait3A_224, %dma_wait3A_225] : memref<4x128xi32, #tpu.memory_space<vmem>> -> memref<1x128xi32, #tpu.memory_space<vmem>>
    %dma_wait3A_227 = tpu.memref_squeeze %dma_wait3A_226 : memref<1x128xi32, #tpu.memory_space<vmem>> -> memref<128xi32, #tpu.memory_space<vmem>>
    %dma_wait3A_228 = arith.constant 0 : i32
    %dma_wait3A_229 = arith.constant 0 : i32
    %dma_wait3A_230 = tpu.memref_slice %arg3[%dma_wait3A_228, %dma_wait3A_229] : memref<100000x128xf32, #tpu.memory_space<hbm>> -> memref<100000x128xf32, #tpu.memory_space<hbm>>
    tpu.wait_indirect_dma semaphore(%arg22 : memref<!tpu.dma_semaphore, #tpu.memory_space<semaphore_mem>>) src(%dma_wait3A_230 : memref<100000x128xf32, #tpu.memory_space<hbm>>) dst(%arg16 : memref<128x128xf32, #tpu.memory_space<vmem>>)
    %dma_wait3A_231 = arith.constant 2 : i32
    %dma_wait3A_232 = arith.constant 0 : i32
    %dma_wait3A_233 = tpu.memref_slice %arg14[%dma_wait3A_231, %dma_wait3A_232] : memref<4x128xi32, #tpu.memory_space<vmem>> -> memref<1x128xi32, #tpu.memory_space<vmem>>
    %dma_wait3A_234 = tpu.memref_squeeze %dma_wait3A_233 : memref<1x128xi32, #tpu.memory_space<vmem>> -> memref<128xi32, #tpu.memory_space<vmem>>
    %dma_wait3A_235 = arith.constant 0 : i32
    %dma_wait3A_236 = arith.constant 0 : i32
    %dma_wait3A_237 = tpu.memref_slice %arg4[%dma_wait3A_235, %dma_wait3A_236] : memref<1000x128xf32, #tpu.memory_space<hbm>> -> memref<1000x128xf32, #tpu.memory_space<hbm>>
    tpu.wait_indirect_dma semaphore(%arg22 : memref<!tpu.dma_semaphore, #tpu.memory_space<semaphore_mem>>) src(%dma_wait3A_237 : memref<1000x128xf32, #tpu.memory_space<hbm>>) dst(%arg17 : memref<128x128xf32, #tpu.memory_space<vmem>>)
    %scan3A_238 = arith.constant 0 : i32
    %scan3A_239 = arith.constant 128 : i32
    %scan3A_240 = arith.addi %scan3A_238, %scan3A_239 : i32
    %scan3A_241 = arith.constant 1 : i32
    %scan3A_242 = scf.for %scan3A_930 = %scan3A_238 to %scan3A_240 step %scan3A_241 iter_args(%scan3A_931 = %scan3A_194) -> (vector<16xf32>)  : i32 {
      %get3A_932 = arith.index_cast %scan3A_930 : i32 to index
      %get3A_933 = arith.constant 0 : index
      %get3A_934 = tpu.vector_load %arg15[%get3A_932, %get3A_933] {strides = array<i32>} : memref<128x128xf32, #tpu.memory_space<vmem>>, vector<1x16xf32>,
      %get3A_935 = vector.shape_cast %get3A_934 : vector<1x16xf32> to vector<16xf32>
      %get3A_936 = arith.index_cast %scan3A_930 : i32 to index
      %get3A_937 = arith.constant 0 : index
      %get3A_938 = tpu.vector_load %arg17[%get3A_936, %get3A_937] {strides = array<i32>} : memref<128x128xf32, #tpu.memory_space<vmem>>, vector<1x16xf32>,
      %get3A_939 = vector.shape_cast %get3A_938 : vector<1x16xf32> to vector<16xf32>
      %add3A_940 = arith.addf %get3A_935, %get3A_939 : vector<16xf32>
      %get3A_941 = arith.index_cast %scan3A_930 : i32 to index
      %get3A_942 = arith.constant 0 : index
      %get3A_943 = tpu.vector_load %arg16[%get3A_941, %get3A_942] {strides = array<i32>} : memref<128x128xf32, #tpu.memory_space<vmem>>, vector<1x16xf32>,
      %get3A_944 = vector.shape_cast %get3A_943 : vector<1x16xf32> to vector<16xf32>
      %mul3A_945 = arith.mulf %add3A_940, %get3A_944 : vector<16xf32>
      %add3A_946 = arith.addf %scan3A_931, %mul3A_945 : vector<16xf32>
      %get3A_947 = arith.index_cast %scan3A_930 : i32 to index
      %get3A_948 = arith.constant 16 : index
      %get3A_949 = tpu.vector_load %arg15[%get3A_947, %get3A_948] {strides = array<i32>} : memref<128x128xf32, #tpu.memory_space<vmem>>, vector<1x16xf32>,
      %get3A_950 = vector.shape_cast %get3A_949 : vector<1x16xf32> to vector<16xf32>
      %get3A_951 = arith.index_cast %scan3A_930 : i32 to index
      %get3A_952 = arith.constant 16 : index
      %get3A_953 = tpu.vector_load %arg17[%get3A_951, %get3A_952] {strides = array<i32>} : memref<128x128xf32, #tpu.memory_space<vmem>>, vector<1x16xf32>,
      %get3A_954 = vector.shape_cast %get3A_953 : vector<1x16xf32> to vector<16xf32>
      %add3A_955 = arith.addf %get3A_950, %get3A_954 : vector<16xf32>
      %get3A_956 = arith.index_cast %scan3A_930 : i32 to index
      %get3A_957 = arith.constant 16 : index
      %get3A_958 = tpu.vector_load %arg16[%get3A_956, %get3A_957] {strides = array<i32>} : memref<128x128xf32, #tpu.memory_space<vmem>>, vector<1x16xf32>,
      %get3A_959 = vector.shape_cast %get3A_958 : vector<1x16xf32> to vector<16xf32>
      %mul3A_960 = arith.mulf %add3A_955, %get3A_959 : vector<16xf32>
      %add3A_961 = arith.addf %add3A_946, %mul3A_960 : vector<16xf32>
      %get3A_962 = arith.index_cast %scan3A_930 : i32 to index
      %get3A_963 = arith.constant 32 : index
      %get3A_964 = tpu.vector_load %arg15[%get3A_962, %get3A_963] {strides = array<i32>} : memref<128x128xf32, #tpu.memory_space<vmem>>, vector<1x16xf32>,
      %get3A_965 = vector.shape_cast %get3A_964 : vector<1x16xf32> to vector<16xf32>
      %get3A_966 = arith.index_cast %scan3A_930 : i32 to index
      %get3A_967 = arith.constant 32 : index
      %get3A_968 = tpu.vector_load %arg17[%get3A_966, %get3A_967] {strides = array<i32>} : memref<128x128xf32, #tpu.memory_space<vmem>>, vector<1x16xf32>,
      %get3A_969 = vector.shape_cast %get3A_968 : vector<1x16xf32> to vector<16xf32>
      %add3A_970 = arith.addf %get3A_965, %get3A_969 : vector<16xf32>
      %get3A_971 = arith.index_cast %scan3A_930 : i32 to index
      %get3A_972 = arith.constant 32 : index
      %get3A_973 = tpu.vector_load %arg16[%get3A_971, %get3A_972] {strides = array<i32>} : memref<128x128xf32, #tpu.memory_space<vmem>>, vector<1x16xf32>,
      %get3A_974 = vector.shape_cast %get3A_973 : vector<1x16xf32> to vector<16xf32>
      %mul3A_975 = arith.mulf %add3A_970, %get3A_974 : vector<16xf32>
      %add3A_976 = arith.addf %add3A_961, %mul3A_975 : vector<16xf32>
      %get3A_977 = arith.index_cast %scan3A_930 : i32 to index
      %get3A_978 = arith.constant 48 : index
      %get3A_979 = tpu.vector_load %arg15[%get3A_977, %get3A_978] {strides = array<i32>} : memref<128x128xf32, #tpu.memory_space<vmem>>, vector<1x16xf32>,
      %get3A_980 = vector.shape_cast %get3A_979 : vector<1x16xf32> to vector<16xf32>
      %get3A_981 = arith.index_cast %scan3A_930 : i32 to index
      %get3A_982 = arith.constant 48 : index
      %get3A_983 = tpu.vector_load %arg17[%get3A_981, %get3A_982] {strides = array<i32>} : memref<128x128xf32, #tpu.memory_space<vmem>>, vector<1x16xf32>,
      %get3A_984 = vector.shape_cast %get3A_983 : vector<1x16xf32> to vector<16xf32>
      %add3A_985 = arith.addf %get3A_980, %get3A_984 : vector<16xf32>
      %get3A_986 = arith.index_cast %scan3A_930 : i32 to index
      %get3A_987 = arith.constant 48 : index
      %get3A_988 = tpu.vector_load %arg16[%get3A_986, %get3A_987] {strides = array<i32>} : memref<128x128xf32, #tpu.memory_space<vmem>>, vector<1x16xf32>,
      %get3A_989 = vector.shape_cast %get3A_988 : vector<1x16xf32> to vector<16xf32>
      %mul3A_990 = arith.mulf %add3A_985, %get3A_989 : vector<16xf32>
      %add3A_991 = arith.addf %add3A_976, %mul3A_990 : vector<16xf32>
      %get3A_992 = arith.index_cast %scan3A_930 : i32 to index
      %get3A_993 = arith.constant 64 : index
      %get3A_994 = tpu.vector_load %arg15[%get3A_992, %get3A_993] {strides = array<i32>} : memref<128x128xf32, #tpu.memory_space<vmem>>, vector<1x16xf32>,
      %get3A_995 = vector.shape_cast %get3A_994 : vector<1x16xf32> to vector<16xf32>
      %get3A_996 = arith.index_cast %scan3A_930 : i32 to index
      %get3A_997 = arith.constant 64 : index
      %get3A_998 = tpu.vector_load %arg17[%get3A_996, %get3A_997] {strides = array<i32>} : memref<128x128xf32, #tpu.memory_space<vmem>>, vector<1x16xf32>,
      %get3A_999 = vector.shape_cast %get3A_998 : vector<1x16xf32> to vector<16xf32>
      %add3A_1000 = arith.addf %get3A_995, %get3A_999 : vector<16xf32>
      %get3A_1001 = arith.index_cast %scan3A_930 : i32 to index
      %get3A_1002 = arith.constant 64 : index
      %get3A_1003 = tpu.vector_load %arg16[%get3A_1001, %get3A_1002] {strides = array<i32>} : memref<128x128xf32, #tpu.memory_space<vmem>>, vector<1x16xf32>,
      %get3A_1004 = vector.shape_cast %get3A_1003 : vector<1x16xf32> to vector<16xf32>
      %mul3A_1005 = arith.mulf %add3A_1000, %get3A_1004 : vector<16xf32>
      %add3A_1006 = arith.addf %add3A_991, %mul3A_1005 : vector<16xf32>
      %get3A_1007 = arith.index_cast %scan3A_930 : i32 to index
      %get3A_1008 = arith.constant 80 : index
      %get3A_1009 = tpu.vector_load %arg15[%get3A_1007, %get3A_1008] {strides = array<i32>} : memref<128x128xf32, #tpu.memory_space<vmem>>, vector<1x16xf32>,
      %get3A_1010 = vector.shape_cast %get3A_1009 : vector<1x16xf32> to vector<16xf32>
      %get3A_1011 = arith.index_cast %scan3A_930 : i32 to index
      %get3A_1012 = arith.constant 80 : index
      %get3A_1013 = tpu.vector_load %arg17[%get3A_1011, %get3A_1012] {strides = array<i32>} : memref<128x128xf32, #tpu.memory_space<vmem>>, vector<1x16xf32>,
      %get3A_1014 = vector.shape_cast %get3A_1013 : vector<1x16xf32> to vector<16xf32>
      %add3A_1015 = arith.addf %get3A_1010, %get3A_1014 : vector<16xf32>
      %get3A_1016 = arith.index_cast %scan3A_930 : i32 to index
      %get3A_1017 = arith.constant 80 : index
      %get3A_1018 = tpu.vector_load %arg16[%get3A_1016, %get3A_1017] {strides = array<i32>} : memref<128x128xf32, #tpu.memory_space<vmem>>, vector<1x16xf32>,
      %get3A_1019 = vector.shape_cast %get3A_1018 : vector<1x16xf32> to vector<16xf32>
      %mul3A_1020 = arith.mulf %add3A_1015, %get3A_1019 : vector<16xf32>
      %add3A_1021 = arith.addf %add3A_1006, %mul3A_1020 : vector<16xf32>
      %get3A_1022 = arith.index_cast %scan3A_930 : i32 to index
      %get3A_1023 = arith.constant 96 : index
      %get3A_1024 = tpu.vector_load %arg15[%get3A_1022, %get3A_1023] {strides = array<i32>} : memref<128x128xf32, #tpu.memory_space<vmem>>, vector<1x16xf32>,
      %get3A_1025 = vector.shape_cast %get3A_1024 : vector<1x16xf32> to vector<16xf32>
      %get3A_1026 = arith.index_cast %scan3A_930 : i32 to index
      %get3A_1027 = arith.constant 96 : index
      %get3A_1028 = tpu.vector_load %arg17[%get3A_1026, %get3A_1027] {strides = array<i32>} : memref<128x128xf32, #tpu.memory_space<vmem>>, vector<1x16xf32>,
      %get3A_1029 = vector.shape_cast %get3A_1028 : vector<1x16xf32> to vector<16xf32>
      %add3A_1030 = arith.addf %get3A_1025, %get3A_1029 : vector<16xf32>
      %get3A_1031 = arith.index_cast %scan3A_930 : i32 to index
      %get3A_1032 = arith.constant 96 : index
      %get3A_1033 = tpu.vector_load %arg16[%get3A_1031, %get3A_1032] {strides = array<i32>} : memref<128x128xf32, #tpu.memory_space<vmem>>, vector<1x16xf32>,
      %get3A_1034 = vector.shape_cast %get3A_1033 : vector<1x16xf32> to vector<16xf32>
      %mul3A_1035 = arith.mulf %add3A_1030, %get3A_1034 : vector<16xf32>
      %add3A_1036 = arith.addf %add3A_1021, %mul3A_1035 : vector<16xf32>
      scf.yield %add3A_1036 : vector<16xf32>
    }
    %scan3A_243 = arith.constant 128 : i32
    %dma_start3A_244 = arith.constant 3 : i32
    %dma_start3A_245 = arith.constant 0 : i32
    %dma_start3A_246 = tpu.memref_slice %arg12[%dma_start3A_244, %dma_start3A_245] : memref<4x128xi32, #tpu.memory_space<vmem>> -> memref<1x128xi32, #tpu.memory_space<vmem>>
    %dma_start3A_247 = tpu.memref_squeeze %dma_start3A_246 : memref<1x128xi32, #tpu.memory_space<vmem>> -> memref<128xi32, #tpu.memory_space<vmem>>
    %dma_start3A_248 = arith.constant 0 : i32
    %dma_start3A_249 = arith.constant 0 : i32
    %dma_start3A_250 = tpu.memref_slice %arg2[%dma_start3A_248, %dma_start3A_249] : memref<100000x128xf32, #tpu.memory_space<hbm>> -> memref<100000x128xf32, #tpu.memory_space<hbm>>
    tpu.enqueue_indirect_dma source(%dma_start3A_250 : memref<100000x128xf32, #tpu.memory_space<hbm>>) target(%arg15 : memref<128x128xf32, #tpu.memory_space<vmem>>) offsets(%dma_start3A_247 : memref<128xi32, #tpu.memory_space<vmem>>) semaphore(%arg22 : memref<!tpu.dma_semaphore, #tpu.memory_space<semaphore_mem>>)
    %dma_start3A_251 = arith.constant 3 : i32
    %dma_start3A_252 = arith.constant 0 : i32
    %dma_start3A_253 = tpu.memref_slice %arg13[%dma_start3A_251, %dma_start3A_252] : memref<4x128xi32, #tpu.memory_space<vmem>> -> memref<1x128xi32, #tpu.memory_space<vmem>>
    %dma_start3A_254 = tpu.memref_squeeze %dma_start3A_253 : memref<1x128xi32, #tpu.memory_space<vmem>> -> memref<128xi32, #tpu.memory_space<vmem>>
    %dma_start3A_255 = arith.constant 0 : i32
    %dma_start3A_256 = arith.constant 0 : i32
    %dma_start3A_257 = tpu.memref_slice %arg3[%dma_start3A_255, %dma_start3A_256] : memref<100000x128xf32, #tpu.memory_space<hbm>> -> memref<100000x128xf32, #tpu.memory_space<hbm>>
    tpu.enqueue_indirect_dma source(%dma_start3A_257 : memref<100000x128xf32, #tpu.memory_space<hbm>>) target(%arg16 : memref<128x128xf32, #tpu.memory_space<vmem>>) offsets(%dma_start3A_254 : memref<128xi32, #tpu.memory_space<vmem>>) semaphore(%arg22 : memref<!tpu.dma_semaphore, #tpu.memory_space<semaphore_mem>>)
    %dma_start3A_258 = arith.constant 3 : i32
    %dma_start3A_259 = arith.constant 0 : i32
    %dma_start3A_260 = tpu.memref_slice %arg14[%dma_start3A_258, %dma_start3A_259] : memref<4x128xi32, #tpu.memory_space<vmem>> -> memref<1x128xi32, #tpu.memory_space<vmem>>
    %dma_start3A_261 = tpu.memref_squeeze %dma_start3A_260 : memref<1x128xi32, #tpu.memory_space<vmem>> -> memref<128xi32, #tpu.memory_space<vmem>>
    %dma_start3A_262 = arith.constant 0 : i32
    %dma_start3A_263 = arith.constant 0 : i32
    %dma_start3A_264 = tpu.memref_slice %arg4[%dma_start3A_262, %dma_start3A_263] : memref<1000x128xf32, #tpu.memory_space<hbm>> -> memref<1000x128xf32, #tpu.memory_space<hbm>>
    tpu.enqueue_indirect_dma source(%dma_start3A_264 : memref<1000x128xf32, #tpu.memory_space<hbm>>) target(%arg17 : memref<128x128xf32, #tpu.memory_space<vmem>>) offsets(%dma_start3A_261 : memref<128xi32, #tpu.memory_space<vmem>>) semaphore(%arg22 : memref<!tpu.dma_semaphore, #tpu.memory_space<semaphore_mem>>)
    %dma_wait3A_265 = arith.constant 3 : i32
    %dma_wait3A_266 = arith.constant 0 : i32
    %dma_wait3A_267 = tpu.memref_slice %arg12[%dma_wait3A_265, %dma_wait3A_266] : memref<4x128xi32, #tpu.memory_space<vmem>> -> memref<1x128xi32, #tpu.memory_space<vmem>>
    %dma_wait3A_268 = tpu.memref_squeeze %dma_wait3A_267 : memref<1x128xi32, #tpu.memory_space<vmem>> -> memref<128xi32, #tpu.memory_space<vmem>>
    %dma_wait3A_269 = arith.constant 0 : i32
    %dma_wait3A_270 = arith.constant 0 : i32
    %dma_wait3A_271 = tpu.memref_slice %arg2[%dma_wait3A_269, %dma_wait3A_270] : memref<100000x128xf32, #tpu.memory_space<hbm>> -> memref<100000x128xf32, #tpu.memory_space<hbm>>
    tpu.wait_indirect_dma semaphore(%arg22 : memref<!tpu.dma_semaphore, #tpu.memory_space<semaphore_mem>>) src(%dma_wait3A_271 : memref<100000x128xf32, #tpu.memory_space<hbm>>) dst(%arg15 : memref<128x128xf32, #tpu.memory_space<vmem>>)
    %dma_wait3A_272 = arith.constant 3 : i32
    %dma_wait3A_273 = arith.constant 0 : i32
    %dma_wait3A_274 = tpu.memref_slice %arg13[%dma_wait3A_272, %dma_wait3A_273] : memref<4x128xi32, #tpu.memory_space<vmem>> -> memref<1x128xi32, #tpu.memory_space<vmem>>
    %dma_wait3A_275 = tpu.memref_squeeze %dma_wait3A_274 : memref<1x128xi32, #tpu.memory_space<vmem>> -> memref<128xi32, #tpu.memory_space<vmem>>
    %dma_wait3A_276 = arith.constant 0 : i32
    %dma_wait3A_277 = arith.constant 0 : i32
    %dma_wait3A_278 = tpu.memref_slice %arg3[%dma_wait3A_276, %dma_wait3A_277] : memref<100000x128xf32, #tpu.memory_space<hbm>> -> memref<100000x128xf32, #tpu.memory_space<hbm>>
    tpu.wait_indirect_dma semaphore(%arg22 : memref<!tpu.dma_semaphore, #tpu.memory_space<semaphore_mem>>) src(%dma_wait3A_278 : memref<100000x128xf32, #tpu.memory_space<hbm>>) dst(%arg16 : memref<128x128xf32, #tpu.memory_space<vmem>>)
    %dma_wait3A_279 = arith.constant 3 : i32
    %dma_wait3A_280 = arith.constant 0 : i32
    %dma_wait3A_281 = tpu.memref_slice %arg14[%dma_wait3A_279, %dma_wait3A_280] : memref<4x128xi32, #tpu.memory_space<vmem>> -> memref<1x128xi32, #tpu.memory_space<vmem>>
    %dma_wait3A_282 = tpu.memref_squeeze %dma_wait3A_281 : memref<1x128xi32, #tpu.memory_space<vmem>> -> memref<128xi32, #tpu.memory_space<vmem>>
    %dma_wait3A_283 = arith.constant 0 : i32
    %dma_wait3A_284 = arith.constant 0 : i32
    %dma_wait3A_285 = tpu.memref_slice %arg4[%dma_wait3A_283, %dma_wait3A_284] : memref<1000x128xf32, #tpu.memory_space<hbm>> -> memref<1000x128xf32, #tpu.memory_space<hbm>>
    tpu.wait_indirect_dma semaphore(%arg22 : memref<!tpu.dma_semaphore, #tpu.memory_space<semaphore_mem>>) src(%dma_wait3A_285 : memref<1000x128xf32, #tpu.memory_space<hbm>>) dst(%arg17 : memref<128x128xf32, #tpu.memory_space<vmem>>)
    %scan3A_286 = arith.constant 0 : i32
    %scan3A_287 = arith.constant 128 : i32
    %scan3A_288 = arith.addi %scan3A_286, %scan3A_287 : i32
    %scan3A_289 = arith.constant 1 : i32
    %scan3A_290 = scf.for %scan3A_930 = %scan3A_286 to %scan3A_288 step %scan3A_289 iter_args(%scan3A_931 = %scan3A_242) -> (vector<16xf32>)  : i32 {
      %get3A_932 = arith.index_cast %scan3A_930 : i32 to index
      %get3A_933 = arith.constant 0 : index
      %get3A_934 = tpu.vector_load %arg15[%get3A_932, %get3A_933] {strides = array<i32>} : memref<128x128xf32, #tpu.memory_space<vmem>>, vector<1x16xf32>,
      %get3A_935 = vector.shape_cast %get3A_934 : vector<1x16xf32> to vector<16xf32>
      %get3A_936 = arith.index_cast %scan3A_930 : i32 to index
      %get3A_937 = arith.constant 0 : index
      %get3A_938 = tpu.vector_load %arg17[%get3A_936, %get3A_937] {strides = array<i32>} : memref<128x128xf32, #tpu.memory_space<vmem>>, vector<1x16xf32>,
      %get3A_939 = vector.shape_cast %get3A_938 : vector<1x16xf32> to vector<16xf32>
      %add3A_940 = arith.addf %get3A_935, %get3A_939 : vector<16xf32>
      %get3A_941 = arith.index_cast %scan3A_930 : i32 to index
      %get3A_942 = arith.constant 0 : index
      %get3A_943 = tpu.vector_load %arg16[%get3A_941, %get3A_942] {strides = array<i32>} : memref<128x128xf32, #tpu.memory_space<vmem>>, vector<1x16xf32>,
      %get3A_944 = vector.shape_cast %get3A_943 : vector<1x16xf32> to vector<16xf32>
      %mul3A_945 = arith.mulf %add3A_940, %get3A_944 : vector<16xf32>
      %add3A_946 = arith.addf %scan3A_931, %mul3A_945 : vector<16xf32>
      %get3A_947 = arith.index_cast %scan3A_930 : i32 to index
      %get3A_948 = arith.constant 16 : index
      %get3A_949 = tpu.vector_load %arg15[%get3A_947, %get3A_948] {strides = array<i32>} : memref<128x128xf32, #tpu.memory_space<vmem>>, vector<1x16xf32>,
      %get3A_950 = vector.shape_cast %get3A_949 : vector<1x16xf32> to vector<16xf32>
      %get3A_951 = arith.index_cast %scan3A_930 : i32 to index
      %get3A_952 = arith.constant 16 : index
      %get3A_953 = tpu.vector_load %arg17[%get3A_951, %get3A_952] {strides = array<i32>} : memref<128x128xf32, #tpu.memory_space<vmem>>, vector<1x16xf32>,
      %get3A_954 = vector.shape_cast %get3A_953 : vector<1x16xf32> to vector<16xf32>
      %add3A_955 = arith.addf %get3A_950, %get3A_954 : vector<16xf32>
      %get3A_956 = arith.index_cast %scan3A_930 : i32 to index
      %get3A_957 = arith.constant 16 : index
      %get3A_958 = tpu.vector_load %arg16[%get3A_956, %get3A_957] {strides = array<i32>} : memref<128x128xf32, #tpu.memory_space<vmem>>, vector<1x16xf32>,
      %get3A_959 = vector.shape_cast %get3A_958 : vector<1x16xf32> to vector<16xf32>
      %mul3A_960 = arith.mulf %add3A_955, %get3A_959 : vector<16xf32>
      %add3A_961 = arith.addf %add3A_946, %mul3A_960 : vector<16xf32>
      %get3A_962 = arith.index_cast %scan3A_930 : i32 to index
      %get3A_963 = arith.constant 32 : index
      %get3A_964 = tpu.vector_load %arg15[%get3A_962, %get3A_963] {strides = array<i32>} : memref<128x128xf32, #tpu.memory_space<vmem>>, vector<1x16xf32>,
      %get3A_965 = vector.shape_cast %get3A_964 : vector<1x16xf32> to vector<16xf32>
      %get3A_966 = arith.index_cast %scan3A_930 : i32 to index
      %get3A_967 = arith.constant 32 : index
      %get3A_968 = tpu.vector_load %arg17[%get3A_966, %get3A_967] {strides = array<i32>} : memref<128x128xf32, #tpu.memory_space<vmem>>, vector<1x16xf32>,
      %get3A_969 = vector.shape_cast %get3A_968 : vector<1x16xf32> to vector<16xf32>
      %add3A_970 = arith.addf %get3A_965, %get3A_969 : vector<16xf32>
      %get3A_971 = arith.index_cast %scan3A_930 : i32 to index
      %get3A_972 = arith.constant 32 : index
      %get3A_973 = tpu.vector_load %arg16[%get3A_971, %get3A_972] {strides = array<i32>} : memref<128x128xf32, #tpu.memory_space<vmem>>, vector<1x16xf32>,
      %get3A_974 = vector.shape_cast %get3A_973 : vector<1x16xf32> to vector<16xf32>
      %mul3A_975 = arith.mulf %add3A_970, %get3A_974 : vector<16xf32>
      %add3A_976 = arith.addf %add3A_961, %mul3A_975 : vector<16xf32>
      %get3A_977 = arith.index_cast %scan3A_930 : i32 to index
      %get3A_978 = arith.constant 48 : index
      %get3A_979 = tpu.vector_load %arg15[%get3A_977, %get3A_978] {strides = array<i32>} : memref<128x128xf32, #tpu.memory_space<vmem>>, vector<1x16xf32>,
      %get3A_980 = vector.shape_cast %get3A_979 : vector<1x16xf32> to vector<16xf32>
      %get3A_981 = arith.index_cast %scan3A_930 : i32 to index
      %get3A_982 = arith.constant 48 : index
      %get3A_983 = tpu.vector_load %arg17[%get3A_981, %get3A_982] {strides = array<i32>} : memref<128x128xf32, #tpu.memory_space<vmem>>, vector<1x16xf32>,
      %get3A_984 = vector.shape_cast %get3A_983 : vector<1x16xf32> to vector<16xf32>
      %add3A_985 = arith.addf %get3A_980, %get3A_984 : vector<16xf32>
      %get3A_986 = arith.index_cast %scan3A_930 : i32 to index
      %get3A_987 = arith.constant 48 : index
      %get3A_988 = tpu.vector_load %arg16[%get3A_986, %get3A_987] {strides = array<i32>} : memref<128x128xf32, #tpu.memory_space<vmem>>, vector<1x16xf32>,
      %get3A_989 = vector.shape_cast %get3A_988 : vector<1x16xf32> to vector<16xf32>
      %mul3A_990 = arith.mulf %add3A_985, %get3A_989 : vector<16xf32>
      %add3A_991 = arith.addf %add3A_976, %mul3A_990 : vector<16xf32>
      %get3A_992 = arith.index_cast %scan3A_930 : i32 to index
      %get3A_993 = arith.constant 64 : index
      %get3A_994 = tpu.vector_load %arg15[%get3A_992, %get3A_993] {strides = array<i32>} : memref<128x128xf32, #tpu.memory_space<vmem>>, vector<1x16xf32>,
      %get3A_995 = vector.shape_cast %get3A_994 : vector<1x16xf32> to vector<16xf32>
      %get3A_996 = arith.index_cast %scan3A_930 : i32 to index
      %get3A_997 = arith.constant 64 : index
      %get3A_998 = tpu.vector_load %arg17[%get3A_996, %get3A_997] {strides = array<i32>} : memref<128x128xf32, #tpu.memory_space<vmem>>, vector<1x16xf32>,
      %get3A_999 = vector.shape_cast %get3A_998 : vector<1x16xf32> to vector<16xf32>
      %add3A_1000 = arith.addf %get3A_995, %get3A_999 : vector<16xf32>
      %get3A_1001 = arith.index_cast %scan3A_930 : i32 to index
      %get3A_1002 = arith.constant 64 : index
      %get3A_1003 = tpu.vector_load %arg16[%get3A_1001, %get3A_1002] {strides = array<i32>} : memref<128x128xf32, #tpu.memory_space<vmem>>, vector<1x16xf32>,
      %get3A_1004 = vector.shape_cast %get3A_1003 : vector<1x16xf32> to vector<16xf32>
      %mul3A_1005 = arith.mulf %add3A_1000, %get3A_1004 : vector<16xf32>
      %add3A_1006 = arith.addf %add3A_991, %mul3A_1005 : vector<16xf32>
      %get3A_1007 = arith.index_cast %scan3A_930 : i32 to index
      %get3A_1008 = arith.constant 80 : index
      %get3A_1009 = tpu.vector_load %arg15[%get3A_1007, %get3A_1008] {strides = array<i32>} : memref<128x128xf32, #tpu.memory_space<vmem>>, vector<1x16xf32>,
      %get3A_1010 = vector.shape_cast %get3A_1009 : vector<1x16xf32> to vector<16xf32>
      %get3A_1011 = arith.index_cast %scan3A_930 : i32 to index
      %get3A_1012 = arith.constant 80 : index
      %get3A_1013 = tpu.vector_load %arg17[%get3A_1011, %get3A_1012] {strides = array<i32>} : memref<128x128xf32, #tpu.memory_space<vmem>>, vector<1x16xf32>,
      %get3A_1014 = vector.shape_cast %get3A_1013 : vector<1x16xf32> to vector<16xf32>
      %add3A_1015 = arith.addf %get3A_1010, %get3A_1014 : vector<16xf32>
      %get3A_1016 = arith.index_cast %scan3A_930 : i32 to index
      %get3A_1017 = arith.constant 80 : index
      %get3A_1018 = tpu.vector_load %arg16[%get3A_1016, %get3A_1017] {strides = array<i32>} : memref<128x128xf32, #tpu.memory_space<vmem>>, vector<1x16xf32>,
      %get3A_1019 = vector.shape_cast %get3A_1018 : vector<1x16xf32> to vector<16xf32>
      %mul3A_1020 = arith.mulf %add3A_1015, %get3A_1019 : vector<16xf32>
      %add3A_1021 = arith.addf %add3A_1006, %mul3A_1020 : vector<16xf32>
      %get3A_1022 = arith.index_cast %scan3A_930 : i32 to index
      %get3A_1023 = arith.constant 96 : index
      %get3A_1024 = tpu.vector_load %arg15[%get3A_1022, %get3A_1023] {strides = array<i32>} : memref<128x128xf32, #tpu.memory_space<vmem>>, vector<1x16xf32>,
      %get3A_1025 = vector.shape_cast %get3A_1024 : vector<1x16xf32> to vector<16xf32>
      %get3A_1026 = arith.index_cast %scan3A_930 : i32 to index
      %get3A_1027 = arith.constant 96 : index
      %get3A_1028 = tpu.vector_load %arg17[%get3A_1026, %get3A_1027] {strides = array<i32>} : memref<128x128xf32, #tpu.memory_space<vmem>>, vector<1x16xf32>,
      %get3A_1029 = vector.shape_cast %get3A_1028 : vector<1x16xf32> to vector<16xf32>
      %add3A_1030 = arith.addf %get3A_1025, %get3A_1029 : vector<16xf32>
      %get3A_1031 = arith.index_cast %scan3A_930 : i32 to index
      %get3A_1032 = arith.constant 96 : index
      %get3A_1033 = tpu.vector_load %arg16[%get3A_1031, %get3A_1032] {strides = array<i32>} : memref<128x128xf32, #tpu.memory_space<vmem>>, vector<1x16xf32>,
      %get3A_1034 = vector.shape_cast %get3A_1033 : vector<1x16xf32> to vector<16xf32>
      %mul3A_1035 = arith.mulf %add3A_1030, %get3A_1034 : vector<16xf32>
      %add3A_1036 = arith.addf %add3A_1021, %mul3A_1035 : vector<16xf32>
      scf.yield %add3A_1036 : vector<16xf32>
    }
    %scan3A_291 = arith.constant 128 : i32
    %dma_wait3A_292 = arith.constant 0 : i32
    %dma_wait3A_293 = arith.constant 0 : i32
    %dma_wait3A_294 = arith.constant 0 : i32
    %dma_wait3A_295 = tpu.memref_slice %arg18[%dma_wait3A_293, %dma_wait3A_294] : memref<4x128xf32, #tpu.memory_space<vmem>> -> memref<1x128xf32, #tpu.memory_space<vmem>>
    %dma_wait3A_296 = tpu.memref_squeeze %dma_wait3A_295 : memref<1x128xf32, #tpu.memory_space<vmem>> -> memref<128xf32, #tpu.memory_space<vmem>>
    %dma_wait3A_297 = arith.constant 0 : i32
    %dma_wait3A_298 = tpu.memref_slice %arg12[%dma_wait3A_292, %dma_wait3A_297] : memref<4x128xi32, #tpu.memory_space<vmem>> -> memref<1x128xi32, #tpu.memory_space<vmem>>
    %dma_wait3A_299 = tpu.memref_squeeze %dma_wait3A_298 : memref<1x128xi32, #tpu.memory_space<vmem>> -> memref<128xi32, #tpu.memory_space<vmem>>
    %dma_wait3A_300 = arith.constant 0 : i32
    %dma_wait3A_301 = tpu.memref_slice %arg5[%dma_wait3A_300] : memref<100000xf32, #tpu.memory_space<hbm>> -> memref<100000xf32, #tpu.memory_space<hbm>>
    tpu.wait_indirect_dma semaphore(%arg23 : memref<!tpu.dma_semaphore, #tpu.memory_space<semaphore_mem>>) src(%dma_wait3A_301 : memref<100000xf32, #tpu.memory_space<hbm>>) dst(%dma_wait3A_296 : memref<128xf32, #tpu.memory_space<vmem>>)
    %dma_wait3A_302 = arith.constant 0 : i32
    %dma_wait3A_303 = arith.constant 0 : i32
    %dma_wait3A_304 = arith.constant 0 : i32
    %dma_wait3A_305 = tpu.memref_slice %arg19[%dma_wait3A_303, %dma_wait3A_304] : memref<4x128xf32, #tpu.memory_space<vmem>> -> memref<1x128xf32, #tpu.memory_space<vmem>>
    %dma_wait3A_306 = tpu.memref_squeeze %dma_wait3A_305 : memref<1x128xf32, #tpu.memory_space<vmem>> -> memref<128xf32, #tpu.memory_space<vmem>>
    %dma_wait3A_307 = arith.constant 0 : i32
    %dma_wait3A_308 = tpu.memref_slice %arg13[%dma_wait3A_302, %dma_wait3A_307] : memref<4x128xi32, #tpu.memory_space<vmem>> -> memref<1x128xi32, #tpu.memory_space<vmem>>
    %dma_wait3A_309 = tpu.memref_squeeze %dma_wait3A_308 : memref<1x128xi32, #tpu.memory_space<vmem>> -> memref<128xi32, #tpu.memory_space<vmem>>
    %dma_wait3A_310 = arith.constant 0 : i32
    %dma_wait3A_311 = tpu.memref_slice %arg6[%dma_wait3A_310] : memref<100000xf32, #tpu.memory_space<hbm>> -> memref<100000xf32, #tpu.memory_space<hbm>>
    tpu.wait_indirect_dma semaphore(%arg23 : memref<!tpu.dma_semaphore, #tpu.memory_space<semaphore_mem>>) src(%dma_wait3A_311 : memref<100000xf32, #tpu.memory_space<hbm>>) dst(%dma_wait3A_306 : memref<128xf32, #tpu.memory_space<vmem>>)
    %dma_wait3A_312 = arith.constant 1 : i32
    %dma_wait3A_313 = arith.constant 1 : i32
    %dma_wait3A_314 = arith.constant 0 : i32
    %dma_wait3A_315 = tpu.memref_slice %arg18[%dma_wait3A_313, %dma_wait3A_314] : memref<4x128xf32, #tpu.memory_space<vmem>> -> memref<1x128xf32, #tpu.memory_space<vmem>>
    %dma_wait3A_316 = tpu.memref_squeeze %dma_wait3A_315 : memref<1x128xf32, #tpu.memory_space<vmem>> -> memref<128xf32, #tpu.memory_space<vmem>>
    %dma_wait3A_317 = arith.constant 0 : i32
    %dma_wait3A_318 = tpu.memref_slice %arg12[%dma_wait3A_312, %dma_wait3A_317] : memref<4x128xi32, #tpu.memory_space<vmem>> -> memref<1x128xi32, #tpu.memory_space<vmem>>
    %dma_wait3A_319 = tpu.memref_squeeze %dma_wait3A_318 : memref<1x128xi32, #tpu.memory_space<vmem>> -> memref<128xi32, #tpu.memory_space<vmem>>
    %dma_wait3A_320 = arith.constant 0 : i32
    %dma_wait3A_321 = tpu.memref_slice %arg5[%dma_wait3A_320] : memref<100000xf32, #tpu.memory_space<hbm>> -> memref<100000xf32, #tpu.memory_space<hbm>>
    tpu.wait_indirect_dma semaphore(%arg23 : memref<!tpu.dma_semaphore, #tpu.memory_space<semaphore_mem>>) src(%dma_wait3A_321 : memref<100000xf32, #tpu.memory_space<hbm>>) dst(%dma_wait3A_316 : memref<128xf32, #tpu.memory_space<vmem>>)
    %dma_wait3A_322 = arith.constant 1 : i32
    %dma_wait3A_323 = arith.constant 1 : i32
    %dma_wait3A_324 = arith.constant 0 : i32
    %dma_wait3A_325 = tpu.memref_slice %arg19[%dma_wait3A_323, %dma_wait3A_324] : memref<4x128xf32, #tpu.memory_space<vmem>> -> memref<1x128xf32, #tpu.memory_space<vmem>>
    %dma_wait3A_326 = tpu.memref_squeeze %dma_wait3A_325 : memref<1x128xf32, #tpu.memory_space<vmem>> -> memref<128xf32, #tpu.memory_space<vmem>>
    %dma_wait3A_327 = arith.constant 0 : i32
    %dma_wait3A_328 = tpu.memref_slice %arg13[%dma_wait3A_322, %dma_wait3A_327] : memref<4x128xi32, #tpu.memory_space<vmem>> -> memref<1x128xi32, #tpu.memory_space<vmem>>
    %dma_wait3A_329 = tpu.memref_squeeze %dma_wait3A_328 : memref<1x128xi32, #tpu.memory_space<vmem>> -> memref<128xi32, #tpu.memory_space<vmem>>
    %dma_wait3A_330 = arith.constant 0 : i32
    %dma_wait3A_331 = tpu.memref_slice %arg6[%dma_wait3A_330] : memref<100000xf32, #tpu.memory_space<hbm>> -> memref<100000xf32, #tpu.memory_space<hbm>>
    tpu.wait_indirect_dma semaphore(%arg23 : memref<!tpu.dma_semaphore, #tpu.memory_space<semaphore_mem>>) src(%dma_wait3A_331 : memref<100000xf32, #tpu.memory_space<hbm>>) dst(%dma_wait3A_326 : memref<128xf32, #tpu.memory_space<vmem>>)
    %dma_wait3A_332 = arith.constant 2 : i32
    %dma_wait3A_333 = arith.constant 2 : i32
    %dma_wait3A_334 = arith.constant 0 : i32
    %dma_wait3A_335 = tpu.memref_slice %arg18[%dma_wait3A_333, %dma_wait3A_334] : memref<4x128xf32, #tpu.memory_space<vmem>> -> memref<1x128xf32, #tpu.memory_space<vmem>>
    %dma_wait3A_336 = tpu.memref_squeeze %dma_wait3A_335 : memref<1x128xf32, #tpu.memory_space<vmem>> -> memref<128xf32, #tpu.memory_space<vmem>>
    %dma_wait3A_337 = arith.constant 0 : i32
    %dma_wait3A_338 = tpu.memref_slice %arg12[%dma_wait3A_332, %dma_wait3A_337] : memref<4x128xi32, #tpu.memory_space<vmem>> -> memref<1x128xi32, #tpu.memory_space<vmem>>
    %dma_wait3A_339 = tpu.memref_squeeze %dma_wait3A_338 : memref<1x128xi32, #tpu.memory_space<vmem>> -> memref<128xi32, #tpu.memory_space<vmem>>
    %dma_wait3A_340 = arith.constant 0 : i32
    %dma_wait3A_341 = tpu.memref_slice %arg5[%dma_wait3A_340] : memref<100000xf32, #tpu.memory_space<hbm>> -> memref<100000xf32, #tpu.memory_space<hbm>>
    tpu.wait_indirect_dma semaphore(%arg23 : memref<!tpu.dma_semaphore, #tpu.memory_space<semaphore_mem>>) src(%dma_wait3A_341 : memref<100000xf32, #tpu.memory_space<hbm>>) dst(%dma_wait3A_336 : memref<128xf32, #tpu.memory_space<vmem>>)
    %dma_wait3A_342 = arith.constant 2 : i32
    %dma_wait3A_343 = arith.constant 2 : i32
    %dma_wait3A_344 = arith.constant 0 : i32
    %dma_wait3A_345 = tpu.memref_slice %arg19[%dma_wait3A_343, %dma_wait3A_344] : memref<4x128xf32, #tpu.memory_space<vmem>> -> memref<1x128xf32, #tpu.memory_space<vmem>>
    %dma_wait3A_346 = tpu.memref_squeeze %dma_wait3A_345 : memref<1x128xf32, #tpu.memory_space<vmem>> -> memref<128xf32, #tpu.memory_space<vmem>>
    %dma_wait3A_347 = arith.constant 0 : i32
    %dma_wait3A_348 = tpu.memref_slice %arg13[%dma_wait3A_342, %dma_wait3A_347] : memref<4x128xi32, #tpu.memory_space<vmem>> -> memref<1x128xi32, #tpu.memory_space<vmem>>
    %dma_wait3A_349 = tpu.memref_squeeze %dma_wait3A_348 : memref<1x128xi32, #tpu.memory_space<vmem>> -> memref<128xi32, #tpu.memory_space<vmem>>
    %dma_wait3A_350 = arith.constant 0 : i32
    %dma_wait3A_351 = tpu.memref_slice %arg6[%dma_wait3A_350] : memref<100000xf32, #tpu.memory_space<hbm>> -> memref<100000xf32, #tpu.memory_space<hbm>>
    tpu.wait_indirect_dma semaphore(%arg23 : memref<!tpu.dma_semaphore, #tpu.memory_space<semaphore_mem>>) src(%dma_wait3A_351 : memref<100000xf32, #tpu.memory_space<hbm>>) dst(%dma_wait3A_346 : memref<128xf32, #tpu.memory_space<vmem>>)
    %dma_wait3A_352 = arith.constant 3 : i32
    %dma_wait3A_353 = arith.constant 3 : i32
    %dma_wait3A_354 = arith.constant 0 : i32
    %dma_wait3A_355 = tpu.memref_slice %arg18[%dma_wait3A_353, %dma_wait3A_354] : memref<4x128xf32, #tpu.memory_space<vmem>> -> memref<1x128xf32, #tpu.memory_space<vmem>>
    %dma_wait3A_356 = tpu.memref_squeeze %dma_wait3A_355 : memref<1x128xf32, #tpu.memory_space<vmem>> -> memref<128xf32, #tpu.memory_space<vmem>>
    %dma_wait3A_357 = arith.constant 0 : i32
    %dma_wait3A_358 = tpu.memref_slice %arg12[%dma_wait3A_352, %dma_wait3A_357] : memref<4x128xi32, #tpu.memory_space<vmem>> -> memref<1x128xi32, #tpu.memory_space<vmem>>
    %dma_wait3A_359 = tpu.memref_squeeze %dma_wait3A_358 : memref<1x128xi32, #tpu.memory_space<vmem>> -> memref<128xi32, #tpu.memory_space<vmem>>
    %dma_wait3A_360 = arith.constant 0 : i32
    %dma_wait3A_361 = tpu.memref_slice %arg5[%dma_wait3A_360] : memref<100000xf32, #tpu.memory_space<hbm>> -> memref<100000xf32, #tpu.memory_space<hbm>>
    tpu.wait_indirect_dma semaphore(%arg23 : memref<!tpu.dma_semaphore, #tpu.memory_space<semaphore_mem>>) src(%dma_wait3A_361 : memref<100000xf32, #tpu.memory_space<hbm>>) dst(%dma_wait3A_356 : memref<128xf32, #tpu.memory_space<vmem>>)
    %dma_wait3A_362 = arith.constant 3 : i32
    %dma_wait3A_363 = arith.constant 3 : i32
    %dma_wait3A_364 = arith.constant 0 : i32
    %dma_wait3A_365 = tpu.memref_slice %arg19[%dma_wait3A_363, %dma_wait3A_364] : memref<4x128xf32, #tpu.memory_space<vmem>> -> memref<1x128xf32, #tpu.memory_space<vmem>>
    %dma_wait3A_366 = tpu.memref_squeeze %dma_wait3A_365 : memref<1x128xf32, #tpu.memory_space<vmem>> -> memref<128xf32, #tpu.memory_space<vmem>>
    %dma_wait3A_367 = arith.constant 0 : i32
    %dma_wait3A_368 = tpu.memref_slice %arg13[%dma_wait3A_362, %dma_wait3A_367] : memref<4x128xi32, #tpu.memory_space<vmem>> -> memref<1x128xi32, #tpu.memory_space<vmem>>
    %dma_wait3A_369 = tpu.memref_squeeze %dma_wait3A_368 : memref<1x128xi32, #tpu.memory_space<vmem>> -> memref<128xi32, #tpu.memory_space<vmem>>
    %dma_wait3A_370 = arith.constant 0 : i32
    %dma_wait3A_371 = tpu.memref_slice %arg6[%dma_wait3A_370] : memref<100000xf32, #tpu.memory_space<hbm>> -> memref<100000xf32, #tpu.memory_space<hbm>>
    tpu.wait_indirect_dma semaphore(%arg23 : memref<!tpu.dma_semaphore, #tpu.memory_space<semaphore_mem>>) src(%dma_wait3A_371 : memref<100000xf32, #tpu.memory_space<hbm>>) dst(%dma_wait3A_366 : memref<128xf32, #tpu.memory_space<vmem>>)
    %get3A = arith.constant 0 : i32
    %get3A_372 = arith.index_cast %get3A : i32 to index
    %get3A_373 = arith.constant 0 : index
    %get3A_374 = tpu.vector_load %arg18[%get3A_372, %get3A_373] {strides = array<i32>} : memref<4x128xf32, #tpu.memory_space<vmem>>, vector<1x16xf32>,
    %get3A_375 = vector.shape_cast %get3A_374 : vector<1x16xf32> to vector<16xf32>
    %get3A_376 = arith.constant 0 : i32
    %get3A_377 = arith.index_cast %get3A_376 : i32 to index
    %get3A_378 = arith.constant 0 : index
    %get3A_379 = tpu.vector_load %arg19[%get3A_377, %get3A_378] {strides = array<i32>} : memref<4x128xf32, #tpu.memory_space<vmem>>, vector<1x16xf32>,
    %get3A_380 = vector.shape_cast %get3A_379 : vector<1x16xf32> to vector<16xf32>
    %add3A_381 = arith.addf %get3A_375, %get3A_380 : vector<16xf32>
    %swap3A = arith.constant 0 : i32
    %swap3A_382 = arith.index_cast %swap3A : i32 to index
    %swap3A_383 = arith.constant 0 : index
    %swap3A_384 = tpu.vector_load %arg20[%swap3A_382, %swap3A_383] {strides = array<i32>} : memref<4x128xf32, #tpu.memory_space<vmem>>, vector<1x16xf32>,
    %swap3A_385 = vector.shape_cast %swap3A_384 : vector<1x16xf32> to vector<16xf32>
    %swap3A_386 = vector.shape_cast %add3A_381 : vector<16xf32> to vector<1x16xf32>
    tpu.vector_store %arg20[%swap3A_382, %swap3A_383], %swap3A_386 {strides = array<i32>} : memref<4x128xf32, #tpu.memory_space<vmem>>, vector<1x16xf32>,
    %get3A_387 = arith.constant 0 : i32
    %get3A_388 = arith.index_cast %get3A_387 : i32 to index
    %get3A_389 = arith.constant 16 : index
    %get3A_390 = tpu.vector_load %arg18[%get3A_388, %get3A_389] {strides = array<i32>} : memref<4x128xf32, #tpu.memory_space<vmem>>, vector<1x16xf32>,
    %get3A_391 = vector.shape_cast %get3A_390 : vector<1x16xf32> to vector<16xf32>
    %get3A_392 = arith.constant 0 : i32
    %get3A_393 = arith.index_cast %get3A_392 : i32 to index
    %get3A_394 = arith.constant 16 : index
    %get3A_395 = tpu.vector_load %arg19[%get3A_393, %get3A_394] {strides = array<i32>} : memref<4x128xf32, #tpu.memory_space<vmem>>, vector<1x16xf32>,
    %get3A_396 = vector.shape_cast %get3A_395 : vector<1x16xf32> to vector<16xf32>
    %add3A_397 = arith.addf %get3A_391, %get3A_396 : vector<16xf32>
    %swap3A_398 = arith.constant 0 : i32
    %swap3A_399 = arith.index_cast %swap3A_398 : i32 to index
    %swap3A_400 = arith.constant 16 : index
    %swap3A_401 = tpu.vector_load %arg20[%swap3A_399, %swap3A_400] {strides = array<i32>} : memref<4x128xf32, #tpu.memory_space<vmem>>, vector<1x16xf32>,
    %swap3A_402 = vector.shape_cast %swap3A_401 : vector<1x16xf32> to vector<16xf32>
    %swap3A_403 = vector.shape_cast %add3A_397 : vector<16xf32> to vector<1x16xf32>
    tpu.vector_store %arg20[%swap3A_399, %swap3A_400], %swap3A_403 {strides = array<i32>} : memref<4x128xf32, #tpu.memory_space<vmem>>, vector<1x16xf32>,
    %get3A_404 = arith.constant 0 : i32
    %get3A_405 = arith.index_cast %get3A_404 : i32 to index
    %get3A_406 = arith.constant 32 : index
    %get3A_407 = tpu.vector_load %arg18[%get3A_405, %get3A_406] {strides = array<i32>} : memref<4x128xf32, #tpu.memory_space<vmem>>, vector<1x16xf32>,
    %get3A_408 = vector.shape_cast %get3A_407 : vector<1x16xf32> to vector<16xf32>
    %get3A_409 = arith.constant 0 : i32
    %get3A_410 = arith.index_cast %get3A_409 : i32 to index
    %get3A_411 = arith.constant 32 : index
    %get3A_412 = tpu.vector_load %arg19[%get3A_410, %get3A_411] {strides = array<i32>} : memref<4x128xf32, #tpu.memory_space<vmem>>, vector<1x16xf32>,
    %get3A_413 = vector.shape_cast %get3A_412 : vector<1x16xf32> to vector<16xf32>
    %add3A_414 = arith.addf %get3A_408, %get3A_413 : vector<16xf32>
    %swap3A_415 = arith.constant 0 : i32
    %swap3A_416 = arith.index_cast %swap3A_415 : i32 to index
    %swap3A_417 = arith.constant 32 : index
    %swap3A_418 = tpu.vector_load %arg20[%swap3A_416, %swap3A_417] {strides = array<i32>} : memref<4x128xf32, #tpu.memory_space<vmem>>, vector<1x16xf32>,
    %swap3A_419 = vector.shape_cast %swap3A_418 : vector<1x16xf32> to vector<16xf32>
    %swap3A_420 = vector.shape_cast %add3A_414 : vector<16xf32> to vector<1x16xf32>
    tpu.vector_store %arg20[%swap3A_416, %swap3A_417], %swap3A_420 {strides = array<i32>} : memref<4x128xf32, #tpu.memory_space<vmem>>, vector<1x16xf32>,
    %get3A_421 = arith.constant 0 : i32
    %get3A_422 = arith.index_cast %get3A_421 : i32 to index
    %get3A_423 = arith.constant 48 : index
    %get3A_424 = tpu.vector_load %arg18[%get3A_422, %get3A_423] {strides = array<i32>} : memref<4x128xf32, #tpu.memory_space<vmem>>, vector<1x16xf32>,
    %get3A_425 = vector.shape_cast %get3A_424 : vector<1x16xf32> to vector<16xf32>
    %get3A_426 = arith.constant 0 : i32
    %get3A_427 = arith.index_cast %get3A_426 : i32 to index
    %get3A_428 = arith.constant 48 : index
    %get3A_429 = tpu.vector_load %arg19[%get3A_427, %get3A_428] {strides = array<i32>} : memref<4x128xf32, #tpu.memory_space<vmem>>, vector<1x16xf32>,
    %get3A_430 = vector.shape_cast %get3A_429 : vector<1x16xf32> to vector<16xf32>
    %add3A_431 = arith.addf %get3A_425, %get3A_430 : vector<16xf32>
    %swap3A_432 = arith.constant 0 : i32
    %swap3A_433 = arith.index_cast %swap3A_432 : i32 to index
    %swap3A_434 = arith.constant 48 : index
    %swap3A_435 = tpu.vector_load %arg20[%swap3A_433, %swap3A_434] {strides = array<i32>} : memref<4x128xf32, #tpu.memory_space<vmem>>, vector<1x16xf32>,
    %swap3A_436 = vector.shape_cast %swap3A_435 : vector<1x16xf32> to vector<16xf32>
    %swap3A_437 = vector.shape_cast %add3A_431 : vector<16xf32> to vector<1x16xf32>
    tpu.vector_store %arg20[%swap3A_433, %swap3A_434], %swap3A_437 {strides = array<i32>} : memref<4x128xf32, #tpu.memory_space<vmem>>, vector<1x16xf32>,
    %get3A_438 = arith.constant 0 : i32
    %get3A_439 = arith.index_cast %get3A_438 : i32 to index
    %get3A_440 = arith.constant 64 : index
    %get3A_441 = tpu.vector_load %arg18[%get3A_439, %get3A_440] {strides = array<i32>} : memref<4x128xf32, #tpu.memory_space<vmem>>, vector<1x16xf32>,
    %get3A_442 = vector.shape_cast %get3A_441 : vector<1x16xf32> to vector<16xf32>
    %get3A_443 = arith.constant 0 : i32
    %get3A_444 = arith.index_cast %get3A_443 : i32 to index
    %get3A_445 = arith.constant 64 : index
    %get3A_446 = tpu.vector_load %arg19[%get3A_444, %get3A_445] {strides = array<i32>} : memref<4x128xf32, #tpu.memory_space<vmem>>, vector<1x16xf32>,
    %get3A_447 = vector.shape_cast %get3A_446 : vector<1x16xf32> to vector<16xf32>
    %add3A_448 = arith.addf %get3A_442, %get3A_447 : vector<16xf32>
    %swap3A_449 = arith.constant 0 : i32
    %swap3A_450 = arith.index_cast %swap3A_449 : i32 to index
    %swap3A_451 = arith.constant 64 : index
    %swap3A_452 = tpu.vector_load %arg20[%swap3A_450, %swap3A_451] {strides = array<i32>} : memref<4x128xf32, #tpu.memory_space<vmem>>, vector<1x16xf32>,
    %swap3A_453 = vector.shape_cast %swap3A_452 : vector<1x16xf32> to vector<16xf32>
    %swap3A_454 = vector.shape_cast %add3A_448 : vector<16xf32> to vector<1x16xf32>
    tpu.vector_store %arg20[%swap3A_450, %swap3A_451], %swap3A_454 {strides = array<i32>} : memref<4x128xf32, #tpu.memory_space<vmem>>, vector<1x16xf32>,
    %get3A_455 = arith.constant 0 : i32
    %get3A_456 = arith.index_cast %get3A_455 : i32 to index
    %get3A_457 = arith.constant 80 : index
    %get3A_458 = tpu.vector_load %arg18[%get3A_456, %get3A_457] {strides = array<i32>} : memref<4x128xf32, #tpu.memory_space<vmem>>, vector<1x16xf32>,
    %get3A_459 = vector.shape_cast %get3A_458 : vector<1x16xf32> to vector<16xf32>
    %get3A_460 = arith.constant 0 : i32
    %get3A_461 = arith.index_cast %get3A_460 : i32 to index
    %get3A_462 = arith.constant 80 : index
    %get3A_463 = tpu.vector_load %arg19[%get3A_461, %get3A_462] {strides = array<i32>} : memref<4x128xf32, #tpu.memory_space<vmem>>, vector<1x16xf32>,
    %get3A_464 = vector.shape_cast %get3A_463 : vector<1x16xf32> to vector<16xf32>
    %add3A_465 = arith.addf %get3A_459, %get3A_464 : vector<16xf32>
    %swap3A_466 = arith.constant 0 : i32
    %swap3A_467 = arith.index_cast %swap3A_466 : i32 to index
    %swap3A_468 = arith.constant 80 : index
    %swap3A_469 = tpu.vector_load %arg20[%swap3A_467, %swap3A_468] {strides = array<i32>} : memref<4x128xf32, #tpu.memory_space<vmem>>, vector<1x16xf32>,
    %swap3A_470 = vector.shape_cast %swap3A_469 : vector<1x16xf32> to vector<16xf32>
    %swap3A_471 = vector.shape_cast %add3A_465 : vector<16xf32> to vector<1x16xf32>
    tpu.vector_store %arg20[%swap3A_467, %swap3A_468], %swap3A_471 {strides = array<i32>} : memref<4x128xf32, #tpu.memory_space<vmem>>, vector<1x16xf32>,
    %get3A_472 = arith.constant 0 : i32
    %get3A_473 = arith.index_cast %get3A_472 : i32 to index
    %get3A_474 = arith.constant 96 : index
    %get3A_475 = tpu.vector_load %arg18[%get3A_473, %get3A_474] {strides = array<i32>} : memref<4x128xf32, #tpu.memory_space<vmem>>, vector<1x16xf32>,
    %get3A_476 = vector.shape_cast %get3A_475 : vector<1x16xf32> to vector<16xf32>
    %get3A_477 = arith.constant 0 : i32
    %get3A_478 = arith.index_cast %get3A_477 : i32 to index
    %get3A_479 = arith.constant 96 : index
    %get3A_480 = tpu.vector_load %arg19[%get3A_478, %get3A_479] {strides = array<i32>} : memref<4x128xf32, #tpu.memory_space<vmem>>, vector<1x16xf32>,
    %get3A_481 = vector.shape_cast %get3A_480 : vector<1x16xf32> to vector<16xf32>
    %add3A_482 = arith.addf %get3A_476, %get3A_481 : vector<16xf32>
    %swap3A_483 = arith.constant 0 : i32
    %swap3A_484 = arith.index_cast %swap3A_483 : i32 to index
    %swap3A_485 = arith.constant 96 : index
    %swap3A_486 = tpu.vector_load %arg20[%swap3A_484, %swap3A_485] {strides = array<i32>} : memref<4x128xf32, #tpu.memory_space<vmem>>, vector<1x16xf32>,
    %swap3A_487 = vector.shape_cast %swap3A_486 : vector<1x16xf32> to vector<16xf32>
    %swap3A_488 = vector.shape_cast %add3A_482 : vector<16xf32> to vector<1x16xf32>
    tpu.vector_store %arg20[%swap3A_484, %swap3A_485], %swap3A_488 {strides = array<i32>} : memref<4x128xf32, #tpu.memory_space<vmem>>, vector<1x16xf32>,
    %get3A_489 = arith.constant 0 : i32
    %get3A_490 = arith.index_cast %get3A_489 : i32 to index
    %get3A_491 = arith.constant 112 : index
    %get3A_492 = tpu.vector_load %arg18[%get3A_490, %get3A_491] {strides = array<i32>} : memref<4x128xf32, #tpu.memory_space<vmem>>, vector<1x16xf32>,
    %get3A_493 = vector.shape_cast %get3A_492 : vector<1x16xf32> to vector<16xf32>
    %get3A_494 = arith.constant 0 : i32
    %get3A_495 = arith.index_cast %get3A_494 : i32 to index
    %get3A_496 = arith.constant 112 : index
    %get3A_497 = tpu.vector_load %arg19[%get3A_495, %get3A_496] {strides = array<i32>} : memref<4x128xf32, #tpu.memory_space<vmem>>, vector<1x16xf32>,
    %get3A_498 = vector.shape_cast %get3A_497 : vector<1x16xf32> to vector<16xf32>
    %add3A_499 = arith.addf %get3A_493, %get3A_498 : vector<16xf32>
    %swap3A_500 = arith.constant 0 : i32
    %swap3A_501 = arith.index_cast %swap3A_500 : i32 to index
    %swap3A_502 = arith.constant 112 : index
    %swap3A_503 = tpu.vector_load %arg20[%swap3A_501, %swap3A_502] {strides = array<i32>} : memref<4x128xf32, #tpu.memory_space<vmem>>, vector<1x16xf32>,
    %swap3A_504 = vector.shape_cast %swap3A_503 : vector<1x16xf32> to vector<16xf32>
    %swap3A_505 = vector.shape_cast %add3A_499 : vector<16xf32> to vector<1x16xf32>
    tpu.vector_store %arg20[%swap3A_501, %swap3A_502], %swap3A_505 {strides = array<i32>} : memref<4x128xf32, #tpu.memory_space<vmem>>, vector<1x16xf32>,
    %add3A_506 = arith.constant 0 : i32
    %add3A_507 = arith.addi %mul3A_2, %add3A_506 : i32
    %run_scoped3A_508 = arith.constant 0 : i32
    "tpu.region"() ({
      %run_scoped3A_930 = tpu.sem_alloc : memref<!tpu.dma_semaphore, #tpu.memory_space<semaphore_mem>>
      %dma_start3A_931 = arith.constant 0 : i32
      %dma_start3A_932 = tpu.memref_slice %arg20[%run_scoped3A_508, %dma_start3A_931] : memref<4x128xf32, #tpu.memory_space<vmem>> -> memref<1x128xf32, #tpu.memory_space<vmem>>
      %dma_start3A_933 = tpu.memref_squeeze %dma_start3A_932 : memref<1x128xf32, #tpu.memory_space<vmem>> -> memref<128xf32, #tpu.memory_space<vmem>>
      %dma_start3A_934 = tpu.memref_slice %arg11[%add3A_507] : memref<16384xf32, #tpu.memory_space<hbm>> -> memref<128xf32, #tpu.memory_space<hbm>>
      %dma_start3A_935 = tpu.memref_slice %arg11[%add3A_507] : memref<16384xf32, #tpu.memory_space<hbm>> -> memref<128xf32, #tpu.memory_space<hbm>>
      %dma_start3A_936 = arith.constant 0 : i32
      %dma_start3A_937 = tpu.memref_slice %arg20[%run_scoped3A_508, %dma_start3A_936] : memref<4x128xf32, #tpu.memory_space<vmem>> -> memref<1x128xf32, #tpu.memory_space<vmem>>
      %dma_start3A_938 = tpu.memref_squeeze %dma_start3A_937 : memref<1x128xf32, #tpu.memory_space<vmem>> -> memref<128xf32, #tpu.memory_space<vmem>>
      tpu.enqueue_dma source(%dma_start3A_938 : memref<128xf32, #tpu.memory_space<vmem>>) target(%dma_start3A_935 : memref<128xf32, #tpu.memory_space<hbm>>) target_semaphore(%run_scoped3A_930 : memref<!tpu.dma_semaphore, #tpu.memory_space<semaphore_mem>>)
      %dma_wait3A_939 = arith.constant 0 : i32
      %dma_wait3A_940 = tpu.memref_slice %arg20[%run_scoped3A_508, %dma_wait3A_939] : memref<4x128xf32, #tpu.memory_space<vmem>> -> memref<1x128xf32, #tpu.memory_space<vmem>>
      %dma_wait3A_941 = tpu.memref_squeeze %dma_wait3A_940 : memref<1x128xf32, #tpu.memory_space<vmem>> -> memref<128xf32, #tpu.memory_space<vmem>>
      %dma_wait3A_942 = tpu.memref_slice %arg11[%add3A_507] : memref<16384xf32, #tpu.memory_space<hbm>> -> memref<128xf32, #tpu.memory_space<hbm>>
      %dma_wait3A_943 = tpu.memref_slice %arg11[%add3A_507] : memref<16384xf32, #tpu.memory_space<hbm>> -> memref<128xf32, #tpu.memory_space<hbm>>
      %dma_wait3A_944 = arith.constant 0 : i32
      %dma_wait3A_945 = tpu.memref_slice %arg20[%run_scoped3A_508, %dma_wait3A_944] : memref<4x128xf32, #tpu.memory_space<vmem>> -> memref<1x128xf32, #tpu.memory_space<vmem>>
      %dma_wait3A_946 = tpu.memref_squeeze %dma_wait3A_945 : memref<1x128xf32, #tpu.memory_space<vmem>> -> memref<128xf32, #tpu.memory_space<vmem>>
      tpu.wait_dma2 semaphore(%run_scoped3A_930 : memref<!tpu.dma_semaphore, #tpu.memory_space<semaphore_mem>>) src(%dma_wait3A_946 : memref<128xf32, #tpu.memory_space<vmem>>) dst(%dma_wait3A_943 : memref<128xf32, #tpu.memory_space<hbm>>)
      tpu.yield
    }) : () -> ()
    %get3A_509 = arith.constant 1 : i32
    %get3A_510 = arith.index_cast %get3A_509 : i32 to index
    %get3A_511 = arith.constant 0 : index
    %get3A_512 = tpu.vector_load %arg18[%get3A_510, %get3A_511] {strides = array<i32>} : memref<4x128xf32, #tpu.memory_space<vmem>>, vector<1x16xf32>,
    %get3A_513 = vector.shape_cast %get3A_512 : vector<1x16xf32> to vector<16xf32>
    %get3A_514 = arith.constant 1 : i32
    %get3A_515 = arith.index_cast %get3A_514 : i32 to index
    %get3A_516 = arith.constant 0 : index
    %get3A_517 = tpu.vector_load %arg19[%get3A_515, %get3A_516] {strides = array<i32>} : memref<4x128xf32, #tpu.memory_space<vmem>>, vector<1x16xf32>,
    %get3A_518 = vector.shape_cast %get3A_517 : vector<1x16xf32> to vector<16xf32>
    %add3A_519 = arith.addf %get3A_513, %get3A_518 : vector<16xf32>
    %swap3A_520 = arith.constant 1 : i32
    %swap3A_521 = arith.index_cast %swap3A_520 : i32 to index
    %swap3A_522 = arith.constant 0 : index
    %swap3A_523 = tpu.vector_load %arg20[%swap3A_521, %swap3A_522] {strides = array<i32>} : memref<4x128xf32, #tpu.memory_space<vmem>>, vector<1x16xf32>,
    %swap3A_524 = vector.shape_cast %swap3A_523 : vector<1x16xf32> to vector<16xf32>
    %swap3A_525 = vector.shape_cast %add3A_519 : vector<16xf32> to vector<1x16xf32>
    tpu.vector_store %arg20[%swap3A_521, %swap3A_522], %swap3A_525 {strides = array<i32>} : memref<4x128xf32, #tpu.memory_space<vmem>>, vector<1x16xf32>,
    %get3A_526 = arith.constant 1 : i32
    %get3A_527 = arith.index_cast %get3A_526 : i32 to index
    %get3A_528 = arith.constant 16 : index
    %get3A_529 = tpu.vector_load %arg18[%get3A_527, %get3A_528] {strides = array<i32>} : memref<4x128xf32, #tpu.memory_space<vmem>>, vector<1x16xf32>,
    %get3A_530 = vector.shape_cast %get3A_529 : vector<1x16xf32> to vector<16xf32>
    %get3A_531 = arith.constant 1 : i32
    %get3A_532 = arith.index_cast %get3A_531 : i32 to index
    %get3A_533 = arith.constant 16 : index
    %get3A_534 = tpu.vector_load %arg19[%get3A_532, %get3A_533] {strides = array<i32>} : memref<4x128xf32, #tpu.memory_space<vmem>>, vector<1x16xf32>,
    %get3A_535 = vector.shape_cast %get3A_534 : vector<1x16xf32> to vector<16xf32>
    %add3A_536 = arith.addf %get3A_530, %get3A_535 : vector<16xf32>
    %swap3A_537 = arith.constant 1 : i32
    %swap3A_538 = arith.index_cast %swap3A_537 : i32 to index
    %swap3A_539 = arith.constant 16 : index
    %swap3A_540 = tpu.vector_load %arg20[%swap3A_538, %swap3A_539] {strides = array<i32>} : memref<4x128xf32, #tpu.memory_space<vmem>>, vector<1x16xf32>,
    %swap3A_541 = vector.shape_cast %swap3A_540 : vector<1x16xf32> to vector<16xf32>
    %swap3A_542 = vector.shape_cast %add3A_536 : vector<16xf32> to vector<1x16xf32>
    tpu.vector_store %arg20[%swap3A_538, %swap3A_539], %swap3A_542 {strides = array<i32>} : memref<4x128xf32, #tpu.memory_space<vmem>>, vector<1x16xf32>,
    %get3A_543 = arith.constant 1 : i32
    %get3A_544 = arith.index_cast %get3A_543 : i32 to index
    %get3A_545 = arith.constant 32 : index
    %get3A_546 = tpu.vector_load %arg18[%get3A_544, %get3A_545] {strides = array<i32>} : memref<4x128xf32, #tpu.memory_space<vmem>>, vector<1x16xf32>,
    %get3A_547 = vector.shape_cast %get3A_546 : vector<1x16xf32> to vector<16xf32>
    %get3A_548 = arith.constant 1 : i32
    %get3A_549 = arith.index_cast %get3A_548 : i32 to index
    %get3A_550 = arith.constant 32 : index
    %get3A_551 = tpu.vector_load %arg19[%get3A_549, %get3A_550] {strides = array<i32>} : memref<4x128xf32, #tpu.memory_space<vmem>>, vector<1x16xf32>,
    %get3A_552 = vector.shape_cast %get3A_551 : vector<1x16xf32> to vector<16xf32>
    %add3A_553 = arith.addf %get3A_547, %get3A_552 : vector<16xf32>
    %swap3A_554 = arith.constant 1 : i32
    %swap3A_555 = arith.index_cast %swap3A_554 : i32 to index
    %swap3A_556 = arith.constant 32 : index
    %swap3A_557 = tpu.vector_load %arg20[%swap3A_555, %swap3A_556] {strides = array<i32>} : memref<4x128xf32, #tpu.memory_space<vmem>>, vector<1x16xf32>,
    %swap3A_558 = vector.shape_cast %swap3A_557 : vector<1x16xf32> to vector<16xf32>
    %swap3A_559 = vector.shape_cast %add3A_553 : vector<16xf32> to vector<1x16xf32>
    tpu.vector_store %arg20[%swap3A_555, %swap3A_556], %swap3A_559 {strides = array<i32>} : memref<4x128xf32, #tpu.memory_space<vmem>>, vector<1x16xf32>,
    %get3A_560 = arith.constant 1 : i32
    %get3A_561 = arith.index_cast %get3A_560 : i32 to index
    %get3A_562 = arith.constant 48 : index
    %get3A_563 = tpu.vector_load %arg18[%get3A_561, %get3A_562] {strides = array<i32>} : memref<4x128xf32, #tpu.memory_space<vmem>>, vector<1x16xf32>,
    %get3A_564 = vector.shape_cast %get3A_563 : vector<1x16xf32> to vector<16xf32>
    %get3A_565 = arith.constant 1 : i32
    %get3A_566 = arith.index_cast %get3A_565 : i32 to index
    %get3A_567 = arith.constant 48 : index
    %get3A_568 = tpu.vector_load %arg19[%get3A_566, %get3A_567] {strides = array<i32>} : memref<4x128xf32, #tpu.memory_space<vmem>>, vector<1x16xf32>,
    %get3A_569 = vector.shape_cast %get3A_568 : vector<1x16xf32> to vector<16xf32>
    %add3A_570 = arith.addf %get3A_564, %get3A_569 : vector<16xf32>
    %swap3A_571 = arith.constant 1 : i32
    %swap3A_572 = arith.index_cast %swap3A_571 : i32 to index
    %swap3A_573 = arith.constant 48 : index
    %swap3A_574 = tpu.vector_load %arg20[%swap3A_572, %swap3A_573] {strides = array<i32>} : memref<4x128xf32, #tpu.memory_space<vmem>>, vector<1x16xf32>,
    %swap3A_575 = vector.shape_cast %swap3A_574 : vector<1x16xf32> to vector<16xf32>
    %swap3A_576 = vector.shape_cast %add3A_570 : vector<16xf32> to vector<1x16xf32>
    tpu.vector_store %arg20[%swap3A_572, %swap3A_573], %swap3A_576 {strides = array<i32>} : memref<4x128xf32, #tpu.memory_space<vmem>>, vector<1x16xf32>,
    %get3A_577 = arith.constant 1 : i32
    %get3A_578 = arith.index_cast %get3A_577 : i32 to index
    %get3A_579 = arith.constant 64 : index
    %get3A_580 = tpu.vector_load %arg18[%get3A_578, %get3A_579] {strides = array<i32>} : memref<4x128xf32, #tpu.memory_space<vmem>>, vector<1x16xf32>,
    %get3A_581 = vector.shape_cast %get3A_580 : vector<1x16xf32> to vector<16xf32>
    %get3A_582 = arith.constant 1 : i32
    %get3A_583 = arith.index_cast %get3A_582 : i32 to index
    %get3A_584 = arith.constant 64 : index
    %get3A_585 = tpu.vector_load %arg19[%get3A_583, %get3A_584] {strides = array<i32>} : memref<4x128xf32, #tpu.memory_space<vmem>>, vector<1x16xf32>,
    %get3A_586 = vector.shape_cast %get3A_585 : vector<1x16xf32> to vector<16xf32>
    %add3A_587 = arith.addf %get3A_581, %get3A_586 : vector<16xf32>
    %swap3A_588 = arith.constant 1 : i32
    %swap3A_589 = arith.index_cast %swap3A_588 : i32 to index
    %swap3A_590 = arith.constant 64 : index
    %swap3A_591 = tpu.vector_load %arg20[%swap3A_589, %swap3A_590] {strides = array<i32>} : memref<4x128xf32, #tpu.memory_space<vmem>>, vector<1x16xf32>,
    %swap3A_592 = vector.shape_cast %swap3A_591 : vector<1x16xf32> to vector<16xf32>
    %swap3A_593 = vector.shape_cast %add3A_587 : vector<16xf32> to vector<1x16xf32>
    tpu.vector_store %arg20[%swap3A_589, %swap3A_590], %swap3A_593 {strides = array<i32>} : memref<4x128xf32, #tpu.memory_space<vmem>>, vector<1x16xf32>,
    %get3A_594 = arith.constant 1 : i32
    %get3A_595 = arith.index_cast %get3A_594 : i32 to index
    %get3A_596 = arith.constant 80 : index
    %get3A_597 = tpu.vector_load %arg18[%get3A_595, %get3A_596] {strides = array<i32>} : memref<4x128xf32, #tpu.memory_space<vmem>>, vector<1x16xf32>,
    %get3A_598 = vector.shape_cast %get3A_597 : vector<1x16xf32> to vector<16xf32>
    %get3A_599 = arith.constant 1 : i32
    %get3A_600 = arith.index_cast %get3A_599 : i32 to index
    %get3A_601 = arith.constant 80 : index
    %get3A_602 = tpu.vector_load %arg19[%get3A_600, %get3A_601] {strides = array<i32>} : memref<4x128xf32, #tpu.memory_space<vmem>>, vector<1x16xf32>,
    %get3A_603 = vector.shape_cast %get3A_602 : vector<1x16xf32> to vector<16xf32>
    %add3A_604 = arith.addf %get3A_598, %get3A_603 : vector<16xf32>
    %swap3A_605 = arith.constant 1 : i32
    %swap3A_606 = arith.index_cast %swap3A_605 : i32 to index
    %swap3A_607 = arith.constant 80 : index
    %swap3A_608 = tpu.vector_load %arg20[%swap3A_606, %swap3A_607] {strides = array<i32>} : memref<4x128xf32, #tpu.memory_space<vmem>>, vector<1x16xf32>,
    %swap3A_609 = vector.shape_cast %swap3A_608 : vector<1x16xf32> to vector<16xf32>
    %swap3A_610 = vector.shape_cast %add3A_604 : vector<16xf32> to vector<1x16xf32>
    tpu.vector_store %arg20[%swap3A_606, %swap3A_607], %swap3A_610 {strides = array<i32>} : memref<4x128xf32, #tpu.memory_space<vmem>>, vector<1x16xf32>,
    %get3A_611 = arith.constant 1 : i32
    %get3A_612 = arith.index_cast %get3A_611 : i32 to index
    %get3A_613 = arith.constant 96 : index
    %get3A_614 = tpu.vector_load %arg18[%get3A_612, %get3A_613] {strides = array<i32>} : memref<4x128xf32, #tpu.memory_space<vmem>>, vector<1x16xf32>,
    %get3A_615 = vector.shape_cast %get3A_614 : vector<1x16xf32> to vector<16xf32>
    %get3A_616 = arith.constant 1 : i32
    %get3A_617 = arith.index_cast %get3A_616 : i32 to index
    %get3A_618 = arith.constant 96 : index
    %get3A_619 = tpu.vector_load %arg19[%get3A_617, %get3A_618] {strides = array<i32>} : memref<4x128xf32, #tpu.memory_space<vmem>>, vector<1x16xf32>,
    %get3A_620 = vector.shape_cast %get3A_619 : vector<1x16xf32> to vector<16xf32>
    %add3A_621 = arith.addf %get3A_615, %get3A_620 : vector<16xf32>
    %swap3A_622 = arith.constant 1 : i32
    %swap3A_623 = arith.index_cast %swap3A_622 : i32 to index
    %swap3A_624 = arith.constant 96 : index
    %swap3A_625 = tpu.vector_load %arg20[%swap3A_623, %swap3A_624] {strides = array<i32>} : memref<4x128xf32, #tpu.memory_space<vmem>>, vector<1x16xf32>,
    %swap3A_626 = vector.shape_cast %swap3A_625 : vector<1x16xf32> to vector<16xf32>
    %swap3A_627 = vector.shape_cast %add3A_621 : vector<16xf32> to vector<1x16xf32>
    tpu.vector_store %arg20[%swap3A_623, %swap3A_624], %swap3A_627 {strides = array<i32>} : memref<4x128xf32, #tpu.memory_space<vmem>>, vector<1x16xf32>,
    %get3A_628 = arith.constant 1 : i32
    %get3A_629 = arith.index_cast %get3A_628 : i32 to index
    %get3A_630 = arith.constant 112 : index
    %get3A_631 = tpu.vector_load %arg18[%get3A_629, %get3A_630] {strides = array<i32>} : memref<4x128xf32, #tpu.memory_space<vmem>>, vector<1x16xf32>,
    %get3A_632 = vector.shape_cast %get3A_631 : vector<1x16xf32> to vector<16xf32>
    %get3A_633 = arith.constant 1 : i32
    %get3A_634 = arith.index_cast %get3A_633 : i32 to index
    %get3A_635 = arith.constant 112 : index
    %get3A_636 = tpu.vector_load %arg19[%get3A_634, %get3A_635] {strides = array<i32>} : memref<4x128xf32, #tpu.memory_space<vmem>>, vector<1x16xf32>,
    %get3A_637 = vector.shape_cast %get3A_636 : vector<1x16xf32> to vector<16xf32>
    %add3A_638 = arith.addf %get3A_632, %get3A_637 : vector<16xf32>
    %swap3A_639 = arith.constant 1 : i32
    %swap3A_640 = arith.index_cast %swap3A_639 : i32 to index
    %swap3A_641 = arith.constant 112 : index
    %swap3A_642 = tpu.vector_load %arg20[%swap3A_640, %swap3A_641] {strides = array<i32>} : memref<4x128xf32, #tpu.memory_space<vmem>>, vector<1x16xf32>,
    %swap3A_643 = vector.shape_cast %swap3A_642 : vector<1x16xf32> to vector<16xf32>
    %swap3A_644 = vector.shape_cast %add3A_638 : vector<16xf32> to vector<1x16xf32>
    tpu.vector_store %arg20[%swap3A_640, %swap3A_641], %swap3A_644 {strides = array<i32>} : memref<4x128xf32, #tpu.memory_space<vmem>>, vector<1x16xf32>,
    %add3A_645 = arith.constant 128 : i32
    %add3A_646 = arith.addi %mul3A_2, %add3A_645 : i32
    %run_scoped3A_647 = arith.constant 1 : i32
    "tpu.region"() ({
      %run_scoped3A_930 = tpu.sem_alloc : memref<!tpu.dma_semaphore, #tpu.memory_space<semaphore_mem>>
      %dma_start3A_931 = arith.constant 0 : i32
      %dma_start3A_932 = tpu.memref_slice %arg20[%run_scoped3A_647, %dma_start3A_931] : memref<4x128xf32, #tpu.memory_space<vmem>> -> memref<1x128xf32, #tpu.memory_space<vmem>>
      %dma_start3A_933 = tpu.memref_squeeze %dma_start3A_932 : memref<1x128xf32, #tpu.memory_space<vmem>> -> memref<128xf32, #tpu.memory_space<vmem>>
      %dma_start3A_934 = tpu.memref_slice %arg11[%add3A_646] : memref<16384xf32, #tpu.memory_space<hbm>> -> memref<128xf32, #tpu.memory_space<hbm>>
      %dma_start3A_935 = tpu.memref_slice %arg11[%add3A_646] : memref<16384xf32, #tpu.memory_space<hbm>> -> memref<128xf32, #tpu.memory_space<hbm>>
      %dma_start3A_936 = arith.constant 0 : i32
      %dma_start3A_937 = tpu.memref_slice %arg20[%run_scoped3A_647, %dma_start3A_936] : memref<4x128xf32, #tpu.memory_space<vmem>> -> memref<1x128xf32, #tpu.memory_space<vmem>>
      %dma_start3A_938 = tpu.memref_squeeze %dma_start3A_937 : memref<1x128xf32, #tpu.memory_space<vmem>> -> memref<128xf32, #tpu.memory_space<vmem>>
      tpu.enqueue_dma source(%dma_start3A_938 : memref<128xf32, #tpu.memory_space<vmem>>) target(%dma_start3A_935 : memref<128xf32, #tpu.memory_space<hbm>>) target_semaphore(%run_scoped3A_930 : memref<!tpu.dma_semaphore, #tpu.memory_space<semaphore_mem>>)
      %dma_wait3A_939 = arith.constant 0 : i32
      %dma_wait3A_940 = tpu.memref_slice %arg20[%run_scoped3A_647, %dma_wait3A_939] : memref<4x128xf32, #tpu.memory_space<vmem>> -> memref<1x128xf32, #tpu.memory_space<vmem>>
      %dma_wait3A_941 = tpu.memref_squeeze %dma_wait3A_940 : memref<1x128xf32, #tpu.memory_space<vmem>> -> memref<128xf32, #tpu.memory_space<vmem>>
      %dma_wait3A_942 = tpu.memref_slice %arg11[%add3A_646] : memref<16384xf32, #tpu.memory_space<hbm>> -> memref<128xf32, #tpu.memory_space<hbm>>
      %dma_wait3A_943 = tpu.memref_slice %arg11[%add3A_646] : memref<16384xf32, #tpu.memory_space<hbm>> -> memref<128xf32, #tpu.memory_space<hbm>>
      %dma_wait3A_944 = arith.constant 0 : i32
      %dma_wait3A_945 = tpu.memref_slice %arg20[%run_scoped3A_647, %dma_wait3A_944] : memref<4x128xf32, #tpu.memory_space<vmem>> -> memref<1x128xf32, #tpu.memory_space<vmem>>
      %dma_wait3A_946 = tpu.memref_squeeze %dma_wait3A_945 : memref<1x128xf32, #tpu.memory_space<vmem>> -> memref<128xf32, #tpu.memory_space<vmem>>
      tpu.wait_dma2 semaphore(%run_scoped3A_930 : memref<!tpu.dma_semaphore, #tpu.memory_space<semaphore_mem>>) src(%dma_wait3A_946 : memref<128xf32, #tpu.memory_space<vmem>>) dst(%dma_wait3A_943 : memref<128xf32, #tpu.memory_space<hbm>>)
      tpu.yield
    }) : () -> ()
    %get3A_648 = arith.constant 2 : i32
    %get3A_649 = arith.index_cast %get3A_648 : i32 to index
    %get3A_650 = arith.constant 0 : index
    %get3A_651 = tpu.vector_load %arg18[%get3A_649, %get3A_650] {strides = array<i32>} : memref<4x128xf32, #tpu.memory_space<vmem>>, vector<1x16xf32>,
    %get3A_652 = vector.shape_cast %get3A_651 : vector<1x16xf32> to vector<16xf32>
    %get3A_653 = arith.constant 2 : i32
    %get3A_654 = arith.index_cast %get3A_653 : i32 to index
    %get3A_655 = arith.constant 0 : index
    %get3A_656 = tpu.vector_load %arg19[%get3A_654, %get3A_655] {strides = array<i32>} : memref<4x128xf32, #tpu.memory_space<vmem>>, vector<1x16xf32>,
    %get3A_657 = vector.shape_cast %get3A_656 : vector<1x16xf32> to vector<16xf32>
    %add3A_658 = arith.addf %get3A_652, %get3A_657 : vector<16xf32>
    %swap3A_659 = arith.constant 2 : i32
    %swap3A_660 = arith.index_cast %swap3A_659 : i32 to index
    %swap3A_661 = arith.constant 0 : index
    %swap3A_662 = tpu.vector_load %arg20[%swap3A_660, %swap3A_661] {strides = array<i32>} : memref<4x128xf32, #tpu.memory_space<vmem>>, vector<1x16xf32>,
    %swap3A_663 = vector.shape_cast %swap3A_662 : vector<1x16xf32> to vector<16xf32>
    %swap3A_664 = vector.shape_cast %add3A_658 : vector<16xf32> to vector<1x16xf32>
    tpu.vector_store %arg20[%swap3A_660, %swap3A_661], %swap3A_664 {strides = array<i32>} : memref<4x128xf32, #tpu.memory_space<vmem>>, vector<1x16xf32>,
    %get3A_665 = arith.constant 2 : i32
    %get3A_666 = arith.index_cast %get3A_665 : i32 to index
    %get3A_667 = arith.constant 16 : index
    %get3A_668 = tpu.vector_load %arg18[%get3A_666, %get3A_667] {strides = array<i32>} : memref<4x128xf32, #tpu.memory_space<vmem>>, vector<1x16xf32>,
    %get3A_669 = vector.shape_cast %get3A_668 : vector<1x16xf32> to vector<16xf32>
    %get3A_670 = arith.constant 2 : i32
    %get3A_671 = arith.index_cast %get3A_670 : i32 to index
    %get3A_672 = arith.constant 16 : index
    %get3A_673 = tpu.vector_load %arg19[%get3A_671, %get3A_672] {strides = array<i32>} : memref<4x128xf32, #tpu.memory_space<vmem>>, vector<1x16xf32>,
    %get3A_674 = vector.shape_cast %get3A_673 : vector<1x16xf32> to vector<16xf32>
    %add3A_675 = arith.addf %get3A_669, %get3A_674 : vector<16xf32>
    %swap3A_676 = arith.constant 2 : i32
    %swap3A_677 = arith.index_cast %swap3A_676 : i32 to index
    %swap3A_678 = arith.constant 16 : index
    %swap3A_679 = tpu.vector_load %arg20[%swap3A_677, %swap3A_678] {strides = array<i32>} : memref<4x128xf32, #tpu.memory_space<vmem>>, vector<1x16xf32>,
    %swap3A_680 = vector.shape_cast %swap3A_679 : vector<1x16xf32> to vector<16xf32>
    %swap3A_681 = vector.shape_cast %add3A_675 : vector<16xf32> to vector<1x16xf32>
    tpu.vector_store %arg20[%swap3A_677, %swap3A_678], %swap3A_681 {strides = array<i32>} : memref<4x128xf32, #tpu.memory_space<vmem>>, vector<1x16xf32>,
    %get3A_682 = arith.constant 2 : i32
    %get3A_683 = arith.index_cast %get3A_682 : i32 to index
    %get3A_684 = arith.constant 32 : index
    %get3A_685 = tpu.vector_load %arg18[%get3A_683, %get3A_684] {strides = array<i32>} : memref<4x128xf32, #tpu.memory_space<vmem>>, vector<1x16xf32>,
    %get3A_686 = vector.shape_cast %get3A_685 : vector<1x16xf32> to vector<16xf32>
    %get3A_687 = arith.constant 2 : i32
    %get3A_688 = arith.index_cast %get3A_687 : i32 to index
    %get3A_689 = arith.constant 32 : index
    %get3A_690 = tpu.vector_load %arg19[%get3A_688, %get3A_689] {strides = array<i32>} : memref<4x128xf32, #tpu.memory_space<vmem>>, vector<1x16xf32>,
    %get3A_691 = vector.shape_cast %get3A_690 : vector<1x16xf32> to vector<16xf32>
    %add3A_692 = arith.addf %get3A_686, %get3A_691 : vector<16xf32>
    %swap3A_693 = arith.constant 2 : i32
    %swap3A_694 = arith.index_cast %swap3A_693 : i32 to index
    %swap3A_695 = arith.constant 32 : index
    %swap3A_696 = tpu.vector_load %arg20[%swap3A_694, %swap3A_695] {strides = array<i32>} : memref<4x128xf32, #tpu.memory_space<vmem>>, vector<1x16xf32>,
    %swap3A_697 = vector.shape_cast %swap3A_696 : vector<1x16xf32> to vector<16xf32>
    %swap3A_698 = vector.shape_cast %add3A_692 : vector<16xf32> to vector<1x16xf32>
    tpu.vector_store %arg20[%swap3A_694, %swap3A_695], %swap3A_698 {strides = array<i32>} : memref<4x128xf32, #tpu.memory_space<vmem>>, vector<1x16xf32>,
    %get3A_699 = arith.constant 2 : i32
    %get3A_700 = arith.index_cast %get3A_699 : i32 to index
    %get3A_701 = arith.constant 48 : index
    %get3A_702 = tpu.vector_load %arg18[%get3A_700, %get3A_701] {strides = array<i32>} : memref<4x128xf32, #tpu.memory_space<vmem>>, vector<1x16xf32>,
    %get3A_703 = vector.shape_cast %get3A_702 : vector<1x16xf32> to vector<16xf32>
    %get3A_704 = arith.constant 2 : i32
    %get3A_705 = arith.index_cast %get3A_704 : i32 to index
    %get3A_706 = arith.constant 48 : index
    %get3A_707 = tpu.vector_load %arg19[%get3A_705, %get3A_706] {strides = array<i32>} : memref<4x128xf32, #tpu.memory_space<vmem>>, vector<1x16xf32>,
    %get3A_708 = vector.shape_cast %get3A_707 : vector<1x16xf32> to vector<16xf32>
    %add3A_709 = arith.addf %get3A_703, %get3A_708 : vector<16xf32>
    %swap3A_710 = arith.constant 2 : i32
    %swap3A_711 = arith.index_cast %swap3A_710 : i32 to index
    %swap3A_712 = arith.constant 48 : index
    %swap3A_713 = tpu.vector_load %arg20[%swap3A_711, %swap3A_712] {strides = array<i32>} : memref<4x128xf32, #tpu.memory_space<vmem>>, vector<1x16xf32>,
    %swap3A_714 = vector.shape_cast %swap3A_713 : vector<1x16xf32> to vector<16xf32>
    %swap3A_715 = vector.shape_cast %add3A_709 : vector<16xf32> to vector<1x16xf32>
    tpu.vector_store %arg20[%swap3A_711, %swap3A_712], %swap3A_715 {strides = array<i32>} : memref<4x128xf32, #tpu.memory_space<vmem>>, vector<1x16xf32>,
    %get3A_716 = arith.constant 2 : i32
    %get3A_717 = arith.index_cast %get3A_716 : i32 to index
    %get3A_718 = arith.constant 64 : index
    %get3A_719 = tpu.vector_load %arg18[%get3A_717, %get3A_718] {strides = array<i32>} : memref<4x128xf32, #tpu.memory_space<vmem>>, vector<1x16xf32>,
    %get3A_720 = vector.shape_cast %get3A_719 : vector<1x16xf32> to vector<16xf32>
    %get3A_721 = arith.constant 2 : i32
    %get3A_722 = arith.index_cast %get3A_721 : i32 to index
    %get3A_723 = arith.constant 64 : index
    %get3A_724 = tpu.vector_load %arg19[%get3A_722, %get3A_723] {strides = array<i32>} : memref<4x128xf32, #tpu.memory_space<vmem>>, vector<1x16xf32>,
    %get3A_725 = vector.shape_cast %get3A_724 : vector<1x16xf32> to vector<16xf32>
    %add3A_726 = arith.addf %get3A_720, %get3A_725 : vector<16xf32>
    %swap3A_727 = arith.constant 2 : i32
    %swap3A_728 = arith.index_cast %swap3A_727 : i32 to index
    %swap3A_729 = arith.constant 64 : index
    %swap3A_730 = tpu.vector_load %arg20[%swap3A_728, %swap3A_729] {strides = array<i32>} : memref<4x128xf32, #tpu.memory_space<vmem>>, vector<1x16xf32>,
    %swap3A_731 = vector.shape_cast %swap3A_730 : vector<1x16xf32> to vector<16xf32>
    %swap3A_732 = vector.shape_cast %add3A_726 : vector<16xf32> to vector<1x16xf32>
    tpu.vector_store %arg20[%swap3A_728, %swap3A_729], %swap3A_732 {strides = array<i32>} : memref<4x128xf32, #tpu.memory_space<vmem>>, vector<1x16xf32>,
    %get3A_733 = arith.constant 2 : i32
    %get3A_734 = arith.index_cast %get3A_733 : i32 to index
    %get3A_735 = arith.constant 80 : index
    %get3A_736 = tpu.vector_load %arg18[%get3A_734, %get3A_735] {strides = array<i32>} : memref<4x128xf32, #tpu.memory_space<vmem>>, vector<1x16xf32>,
    %get3A_737 = vector.shape_cast %get3A_736 : vector<1x16xf32> to vector<16xf32>
    %get3A_738 = arith.constant 2 : i32
    %get3A_739 = arith.index_cast %get3A_738 : i32 to index
    %get3A_740 = arith.constant 80 : index
    %get3A_741 = tpu.vector_load %arg19[%get3A_739, %get3A_740] {strides = array<i32>} : memref<4x128xf32, #tpu.memory_space<vmem>>, vector<1x16xf32>,
    %get3A_742 = vector.shape_cast %get3A_741 : vector<1x16xf32> to vector<16xf32>
    %add3A_743 = arith.addf %get3A_737, %get3A_742 : vector<16xf32>
    %swap3A_744 = arith.constant 2 : i32
    %swap3A_745 = arith.index_cast %swap3A_744 : i32 to index
    %swap3A_746 = arith.constant 80 : index
    %swap3A_747 = tpu.vector_load %arg20[%swap3A_745, %swap3A_746] {strides = array<i32>} : memref<4x128xf32, #tpu.memory_space<vmem>>, vector<1x16xf32>,
    %swap3A_748 = vector.shape_cast %swap3A_747 : vector<1x16xf32> to vector<16xf32>
    %swap3A_749 = vector.shape_cast %add3A_743 : vector<16xf32> to vector<1x16xf32>
    tpu.vector_store %arg20[%swap3A_745, %swap3A_746], %swap3A_749 {strides = array<i32>} : memref<4x128xf32, #tpu.memory_space<vmem>>, vector<1x16xf32>,
    %get3A_750 = arith.constant 2 : i32
    %get3A_751 = arith.index_cast %get3A_750 : i32 to index
    %get3A_752 = arith.constant 96 : index
    %get3A_753 = tpu.vector_load %arg18[%get3A_751, %get3A_752] {strides = array<i32>} : memref<4x128xf32, #tpu.memory_space<vmem>>, vector<1x16xf32>,
    %get3A_754 = vector.shape_cast %get3A_753 : vector<1x16xf32> to vector<16xf32>
    %get3A_755 = arith.constant 2 : i32
    %get3A_756 = arith.index_cast %get3A_755 : i32 to index
    %get3A_757 = arith.constant 96 : index
    %get3A_758 = tpu.vector_load %arg19[%get3A_756, %get3A_757] {strides = array<i32>} : memref<4x128xf32, #tpu.memory_space<vmem>>, vector<1x16xf32>,
    %get3A_759 = vector.shape_cast %get3A_758 : vector<1x16xf32> to vector<16xf32>
    %add3A_760 = arith.addf %get3A_754, %get3A_759 : vector<16xf32>
    %swap3A_761 = arith.constant 2 : i32
    %swap3A_762 = arith.index_cast %swap3A_761 : i32 to index
    %swap3A_763 = arith.constant 96 : index
    %swap3A_764 = tpu.vector_load %arg20[%swap3A_762, %swap3A_763] {strides = array<i32>} : memref<4x128xf32, #tpu.memory_space<vmem>>, vector<1x16xf32>,
    %swap3A_765 = vector.shape_cast %swap3A_764 : vector<1x16xf32> to vector<16xf32>
    %swap3A_766 = vector.shape_cast %add3A_760 : vector<16xf32> to vector<1x16xf32>
    tpu.vector_store %arg20[%swap3A_762, %swap3A_763], %swap3A_766 {strides = array<i32>} : memref<4x128xf32, #tpu.memory_space<vmem>>, vector<1x16xf32>,
    %get3A_767 = arith.constant 2 : i32
    %get3A_768 = arith.index_cast %get3A_767 : i32 to index
    %get3A_769 = arith.constant 112 : index
    %get3A_770 = tpu.vector_load %arg18[%get3A_768, %get3A_769] {strides = array<i32>} : memref<4x128xf32, #tpu.memory_space<vmem>>, vector<1x16xf32>,
    %get3A_771 = vector.shape_cast %get3A_770 : vector<1x16xf32> to vector<16xf32>
    %get3A_772 = arith.constant 2 : i32
    %get3A_773 = arith.index_cast %get3A_772 : i32 to index
    %get3A_774 = arith.constant 112 : index
    %get3A_775 = tpu.vector_load %arg19[%get3A_773, %get3A_774] {strides = array<i32>} : memref<4x128xf32, #tpu.memory_space<vmem>>, vector<1x16xf32>,
    %get3A_776 = vector.shape_cast %get3A_775 : vector<1x16xf32> to vector<16xf32>
    %add3A_777 = arith.addf %get3A_771, %get3A_776 : vector<16xf32>
    %swap3A_778 = arith.constant 2 : i32
    %swap3A_779 = arith.index_cast %swap3A_778 : i32 to index
    %swap3A_780 = arith.constant 112 : index
    %swap3A_781 = tpu.vector_load %arg20[%swap3A_779, %swap3A_780] {strides = array<i32>} : memref<4x128xf32, #tpu.memory_space<vmem>>, vector<1x16xf32>,
    %swap3A_782 = vector.shape_cast %swap3A_781 : vector<1x16xf32> to vector<16xf32>
    %swap3A_783 = vector.shape_cast %add3A_777 : vector<16xf32> to vector<1x16xf32>
    tpu.vector_store %arg20[%swap3A_779, %swap3A_780], %swap3A_783 {strides = array<i32>} : memref<4x128xf32, #tpu.memory_space<vmem>>, vector<1x16xf32>,
    %add3A_784 = arith.constant 256 : i32
    %add3A_785 = arith.addi %mul3A_2, %add3A_784 : i32
    %run_scoped3A_786 = arith.constant 2 : i32
    "tpu.region"() ({
      %run_scoped3A_930 = tpu.sem_alloc : memref<!tpu.dma_semaphore, #tpu.memory_space<semaphore_mem>>
      %dma_start3A_931 = arith.constant 0 : i32
      %dma_start3A_932 = tpu.memref_slice %arg20[%run_scoped3A_786, %dma_start3A_931] : memref<4x128xf32, #tpu.memory_space<vmem>> -> memref<1x128xf32, #tpu.memory_space<vmem>>
      %dma_start3A_933 = tpu.memref_squeeze %dma_start3A_932 : memref<1x128xf32, #tpu.memory_space<vmem>> -> memref<128xf32, #tpu.memory_space<vmem>>
      %dma_start3A_934 = tpu.memref_slice %arg11[%add3A_785] : memref<16384xf32, #tpu.memory_space<hbm>> -> memref<128xf32, #tpu.memory_space<hbm>>
      %dma_start3A_935 = tpu.memref_slice %arg11[%add3A_785] : memref<16384xf32, #tpu.memory_space<hbm>> -> memref<128xf32, #tpu.memory_space<hbm>>
      %dma_start3A_936 = arith.constant 0 : i32
      %dma_start3A_937 = tpu.memref_slice %arg20[%run_scoped3A_786, %dma_start3A_936] : memref<4x128xf32, #tpu.memory_space<vmem>> -> memref<1x128xf32, #tpu.memory_space<vmem>>
      %dma_start3A_938 = tpu.memref_squeeze %dma_start3A_937 : memref<1x128xf32, #tpu.memory_space<vmem>> -> memref<128xf32, #tpu.memory_space<vmem>>
      tpu.enqueue_dma source(%dma_start3A_938 : memref<128xf32, #tpu.memory_space<vmem>>) target(%dma_start3A_935 : memref<128xf32, #tpu.memory_space<hbm>>) target_semaphore(%run_scoped3A_930 : memref<!tpu.dma_semaphore, #tpu.memory_space<semaphore_mem>>)
      %dma_wait3A_939 = arith.constant 0 : i32
      %dma_wait3A_940 = tpu.memref_slice %arg20[%run_scoped3A_786, %dma_wait3A_939] : memref<4x128xf32, #tpu.memory_space<vmem>> -> memref<1x128xf32, #tpu.memory_space<vmem>>
      %dma_wait3A_941 = tpu.memref_squeeze %dma_wait3A_940 : memref<1x128xf32, #tpu.memory_space<vmem>> -> memref<128xf32, #tpu.memory_space<vmem>>
      %dma_wait3A_942 = tpu.memref_slice %arg11[%add3A_785] : memref<16384xf32, #tpu.memory_space<hbm>> -> memref<128xf32, #tpu.memory_space<hbm>>
      %dma_wait3A_943 = tpu.memref_slice %arg11[%add3A_785] : memref<16384xf32, #tpu.memory_space<hbm>> -> memref<128xf32, #tpu.memory_space<hbm>>
      %dma_wait3A_944 = arith.constant 0 : i32
      %dma_wait3A_945 = tpu.memref_slice %arg20[%run_scoped3A_786, %dma_wait3A_944] : memref<4x128xf32, #tpu.memory_space<vmem>> -> memref<1x128xf32, #tpu.memory_space<vmem>>
      %dma_wait3A_946 = tpu.memref_squeeze %dma_wait3A_945 : memref<1x128xf32, #tpu.memory_space<vmem>> -> memref<128xf32, #tpu.memory_space<vmem>>
      tpu.wait_dma2 semaphore(%run_scoped3A_930 : memref<!tpu.dma_semaphore, #tpu.memory_space<semaphore_mem>>) src(%dma_wait3A_946 : memref<128xf32, #tpu.memory_space<vmem>>) dst(%dma_wait3A_943 : memref<128xf32, #tpu.memory_space<hbm>>)
      tpu.yield
    }) : () -> ()
    %get3A_787 = arith.constant 3 : i32
    %get3A_788 = arith.index_cast %get3A_787 : i32 to index
    %get3A_789 = arith.constant 0 : index
    %get3A_790 = tpu.vector_load %arg18[%get3A_788, %get3A_789] {strides = array<i32>} : memref<4x128xf32, #tpu.memory_space<vmem>>, vector<1x16xf32>,
    %get3A_791 = vector.shape_cast %get3A_790 : vector<1x16xf32> to vector<16xf32>
    %get3A_792 = arith.constant 3 : i32
    %get3A_793 = arith.index_cast %get3A_792 : i32 to index
    %get3A_794 = arith.constant 0 : index
    %get3A_795 = tpu.vector_load %arg19[%get3A_793, %get3A_794] {strides = array<i32>} : memref<4x128xf32, #tpu.memory_space<vmem>>, vector<1x16xf32>,
    %get3A_796 = vector.shape_cast %get3A_795 : vector<1x16xf32> to vector<16xf32>
    %add3A_797 = arith.addf %get3A_791, %get3A_796 : vector<16xf32>
    %swap3A_798 = arith.constant 3 : i32
    %swap3A_799 = arith.index_cast %swap3A_798 : i32 to index
    %swap3A_800 = arith.constant 0 : index
    %swap3A_801 = tpu.vector_load %arg20[%swap3A_799, %swap3A_800] {strides = array<i32>} : memref<4x128xf32, #tpu.memory_space<vmem>>, vector<1x16xf32>,
    %swap3A_802 = vector.shape_cast %swap3A_801 : vector<1x16xf32> to vector<16xf32>
    %swap3A_803 = vector.shape_cast %add3A_797 : vector<16xf32> to vector<1x16xf32>
    tpu.vector_store %arg20[%swap3A_799, %swap3A_800], %swap3A_803 {strides = array<i32>} : memref<4x128xf32, #tpu.memory_space<vmem>>, vector<1x16xf32>,
    %get3A_804 = arith.constant 3 : i32
    %get3A_805 = arith.index_cast %get3A_804 : i32 to index
    %get3A_806 = arith.constant 16 : index
    %get3A_807 = tpu.vector_load %arg18[%get3A_805, %get3A_806] {strides = array<i32>} : memref<4x128xf32, #tpu.memory_space<vmem>>, vector<1x16xf32>,
    %get3A_808 = vector.shape_cast %get3A_807 : vector<1x16xf32> to vector<16xf32>
    %get3A_809 = arith.constant 3 : i32
    %get3A_810 = arith.index_cast %get3A_809 : i32 to index
    %get3A_811 = arith.constant 16 : index
    %get3A_812 = tpu.vector_load %arg19[%get3A_810, %get3A_811] {strides = array<i32>} : memref<4x128xf32, #tpu.memory_space<vmem>>, vector<1x16xf32>,
    %get3A_813 = vector.shape_cast %get3A_812 : vector<1x16xf32> to vector<16xf32>
    %add3A_814 = arith.addf %get3A_808, %get3A_813 : vector<16xf32>
    %swap3A_815 = arith.constant 3 : i32
    %swap3A_816 = arith.index_cast %swap3A_815 : i32 to index
    %swap3A_817 = arith.constant 16 : index
    %swap3A_818 = tpu.vector_load %arg20[%swap3A_816, %swap3A_817] {strides = array<i32>} : memref<4x128xf32, #tpu.memory_space<vmem>>, vector<1x16xf32>,
    %swap3A_819 = vector.shape_cast %swap3A_818 : vector<1x16xf32> to vector<16xf32>
    %swap3A_820 = vector.shape_cast %add3A_814 : vector<16xf32> to vector<1x16xf32>
    tpu.vector_store %arg20[%swap3A_816, %swap3A_817], %swap3A_820 {strides = array<i32>} : memref<4x128xf32, #tpu.memory_space<vmem>>, vector<1x16xf32>,
    %get3A_821 = arith.constant 3 : i32
    %get3A_822 = arith.index_cast %get3A_821 : i32 to index
    %get3A_823 = arith.constant 32 : index
    %get3A_824 = tpu.vector_load %arg18[%get3A_822, %get3A_823] {strides = array<i32>} : memref<4x128xf32, #tpu.memory_space<vmem>>, vector<1x16xf32>,
    %get3A_825 = vector.shape_cast %get3A_824 : vector<1x16xf32> to vector<16xf32>
    %get3A_826 = arith.constant 3 : i32
    %get3A_827 = arith.index_cast %get3A_826 : i32 to index
    %get3A_828 = arith.constant 32 : index
    %get3A_829 = tpu.vector_load %arg19[%get3A_827, %get3A_828] {strides = array<i32>} : memref<4x128xf32, #tpu.memory_space<vmem>>, vector<1x16xf32>,
    %get3A_830 = vector.shape_cast %get3A_829 : vector<1x16xf32> to vector<16xf32>
    %add3A_831 = arith.addf %get3A_825, %get3A_830 : vector<16xf32>
    %swap3A_832 = arith.constant 3 : i32
    %swap3A_833 = arith.index_cast %swap3A_832 : i32 to index
    %swap3A_834 = arith.constant 32 : index
    %swap3A_835 = tpu.vector_load %arg20[%swap3A_833, %swap3A_834] {strides = array<i32>} : memref<4x128xf32, #tpu.memory_space<vmem>>, vector<1x16xf32>,
    %swap3A_836 = vector.shape_cast %swap3A_835 : vector<1x16xf32> to vector<16xf32>
    %swap3A_837 = vector.shape_cast %add3A_831 : vector<16xf32> to vector<1x16xf32>
    tpu.vector_store %arg20[%swap3A_833, %swap3A_834], %swap3A_837 {strides = array<i32>} : memref<4x128xf32, #tpu.memory_space<vmem>>, vector<1x16xf32>,
    %get3A_838 = arith.constant 3 : i32
    %get3A_839 = arith.index_cast %get3A_838 : i32 to index
    %get3A_840 = arith.constant 48 : index
    %get3A_841 = tpu.vector_load %arg18[%get3A_839, %get3A_840] {strides = array<i32>} : memref<4x128xf32, #tpu.memory_space<vmem>>, vector<1x16xf32>,
    %get3A_842 = vector.shape_cast %get3A_841 : vector<1x16xf32> to vector<16xf32>
    %get3A_843 = arith.constant 3 : i32
    %get3A_844 = arith.index_cast %get3A_843 : i32 to index
    %get3A_845 = arith.constant 48 : index
    %get3A_846 = tpu.vector_load %arg19[%get3A_844, %get3A_845] {strides = array<i32>} : memref<4x128xf32, #tpu.memory_space<vmem>>, vector<1x16xf32>,
    %get3A_847 = vector.shape_cast %get3A_846 : vector<1x16xf32> to vector<16xf32>
    %add3A_848 = arith.addf %get3A_842, %get3A_847 : vector<16xf32>
    %swap3A_849 = arith.constant 3 : i32
    %swap3A_850 = arith.index_cast %swap3A_849 : i32 to index
    %swap3A_851 = arith.constant 48 : index
    %swap3A_852 = tpu.vector_load %arg20[%swap3A_850, %swap3A_851] {strides = array<i32>} : memref<4x128xf32, #tpu.memory_space<vmem>>, vector<1x16xf32>,
    %swap3A_853 = vector.shape_cast %swap3A_852 : vector<1x16xf32> to vector<16xf32>
    %swap3A_854 = vector.shape_cast %add3A_848 : vector<16xf32> to vector<1x16xf32>
    tpu.vector_store %arg20[%swap3A_850, %swap3A_851], %swap3A_854 {strides = array<i32>} : memref<4x128xf32, #tpu.memory_space<vmem>>, vector<1x16xf32>,
    %get3A_855 = arith.constant 3 : i32
    %get3A_856 = arith.index_cast %get3A_855 : i32 to index
    %get3A_857 = arith.constant 64 : index
    %get3A_858 = tpu.vector_load %arg18[%get3A_856, %get3A_857] {strides = array<i32>} : memref<4x128xf32, #tpu.memory_space<vmem>>, vector<1x16xf32>,
    %get3A_859 = vector.shape_cast %get3A_858 : vector<1x16xf32> to vector<16xf32>
    %get3A_860 = arith.constant 3 : i32
    %get3A_861 = arith.index_cast %get3A_860 : i32 to index
    %get3A_862 = arith.constant 64 : index
    %get3A_863 = tpu.vector_load %arg19[%get3A_861, %get3A_862] {strides = array<i32>} : memref<4x128xf32, #tpu.memory_space<vmem>>, vector<1x16xf32>,
    %get3A_864 = vector.shape_cast %get3A_863 : vector<1x16xf32> to vector<16xf32>
    %add3A_865 = arith.addf %get3A_859, %get3A_864 : vector<16xf32>
    %swap3A_866 = arith.constant 3 : i32
    %swap3A_867 = arith.index_cast %swap3A_866 : i32 to index
    %swap3A_868 = arith.constant 64 : index
    %swap3A_869 = tpu.vector_load %arg20[%swap3A_867, %swap3A_868] {strides = array<i32>} : memref<4x128xf32, #tpu.memory_space<vmem>>, vector<1x16xf32>,
    %swap3A_870 = vector.shape_cast %swap3A_869 : vector<1x16xf32> to vector<16xf32>
    %swap3A_871 = vector.shape_cast %add3A_865 : vector<16xf32> to vector<1x16xf32>
    tpu.vector_store %arg20[%swap3A_867, %swap3A_868], %swap3A_871 {strides = array<i32>} : memref<4x128xf32, #tpu.memory_space<vmem>>, vector<1x16xf32>,
    %get3A_872 = arith.constant 3 : i32
    %get3A_873 = arith.index_cast %get3A_872 : i32 to index
    %get3A_874 = arith.constant 80 : index
    %get3A_875 = tpu.vector_load %arg18[%get3A_873, %get3A_874] {strides = array<i32>} : memref<4x128xf32, #tpu.memory_space<vmem>>, vector<1x16xf32>,
    %get3A_876 = vector.shape_cast %get3A_875 : vector<1x16xf32> to vector<16xf32>
    %get3A_877 = arith.constant 3 : i32
    %get3A_878 = arith.index_cast %get3A_877 : i32 to index
    %get3A_879 = arith.constant 80 : index
    %get3A_880 = tpu.vector_load %arg19[%get3A_878, %get3A_879] {strides = array<i32>} : memref<4x128xf32, #tpu.memory_space<vmem>>, vector<1x16xf32>,
    %get3A_881 = vector.shape_cast %get3A_880 : vector<1x16xf32> to vector<16xf32>
    %add3A_882 = arith.addf %get3A_876, %get3A_881 : vector<16xf32>
    %swap3A_883 = arith.constant 3 : i32
    %swap3A_884 = arith.index_cast %swap3A_883 : i32 to index
    %swap3A_885 = arith.constant 80 : index
    %swap3A_886 = tpu.vector_load %arg20[%swap3A_884, %swap3A_885] {strides = array<i32>} : memref<4x128xf32, #tpu.memory_space<vmem>>, vector<1x16xf32>,
    %swap3A_887 = vector.shape_cast %swap3A_886 : vector<1x16xf32> to vector<16xf32>
    %swap3A_888 = vector.shape_cast %add3A_882 : vector<16xf32> to vector<1x16xf32>
    tpu.vector_store %arg20[%swap3A_884, %swap3A_885], %swap3A_888 {strides = array<i32>} : memref<4x128xf32, #tpu.memory_space<vmem>>, vector<1x16xf32>,
    %get3A_889 = arith.constant 3 : i32
    %get3A_890 = arith.index_cast %get3A_889 : i32 to index
    %get3A_891 = arith.constant 96 : index
    %get3A_892 = tpu.vector_load %arg18[%get3A_890, %get3A_891] {strides = array<i32>} : memref<4x128xf32, #tpu.memory_space<vmem>>, vector<1x16xf32>,
    %get3A_893 = vector.shape_cast %get3A_892 : vector<1x16xf32> to vector<16xf32>
    %get3A_894 = arith.constant 3 : i32
    %get3A_895 = arith.index_cast %get3A_894 : i32 to index
    %get3A_896 = arith.constant 96 : index
    %get3A_897 = tpu.vector_load %arg19[%get3A_895, %get3A_896] {strides = array<i32>} : memref<4x128xf32, #tpu.memory_space<vmem>>, vector<1x16xf32>,
    %get3A_898 = vector.shape_cast %get3A_897 : vector<1x16xf32> to vector<16xf32>
    %add3A_899 = arith.addf %get3A_893, %get3A_898 : vector<16xf32>
    %swap3A_900 = arith.constant 3 : i32
    %swap3A_901 = arith.index_cast %swap3A_900 : i32 to index
    %swap3A_902 = arith.constant 96 : index
    %swap3A_903 = tpu.vector_load %arg20[%swap3A_901, %swap3A_902] {strides = array<i32>} : memref<4x128xf32, #tpu.memory_space<vmem>>, vector<1x16xf32>,
    %swap3A_904 = vector.shape_cast %swap3A_903 : vector<1x16xf32> to vector<16xf32>
    %swap3A_905 = vector.shape_cast %add3A_899 : vector<16xf32> to vector<1x16xf32>
    tpu.vector_store %arg20[%swap3A_901, %swap3A_902], %swap3A_905 {strides = array<i32>} : memref<4x128xf32, #tpu.memory_space<vmem>>, vector<1x16xf32>,
    %get3A_906 = arith.constant 3 : i32
    %get3A_907 = arith.index_cast %get3A_906 : i32 to index
    %get3A_908 = arith.constant 112 : index
    %get3A_909 = tpu.vector_load %arg18[%get3A_907, %get3A_908] {strides = array<i32>} : memref<4x128xf32, #tpu.memory_space<vmem>>, vector<1x16xf32>,
    %get3A_910 = vector.shape_cast %get3A_909 : vector<1x16xf32> to vector<16xf32>
    %get3A_911 = arith.constant 3 : i32
    %get3A_912 = arith.index_cast %get3A_911 : i32 to index
    %get3A_913 = arith.constant 112 : index
    %get3A_914 = tpu.vector_load %arg19[%get3A_912, %get3A_913] {strides = array<i32>} : memref<4x128xf32, #tpu.memory_space<vmem>>, vector<1x16xf32>,
    %get3A_915 = vector.shape_cast %get3A_914 : vector<1x16xf32> to vector<16xf32>
    %add3A_916 = arith.addf %get3A_910, %get3A_915 : vector<16xf32>
    %swap3A_917 = arith.constant 3 : i32
    %swap3A_918 = arith.index_cast %swap3A_917 : i32 to index
    %swap3A_919 = arith.constant 112 : index
    %swap3A_920 = tpu.vector_load %arg20[%swap3A_918, %swap3A_919] {strides = array<i32>} : memref<4x128xf32, #tpu.memory_space<vmem>>, vector<1x16xf32>,
    %swap3A_921 = vector.shape_cast %swap3A_920 : vector<1x16xf32> to vector<16xf32>
    %swap3A_922 = vector.shape_cast %add3A_916 : vector<16xf32> to vector<1x16xf32>
    tpu.vector_store %arg20[%swap3A_918, %swap3A_919], %swap3A_922 {strides = array<i32>} : memref<4x128xf32, #tpu.memory_space<vmem>>, vector<1x16xf32>,
    %add3A_923 = arith.constant 384 : i32
    %add3A_924 = arith.addi %mul3A_2, %add3A_923 : i32
    %run_scoped3A_925 = arith.constant 3 : i32
    "tpu.region"() ({
      %run_scoped3A_930 = tpu.sem_alloc : memref<!tpu.dma_semaphore, #tpu.memory_space<semaphore_mem>>
      %dma_start3A_931 = arith.constant 0 : i32
      %dma_start3A_932 = tpu.memref_slice %arg20[%run_scoped3A_925, %dma_start3A_931] : memref<4x128xf32, #tpu.memory_space<vmem>> -> memref<1x128xf32, #tpu.memory_space<vmem>>
      %dma_start3A_933 = tpu.memref_squeeze %dma_start3A_932 : memref<1x128xf32, #tpu.memory_space<vmem>> -> memref<128xf32, #tpu.memory_space<vmem>>
      %dma_start3A_934 = tpu.memref_slice %arg11[%add3A_924] : memref<16384xf32, #tpu.memory_space<hbm>> -> memref<128xf32, #tpu.memory_space<hbm>>
      %dma_start3A_935 = tpu.memref_slice %arg11[%add3A_924] : memref<16384xf32, #tpu.memory_space<hbm>> -> memref<128xf32, #tpu.memory_space<hbm>>
      %dma_start3A_936 = arith.constant 0 : i32
      %dma_start3A_937 = tpu.memref_slice %arg20[%run_scoped3A_925, %dma_start3A_936] : memref<4x128xf32, #tpu.memory_space<vmem>> -> memref<1x128xf32, #tpu.memory_space<vmem>>
      %dma_start3A_938 = tpu.memref_squeeze %dma_start3A_937 : memref<1x128xf32, #tpu.memory_space<vmem>> -> memref<128xf32, #tpu.memory_space<vmem>>
      tpu.enqueue_dma source(%dma_start3A_938 : memref<128xf32, #tpu.memory_space<vmem>>) target(%dma_start3A_935 : memref<128xf32, #tpu.memory_space<hbm>>) target_semaphore(%run_scoped3A_930 : memref<!tpu.dma_semaphore, #tpu.memory_space<semaphore_mem>>)
      %dma_wait3A_939 = arith.constant 0 : i32
      %dma_wait3A_940 = tpu.memref_slice %arg20[%run_scoped3A_925, %dma_wait3A_939] : memref<4x128xf32, #tpu.memory_space<vmem>> -> memref<1x128xf32, #tpu.memory_space<vmem>>
      %dma_wait3A_941 = tpu.memref_squeeze %dma_wait3A_940 : memref<1x128xf32, #tpu.memory_space<vmem>> -> memref<128xf32, #tpu.memory_space<vmem>>
      %dma_wait3A_942 = tpu.memref_slice %arg11[%add3A_924] : memref<16384xf32, #tpu.memory_space<hbm>> -> memref<128xf32, #tpu.memory_space<hbm>>
      %dma_wait3A_943 = tpu.memref_slice %arg11[%add3A_924] : memref<16384xf32, #tpu.memory_space<hbm>> -> memref<128xf32, #tpu.memory_space<hbm>>
      %dma_wait3A_944 = arith.constant 0 : i32
      %dma_wait3A_945 = tpu.memref_slice %arg20[%run_scoped3A_925, %dma_wait3A_944] : memref<4x128xf32, #tpu.memory_space<vmem>> -> memref<1x128xf32, #tpu.memory_space<vmem>>
      %dma_wait3A_946 = tpu.memref_squeeze %dma_wait3A_945 : memref<1x128xf32, #tpu.memory_space<vmem>> -> memref<128xf32, #tpu.memory_space<vmem>>
      tpu.wait_dma2 semaphore(%run_scoped3A_930 : memref<!tpu.dma_semaphore, #tpu.memory_space<semaphore_mem>>) src(%dma_wait3A_946 : memref<128xf32, #tpu.memory_space<vmem>>) dst(%dma_wait3A_943 : memref<128xf32, #tpu.memory_space<hbm>>)
      tpu.yield
    }) : () -> ()
    %swap3A_926 = arith.constant 0 : index
    %swap3A_927 = tpu.vector_load %arg21[%swap3A_926] {strides = array<i32>} : memref<16xf32, #tpu.memory_space<vmem>>, vector<16xf32>,
    %swap3A_928 = vector.shape_cast %swap3A_927 : vector<16xf32> to vector<16xf32>
    %swap3A_929 = vector.shape_cast %scan3A_290 : vector<16xf32> to vector<16xf32>
    tpu.vector_store %arg21[%swap3A_926], %swap3A_929 {strides = array<i32>} : memref<16xf32, #tpu.memory_space<vmem>>, vector<16xf32>,
    "tpu.region"() ({
      %run_scoped3A_930 = tpu.sem_alloc : memref<!tpu.dma_semaphore, #tpu.memory_space<semaphore_mem>>
      %dma_start3A_931 = arith.constant 0 : i32
      %dma_start3A_932 = tpu.memref_slice %arg10[%add3A, %dma_start3A_931] : memref<32x16xf32, #tpu.memory_space<hbm>> -> memref<1x16xf32, #tpu.memory_space<hbm>>
      %dma_start3A_933 = tpu.memref_squeeze %dma_start3A_932 : memref<1x16xf32, #tpu.memory_space<hbm>> -> memref<16xf32, #tpu.memory_space<hbm>>
      %dma_start3A_934 = arith.constant 0 : i32
      %dma_start3A_935 = tpu.memref_slice %arg10[%add3A, %dma_start3A_934] : memref<32x16xf32, #tpu.memory_space<hbm>> -> memref<1x16xf32, #tpu.memory_space<hbm>>
      %dma_start3A_936 = tpu.memref_squeeze %dma_start3A_935 : memref<1x16xf32, #tpu.memory_space<hbm>> -> memref<16xf32, #tpu.memory_space<hbm>>
      tpu.enqueue_dma source(%arg21 : memref<16xf32, #tpu.memory_space<vmem>>) target(%dma_start3A_936 : memref<16xf32, #tpu.memory_space<hbm>>) target_semaphore(%run_scoped3A_930 : memref<!tpu.dma_semaphore, #tpu.memory_space<semaphore_mem>>)
      %dma_wait3A_937 = arith.constant 0 : i32
      %dma_wait3A_938 = tpu.memref_slice %arg10[%add3A, %dma_wait3A_937] : memref<32x16xf32, #tpu.memory_space<hbm>> -> memref<1x16xf32, #tpu.memory_space<hbm>>
      %dma_wait3A_939 = tpu.memref_squeeze %dma_wait3A_938 : memref<1x16xf32, #tpu.memory_space<hbm>> -> memref<16xf32, #tpu.memory_space<hbm>>
      %dma_wait3A_940 = arith.constant 0 : i32
      %dma_wait3A_941 = tpu.memref_slice %arg10[%add3A, %dma_wait3A_940] : memref<32x16xf32, #tpu.memory_space<hbm>> -> memref<1x16xf32, #tpu.memory_space<hbm>>
      %dma_wait3A_942 = tpu.memref_squeeze %dma_wait3A_941 : memref<1x16xf32, #tpu.memory_space<hbm>> -> memref<16xf32, #tpu.memory_space<hbm>>
      tpu.wait_dma2 semaphore(%run_scoped3A_930 : memref<!tpu.dma_semaphore, #tpu.memory_space<semaphore_mem>>) src(%arg21 : memref<16xf32, #tpu.memory_space<vmem>>) dst(%dma_wait3A_942 : memref<16xf32, #tpu.memory_space<hbm>>)
      tpu.yield
    }) : () -> ()
    return
  }
}

module attributes {stable_mosaic.version = 14 : i64} {
  func.func @body(%arg0: i32, %arg1: memref<5000x100xf32, #tpu.memory_space<vmem>>, %arg2: memref<5000x100xf32, #tpu.memory_space<vmem>>, %arg3: memref<5000x128xf32, #tpu.memory_space<vmem>>, %arg4: memref<5000x128xf32, #tpu.memory_space<vmem>>) attributes {dimension_semantics = [#tpu.dimension_semantics<arbitrary>], iteration_bounds = array<i64: 20>, scalar_prefetch = 0 : i64, scratch_operands = 0 : i64, tpu.core_type = #tpu.core_type<tc>, window_params = [{transform_indices = @transform_0, window_bounds = array<i64: 5000, 100>}, {transform_indices = @transform_1, window_bounds = array<i64: 5000, 100>}, {transform_indices = @transform_2, window_bounds = array<i64: 5000, 128>}, {transform_indices = @transform_3, window_bounds = array<i64: 5000, 128>}]} {
    %broadcast_in_dim3A = arith.constant 0.000000e+00 : f32
    %broadcast_in_dim3A_0 = vector.broadcast %broadcast_in_dim3A : f32 to vector<5000x28xf32>
    %get3A = arith.constant 0 : index
    %get3A_1 = arith.constant 0 : index
    %get3A_2 = vector.load %arg1[%get3A, %get3A_1] : memref<5000x100xf32, #tpu.memory_space<vmem>>, vector<5000x100xf32>
    %concatenate3A = tpu.concatenate %get3A_2, %broadcast_in_dim3A_0 in 1 : vector<5000x100xf32>, vector<5000x28xf32> -> vector<5000x128xf32>
    %swap3A = arith.constant 0 : index
    %swap3A_3 = arith.constant 0 : index
    %swap3A_4 = vector.load %arg3[%swap3A, %swap3A_3] : memref<5000x128xf32, #tpu.memory_space<vmem>>, vector<5000x128xf32>
    tpu.vector_store %arg3[%swap3A, %swap3A_3], %concatenate3A {strides = array<i32>} : memref<5000x128xf32, #tpu.memory_space<vmem>>, vector<5000x128xf32>,
    %get3A_5 = arith.constant 0 : index
    %get3A_6 = arith.constant 0 : index
    %get3A_7 = vector.load %arg2[%get3A_5, %get3A_6] : memref<5000x100xf32, #tpu.memory_space<vmem>>, vector<5000x100xf32>
    %concatenate3A_8 = tpu.concatenate %get3A_7, %broadcast_in_dim3A_0 in 1 : vector<5000x100xf32>, vector<5000x28xf32> -> vector<5000x128xf32>
    %swap3A_9 = arith.constant 0 : index
    %swap3A_10 = arith.constant 0 : index
    %swap3A_11 = vector.load %arg4[%swap3A_9, %swap3A_10] : memref<5000x128xf32, #tpu.memory_space<vmem>>, vector<5000x128xf32>
    tpu.vector_store %arg4[%swap3A_9, %swap3A_10], %concatenate3A_8 {strides = array<i32>} : memref<5000x128xf32, #tpu.memory_space<vmem>>, vector<5000x128xf32>,
    return
  }
  func.func @transform_0(%arg0: i32) -> (i32, i32) {
    %c0_i32 = arith.constant 0 : i32
    %c0_i32_0 = arith.constant 0 : i32
    return %arg0, %c0_i32 : i32, i32
  }
  func.func @transform_1(%arg0: i32) -> (i32, i32) {
    %c0_i32 = arith.constant 0 : i32
    %c0_i32_0 = arith.constant 0 : i32
    return %arg0, %c0_i32 : i32, i32
  }
  func.func @transform_2(%arg0: i32) -> (i32, i32) {
    %c0_i32 = arith.constant 0 : i32
    %c0_i32_0 = arith.constant 0 : i32
    return %arg0, %c0_i32 : i32, i32
  }
  func.func @transform_3(%arg0: i32) -> (i32, i32) {
    %c0_i32 = arith.constant 0 : i32
    %c0_i32_0 = arith.constant 0 : i32
    return %arg0, %c0_i32 : i32, i32
  }
}

module attributes {stable_mosaic.version = 14 : i64} {
  func.func @body(%arg0: memref<32x16xf32, #tpu.memory_space<vmem>>, %arg1: memref<128x128xf32, #tpu.memory_space<vmem>>, %arg2: memref<128x128xf32, #tpu.memory_space<vmem>>) attributes {dimension_semantics = [], scalar_prefetch = 0 : i64, scratch_operands = 0 : i64, tpu.core_type = #tpu.core_type<tc>} {
    %get3A = arith.constant 0 : index
    %get3A_0 = arith.constant 0 : index
    %get3A_1 = vector.load %arg0[%get3A, %get3A_0] : memref<32x16xf32, #tpu.memory_space<vmem>>, vector<32x16xf32>
    %reduce_sum3A = vector.shape_cast %get3A_1 : vector<32x16xf32> to vector<1x32x16xf32>
    %reduce_sum3A_2 = arith.constant dense<0.000000e+00> : vector<1xf32>
    %reduce_sum3A_3 = vector.multi_reduction <add>, %reduce_sum3A, %reduce_sum3A_2 [1, 2] : vector<1x32x16xf32> to vector<1xf32>
    %reduce_sum3A_4 = vector.shape_cast %reduce_sum3A_3 : vector<1xf32> to vector<1x1x1xf32>
    %reduce_sum3A_5 = vector.extract %reduce_sum3A_4[0, 0, 0] : f32 from vector<1x1x1xf32>
    %get3A_6 = arith.constant 0 : index
    %get3A_7 = arith.constant 0 : index
    %get3A_8 = vector.load %arg1[%get3A_6, %get3A_7] : memref<128x128xf32, #tpu.memory_space<vmem>>, vector<128x128xf32>
    %add3A = vector.broadcast %reduce_sum3A_5 : f32 to vector<128x128xf32>
    %add3A_9 = arith.addf %get3A_8, %add3A : vector<128x128xf32>
    %logistic3A = arith.negf %add3A_9 : vector<128x128xf32>
    %logistic3A_10 = math.exp %logistic3A : vector<128x128xf32>
    %logistic3A_11 = arith.constant 1.000000e+00 : f32
    %logistic3A_12 = vector.broadcast %logistic3A_11 : f32 to vector<128x128xf32>
    %logistic3A_13 = arith.addf %logistic3A_12, %logistic3A_10 : vector<128x128xf32>
    %logistic3A_14 = arith.divf %logistic3A_12, %logistic3A_13 : vector<128x128xf32>
    %swap3A = arith.constant 0 : index
    %swap3A_15 = arith.constant 0 : index
    %swap3A_16 = vector.load %arg2[%swap3A, %swap3A_15] : memref<128x128xf32, #tpu.memory_space<vmem>>, vector<128x128xf32>
    tpu.vector_store %arg2[%swap3A, %swap3A_15], %logistic3A_14 {strides = array<i32>} : memref<128x128xf32, #tpu.memory_space<vmem>>, vector<128x128xf32>,
    return
  }
}

</mosaic_0001>

<sc_bundles>
// kernel: kernel.5.cloned.1.call-start
scs
__scs_entry_jumppad:
0x0: {  	(pc) =	sbr.rel $0x88, $3  }
0x1: {  	(tag) =	ssettag $0x0;
	lr =	simm.s32 $0x1  }
0x2: {  	[smem:$0x3F9B] =	sst lr;
	_ =	strace $0xD0000000  }
0x3: {  	_ = 	snop  }
0x4: {  	_ = 	snop  }
0x5: {  	_ = 	snop  }
0x6: {  	_ = 	snop  }
0x7: {  	_ = 	snop  }
__scs_overlays_trampoline_lowered:
0x8: {  	[smem:$0x3FAA] =	sst s0  }
0x9: {  	[smem:$0x3FAB] =	sst s1  }
0xa: {  	[smem:$0x3FAC] =	sst s2  }
0xb: {  	[smem:$0x3FAD] =	sst s3  }
0xc: {  	[smem:$0x3FAE] =	sst s4  }
0xd: {  	[smem:$0x3FAF] =	sst s5  }
0xe: {  	[smem:$0x3FB0] =	sst s6  }
0xf: {  	[smem:$0x3FB1] =	sst s7  }
0x10: {  	[smem:$0x3FB2] =	sst s8  }
0x11: {  	[smem:$0x3FB3] =	sst s9;
	s0 =	simm.s32 @!p0 $0x0  }
0x12: {  	s1 =	sld [smem:$0x3F99];
	s0 =	simm.s32 @p0 $0x1  }
0x13: {  	[smem:$0x3FB4] =	sst s0;
	s0 =	simm.s32 @!p1 $0x0  }
0x14: {  	s2 =	sld [smem:$0x3F98];
	s0 =	simm.s32 @p1 $0x1  }
0x15: {  	[smem:$0x3FB5] =	sst s0;
	s0 =	simm.s32 @!p2 $0x0  }
0x16: {  	s3 =	sld [smem:$0x3FDB];
	s0 =	simm.s32 @p2 $0x1  }
0x17: {  	s4 =	simm.s32 $0x1BF5;
	[smem:$0x3FB7] =	sst s0  }
0x18: {  	s0 =	sld [smem:$0x3F9A];
	_ =	swait.ge [sflag:s4], $0x0  }
0x19: {  	s7 =	sld [smem:$0x3F9B]  }
0x1a: {  	s8 =	sadd.s32 $0xFFFFE003, lr  }
0x1b: {  	s9 =	sadd.s32 $0xFFFFFEF7, lr;
	s5 =	simm.s32 $0xFFFFFFFF;
	p2 =	slt.u32 s8, $0xFFFFF086  }
0x1c: {  	p1 =	slt.u32 s9, $0xF7A;
	s5 =	simm.s32 @!p2 $0x0  }
0x1d: {  	s5 =	simm.s32 @p1 $0x1;
	p0 =	seq.s32 s7, s2  }
0x1e: {  	s7 =	smul.u32 @!p0 $0xF7A, s2;
	p2 =	seq.s32 @!p0 s5, $0x0  }
0x1f: {  	s9 =	smul.u32 $0xF7A, s1;
	s8 =	simm.s32 @!p0 $0x1BF5;
	p2 =	por !p2, p0  }
0x20: {  	[sflag:s8] =	ssyncset.s32 @!p0 $0xFFFFF086;
	s6 =	sadd.s32 @!p0 s3, s7;
	s7 =	simm.s32 @!p0 $0x108  }
0x21: {  	s3 =	sadd.s32 s3, s9;
	s6 =	sadd.s32 @!p0 $0x88, s6;
	s7 =	simm.s32 @p2 $0x1082  }
0x22: {  	[simem:s7], [sflag:s8] =	dma.local @!p0 [hbm:s6], $0xF7A  }
0x23: {  	s9 =	sor.u32 $0xD0000000, s2;
	s6 =	simm.s32 $0x108;
	_ =	swait.ge @!p0 [sflag:s8], $0x0  }
0x24: {  	s3 =	sadd.s32 $0x88, s3;
	s6 =	simm.s32 @!p1 $0x1082;
	[sflag:s4] =	ssyncset.s32 $0xFFFFF086  }
0x25: {  	[simem:s6], [sflag:s4] =	dma.local [hbm:s3], $0xF7A  }
0x26: {  	[smem:$0x3F9B] =	sst s1;
	(tag) =	ssettag s2;
	_ =	strace s9  }
0x27: {  	s1 =	sld [smem:$0x3FAB]  }
0x28: {  	s2 =	sld [smem:$0x3FAC]  }
0x29: {  	s4 =	sld [smem:$0x3FAE]  }
0x2a: {  	p0 =	seq.s32 s5, $0x0;
	s5 =	sld [smem:$0x3FAF]  }
0x2b: {  	s6 =	sld [smem:$0x3FB0]  }
0x2c: {  	s7 =	sld [smem:$0x3FB1]  }
0x2d: {  	s3 =	simm.s32 $0x108;
	s8 =	sld [smem:$0x3FB2]  }
0x2e: {  	s3 =	simm.s32 @!p0 $0x1082;
	s9 =	sld [smem:$0x3FB3]  }
0x2f: {  	lr =	sadd.s32 s0, s3;
	s0 =	sld [smem:$0x3FAA]  }
0x30: {  	s3 =	sld [smem:$0x3FAD]  }
0x31: {  	[smem:$0x3FB6] =	sst s10  }
0x32: {  	s10 =	sld [smem:$0x3FB4];
	_ =	sdelay $0x3  }
0x33: {  	p0 =	seq.s32 s10, $0x1;
	s10 =	sld [smem:$0x3FB6];
	_ =	sdelay $0x3  }
0x34: {  	[smem:$0x3FB6] =	sst s10  }
0x35: {  	s10 =	sld [smem:$0x3FB5];
	_ =	sdelay $0x3  }
0x36: {  	p1 =	seq.s32 s10, $0x1;
	s10 =	sld [smem:$0x3FB6];
	_ =	sdelay $0x3  }
0x37: {  	[smem:$0x3FB6] =	sst s10  }
0x38: {  	s10 =	sld [smem:$0x3FB7]  }
0x39: {  	_ = 	snop;
	(pc) =	sbr.ind lr, $3  }
0x3a: {  	_ = 	snop  }
0x3b: {  	_ = 	snop  }
0x3c: {  	p2 =	seq.s32 s10, $0x1;
	s10 =	sld [smem:$0x3FB6]  }
0x3d: {  	_ =	shalt  }
0x3e: {  	_ =	shalt  }
0x3f: {  	_ =	shalt  }
0x40: {  	_ =	shalt  }
0x41: {  	_ =	shalt  }
0x42: {  	_ =	shalt  }
0x43: {  	_ =	shalt  }
0x44: {  	_ =	shalt  }
0x45: {  	_ =	shalt  }
0x46: {  	_ =	shalt  }
0x47: {  	_ =	shalt  }
0x48: {  	_ =	shalt  }
0x49: {  	_ =	shalt  }
0x4a: {  	_ =	shalt  }
0x4b: {  	_ =	shalt  }
0x4c: {  	_ =	shalt  }
0x4d: {  	_ =	shalt  }
0x4e: {  	_ =	shalt  }
0x4f: {  	_ =	shalt  }
0x50: {  	_ =	shalt  }
0x51: {  	_ =	shalt  }
0x52: {  	_ =	shalt  }
0x53: {  	_ =	shalt  }
0x54: {  	_ =	shalt  }
0x55: {  	_ =	shalt  }
0x56: {  	_ =	shalt  }
0x57: {  	_ =	shalt  }
0x58: {  	_ =	shalt  }
0x59: {  	_ =	shalt  }
0x5a: {  	_ =	shalt  }
0x5b: {  	_ =	shalt  }
0x5c: {  	_ =	shalt  }
0x5d: {  	_ =	shalt  }
0x5e: {  	_ =	shalt  }
0x5f: {  	_ =	shalt  }
0x60: {  	_ =	shalt  }
0x61: {  	_ =	shalt  }
0x62: {  	_ =	shalt  }
0x63: {  	_ =	shalt  }
0x64: {  	_ =	shalt  }
0x65: {  	_ =	shalt  }
0x66: {  	_ =	shalt  }
0x67: {  	_ =	shalt  }
0x68: {  	_ =	shalt  }
0x69: {  	_ =	shalt  }
0x6a: {  	_ =	shalt  }
0x6b: {  	_ =	shalt  }
0x6c: {  	_ =	shalt  }
0x6d: {  	_ =	shalt  }
0x6e: {  	_ =	shalt  }
0x6f: {  	_ =	shalt  }
0x70: {  	_ =	shalt  }
0x71: {  	_ =	shalt  }
0x72: {  	_ =	shalt  }
0x73: {  	_ =	shalt  }
0x74: {  	_ =	shalt  }
0x75: {  	_ =	shalt  }
0x76: {  	_ =	shalt  }
0x77: {  	_ =	shalt  }
0x78: {  	_ =	shalt  }
0x79: {  	_ =	shalt  }
0x7a: {  	_ =	shalt  }
0x7b: {  	_ =	shalt  }
0x7c: {  	_ =	shalt  }
0x7d: {  	_ =	shalt  }
0x7e: {  	_ =	shalt  }
0x7f: {  	_ =	shalt  }
0x80: {  	_ =	shalt  }
0x81: {  	_ =	shalt  }
0x82: {  	_ =	shalt  }
0x83: {  	_ =	shalt  }
0x84: {  	_ =	shalt  }
0x85: {  	_ =	shalt  }
0x86: {  	_ =	shalt  }
0x87: {  	_ =	shalt  }
.Lfunc_end0:
.L_simem_size_0:
called_computation_lowered:
.L_overlay_start_0:
0x88: {  	s2 =	sld [smem:$0x3FD9]  }
0x89: {  	s3 =	sld [smem:$0x3FFE];
	_ =	sdelay $0x1  }
0x8a: {  	s1 =	srdreg.scid  }
0x8b: {  	s0 =	sand.u32 $0x1, s1  }
0x8c: {  	s17 =	sshll.u32 s0, $0xA;
	s2 =	sadd.s32 s3, s2  }
0x8d: {  	s2 =	sadd.s32 s2, s17  }
0x8e: {  	[smem:$0x3FC2] =	sst s2  }
0x8f: {  	_ = 	snop  }
0x90: {  	s2 =	sld [smem:$0x3FD0];
	(tm) =	ssettm $0x1  }
0x91: {  	s18 =	sld [smem:$0x3FFB];
	_ =	sdelay $0x3  }
0x92: {  	_ =	strace s18  }
0x93: {  	s3 =	sld [smem:$0x3FFC];
	_ =	sdelay $0x3  }
0x94: {  	_ =	strace s3  }
0x95: {  	s3 =	sld [smem:$0x3FFD];
	_ =	sdelay $0x3  }
0x96: {  	_ =	strace s3  }
0x97: {  	_ =	strace $0x8FFFFFFF  }
0x98: {  	s19 =	sld [smem:$0x3FDB];
	_ =	sdelay $0x1  }
0x99: {  	s4 =	simm.s32 $_scs_section_size  }
0x9a: {  	s5 =	simm.s32 $_size__tile_overlayer_lowered;
	s6 =	simm.s32 $_tile_overlayer_lowered  }
0x9b: {  	s22 =	simm.s32 $0x1BFF;
	s21 =	sshll.u32 s6, $0x1;
	s3 =	sadd.s32 s4, s19  }
0x9c: {  	s7 =	simm.s32 $0x0;
	s20 =	sshll.u32 s5, $0x1;
	s5 =	sadd.s32 s21, s3  }
0x9d: {  	[timem:s7], [sflag:s22] =	dma.local [hbm:s5], s20  }
0x9e: {  	_ =	swait.ge [sflag:s22], s20  }
0x9f: {  	s4 =	ssub.s32 $0x0, s20;
	[sflag:s22] =	ssyncset.done $0x0  }
0xa0: {  	[sflag:s22] =	ssyncadd.s32 s4;
	_ =	sdelay $0x1  }
0xa1: {  	s23 =	simm.s32 $0x1B8B  }
0xa2: {  	_ =	swait.ge [sflag:s23], $0x1  }
0xa3: {  	[sflag:s23] =	ssyncset.done $0x0  }
0xa4: {  	s25 =	simm.s32 $0x1B8E;
	s24 =	sld [smem:$0x3FFE];
	[sflag:s23] =	ssyncadd.s32 $0xFFFFFFFF  }
0xa5: {  	s26 =	simm.s32 $execute0_lowered;
	[smem:$0x3FD2] =	sst s25  }
0xa6: {  	s5 =	sshll.u32 s26, $0x1;
	_ =	strace $0x80000046;
	[dreg:$0x1] =	wrdreg $0xFFFFFFFF  }
0xa7: {  	s28 =	simm.s32 $_size_execute0_lowered;
	s3 =	sadd.s32 s3, s5;
	[dreg:$0x0] =	wrdreg $0x0  }
0xa8: {  	s5 =	sshll.u32 s28, $0x1;
	[dreg:$0x2] =	wrdreg s3  }
0xa9: {  	[dreg:$0x3] =	wrdreg s5  }
0xaa: {  	[dreg:$0x4] =	wrdreg $0xC0  }
0xab: {  	_ =	task [dreg:s7], $0x5FFFF  }
0xac: {  	[dreg:$0x1] =	wrdreg $0xFFFFFFFF  }
0xad: {  	[dreg:$0x0] =	wrdreg $0x60  }
0xae: {  	[dreg:$0x2] =	wrdreg s24  }
0xaf: {  	[dreg:$0x3] =	wrdreg s2  }
0xb0: {  	[dreg:$0x4] =	wrdreg $0x9  }
0xb1: {  	_ =	task.clear_ibuf [dreg:s7], $0x5FFFF;
	_ =	strace $0x90000046  }
0xb2: {  	s29 =	simm.s32 $0x9;
	_ =	strace $0x80000048  }
0xb3: {  	_ =	swait.ge [sflag:s29], $0x1  }
0xb4: {  	[sflag:s29] =	ssyncadd.s32 $0xFFFFFFFF  }
0xb5: {  	_ =	strace $0x90000048  }
0xb6: {  	_ =	sfence  }
0xb7: {  	s30 =	sld [smem:$0x0];
	_ =	sdelay $0x2  }
0xb8: {  	s31 =	sshll.u32 s1, $0xD;
	s1 =	sshrl.u32 s1, $0x2  }
0xb9: {  	s3 =	sand.u32 $0x4000, s31;
	s1 =	sadd.s32 s1, s30  }
0xba: {  	s0 =	sor.u32 s3, s0;
	s1 =	sshll.u32 s1, $0x11  }
0xbb: {  	s0 =	sor.u32 s1, s0  }
0xbc: {  	s0 =	sadd.s32 $0x8F2B, s0  }
0xbd: {  	[sflag:s0] =	ssyncadd.remote.s32 $0x1  }
0xbe: {  	_ =	sfence.sel $0xFFFF  }
0xbf: {  	[dreg:$0x0] =	wrdreg $0xFFFFFFFF;
	(pc) =	sbr.abs _section_cstart, $3  }
0xc0: {  	[dreg:$0x1] =	wrdreg $0xFFFFFFFF  }
0xc1: {  	_ =	task.clear_ibuf [dreg:s7], $0x2FFFF;
	_ =	strace $0x9FFFFFFF  }
0xc2: {  	(tm) =	ssettm $0x7FFFFFFF  }
0xc3: {  	_ =	shalt  }
tec
execute0_lowered:
.L_overlay_start_1:
0x0: {  	(tag) =	ssettag $0x1  }
0x1: {  	s0 =	rddreg [dreg:$0x0]  }
0x2: {  	s2 =	rddreg [dreg:$0x1]  }
0x3: {  	s1 =	simm.s32 $0x0;
	s6 =	srdreg.scid;
	s8 =	stileid.u32  }
0x4: {  	s28 =	simm.s32 $0x200;
	s30 =	simm.s32 $0x80;
	s31 =	simm.s32 $0x280  }
0x5: {  	s29 =	simm.s32 $0x2;
	[smem:$0x7FF] =	sst s1;
	s3 =	sadd.s32 $0x315600, s0  }
0x6: {  	s4 =	sadd.s32 $0x49C000, s0;
	s6 =	sand.u32 $0x1, s6;
	s8 =	sshll.u32 s8, $0x1  }
0x7: {  	s5 =	sadd.s32 $0xE00, s0;
	s7 =	sadd.s32 $0x314E00, s0;
	s8 =	sor.u32 s6, s8  }
0x8: {  	s9 =	sadd.s32 $0x314600, s0;
	s10 =	sshll.u32 s8, $0x4;
	s8 =	sshll.u32 s8, $0x6  }
0x9: {  	s12 =	sadd.s32 $0x4E00, s0;
	_ =	strace $0x80000047;
	s16 =	sadd.s32 s7, s8  }
0xa: {  	s6 =	ssub.s32 $0x2, s6;
	s17 =	sadd.s32 s9, s8;
	[dreg:$0x3] =	wrdreg s16  }
0xb: {  	s18 =	sadd.s32 s2, s8;
	s19 =	sor.u32 $0x10, s8;
	[dreg:$0x4] =	wrdreg s17  }
0xc: {  	s11 =	sshrl.u32 s6, $0x1;
	[dreg:$0x5] =	wrdreg s18;
	s13 =	sadd.s32 s7, s19  }
0xd: {  	s6 =	ssub.s32 s6, s11;
	s20 =	sadd.s32 s9, s19;
	[dreg:$0x6] =	wrdreg s13  }
0xe: {  	s21 =	sor.u32 $0x20, s8;
	s14 =	sadd.s32 s2, s19;
	[dreg:$0x7] =	wrdreg s20  }
0xf: {  	s23 =	sor.u32 $0x30, s8;
	s22 =	sadd.s32 s7, s21;
	[dreg:$0x8] =	wrdreg s14  }
0x10: {  	s26 =	sadd.s32 s10, s0;
	s15 =	sadd.s32 s9, s21;
	[dreg:$0x9] =	wrdreg s22  }
0x11: {  	s10 =	simm.s32 $0x580;
	s24 =	sadd.s32 s2, s21;
	[dreg:$0xa] =	wrdreg s15  }
0x12: {  	s11 =	simm.s32 $0x600;
	s7 =	sadd.s32 s7, s23;
	[dreg:$0xb] =	wrdreg s24  }
0x13: {  	s25 =	sadd.s32 s9, s23;
	s2 =	sadd.s32 s2, s23;
	[dreg:$0xc] =	wrdreg s7  }
0x14: {  	s18 =	sadd.s32 s12, s8;
	s19 =	sadd.s32 s12, s19;
	[dreg:$0xd] =	wrdreg s25  }
0x15: {  	s8 =	simm.s32 $0x180;
	s9 =	simm.s32 $0x380;
	[dreg:$0xe] =	wrdreg s2  }
0x16: {  	s20 =	sadd.s32 s12, s21;
	s21 =	sadd.s32 s12, s23;
	s22 =	sadd.s32 $0x30E200, s0  }
0x17: {  	s23 =	sadd.s32 $0x311400, s0;
	s24 =	sadd.s32 $0x5600, s26;
	s25 =	smax.u32 s6, $0x1  }
0x18: {  	s26 =	simm.s32 $0x3;
	s0 =	simm.s32 $0x480;
	s2 =	simm.s32 $0x100  }
0x19: {  	s6 =	simm.s32 $0x300;
	s7 =	simm.s32 $0x500;
	s12 =	simm.s32 $0x4600  }
0x1a: {  	s13 =	simm.s32 $0x8600;
	s14 =	simm.s32 $0x1;
	s15 =	simm.s32 $0x0  }
.LBB2_1:
0x1b: {  	s16 =	rddreg [dreg:$0x3]  }
0x1c: {  	[tilespmem:s1], [sflag:$0x3] =	stream.linear.gather [hbm4b:s16+s1], $0x80, $0x38;
	[tilespmem:$0xCC80] =	vst v63  }
0x1d: {  	_ =	swait.ge [sflag:s26], $0x80  }
0x1e: {  	[sflag:s26] =	ssyncset.done $0x0  }
0x1f: {  	s17 =	rddreg [dreg:$0x4];
	[sflag:s26] =	ssyncadd.s32 $0xFFFFFF80  }
0x20: {  	[tilespmem:s28], [sflag:$0x3] =	stream.linear.gather [hbm4b:s17+s1], $0x80, $0x38;
	[tilespmem:$0xCC80] =	vst v63  }
0x21: {  	_ =	swait.ge [sflag:s26], $0x80  }
0x22: {  	[sflag:s26] =	ssyncset.done $0x0  }
0x23: {  	s17 =	simm.s32 $0x400;
	s16 =	rddreg [dreg:$0x5];
	[sflag:s26] =	ssyncadd.s32 $0xFFFFFF80  }
0x24: {  	[tilespmem:s17], [sflag:$0x3] =	stream.linear.gather [hbm4b:s16+s1], $0x80, $0x38;
	[tilespmem:$0xCC80] =	vst v63  }
0x25: {  	_ =	swait.ge [sflag:s26], $0x80  }
0x26: {  	[sflag:s26] =	ssyncset.done $0x0  }
0x27: {  	s16 =	rddreg [dreg:$0x6];
	[sflag:s26] =	ssyncadd.s32 $0xFFFFFF80  }
0x28: {  	[tilespmem:s30], [sflag:$0x3] =	stream.linear.gather [hbm4b:s16+s1], $0x80, $0x38;
	[tilespmem:$0xCC80] =	vst v63  }
0x29: {  	_ =	swait.ge [sflag:s26], $0x80  }
0x2a: {  	[sflag:s26] =	ssyncset.done $0x0  }
0x2b: {  	s16 =	rddreg [dreg:$0x7];
	[sflag:s26] =	ssyncadd.s32 $0xFFFFFF80  }
0x2c: {  	[tilespmem:s31], [sflag:$0x3] =	stream.linear.gather [hbm4b:s16+s1], $0x80, $0x38;
	[tilespmem:$0xCC80] =	vst v63  }
0x2d: {  	_ =	swait.ge [sflag:s26], $0x80  }
0x2e: {  	[sflag:s26] =	ssyncset.done $0x0  }
0x2f: {  	s16 =	rddreg [dreg:$0x8];
	[sflag:s26] =	ssyncadd.s32 $0xFFFFFF80  }
0x30: {  	[tilespmem:s0], [sflag:$0x3] =	stream.linear.gather [hbm4b:s16+s1], $0x80, $0x38;
	[tilespmem:$0xCC80] =	vst v63  }
0x31: {  	_ =	swait.ge [sflag:s26], $0x80  }
0x32: {  	[sflag:s26] =	ssyncset.done $0x0  }
0x33: {  	s16 =	rddreg [dreg:$0x9];
	[sflag:s26] =	ssyncadd.s32 $0xFFFFFF80  }
0x34: {  	[tilespmem:s2], [sflag:$0x3] =	stream.linear.gather [hbm4b:s16+s1], $0x80, $0x38;
	[tilespmem:$0xCC80] =	vst v63  }
0x35: {  	_ =	swait.ge [sflag:s26], $0x80  }
0x36: {  	[sflag:s26] =	ssyncset.done $0x0  }
0x37: {  	s16 =	rddreg [dreg:$0xa];
	[sflag:s26] =	ssyncadd.s32 $0xFFFFFF80  }
0x38: {  	[tilespmem:s6], [sflag:$0x3] =	stream.linear.gather [hbm4b:s16+s1], $0x80, $0x38;
	[tilespmem:$0xCC80] =	vst v63  }
0x39: {  	_ =	swait.ge [sflag:s26], $0x80  }
0x3a: {  	[sflag:s26] =	ssyncset.done $0x0  }
0x3b: {  	s16 =	rddreg [dreg:$0xb];
	[sflag:s26] =	ssyncadd.s32 $0xFFFFFF80  }
0x3c: {  	[tilespmem:s7], [sflag:$0x3] =	stream.linear.gather [hbm4b:s16+s1], $0x80, $0x38;
	[tilespmem:$0xCC80] =	vst v63  }
0x3d: {  	_ =	swait.ge [sflag:s26], $0x80  }
0x3e: {  	[sflag:s26] =	ssyncset.done $0x0  }
0x3f: {  	s16 =	rddreg [dreg:$0xc];
	[sflag:s26] =	ssyncadd.s32 $0xFFFFFF80  }
0x40: {  	[tilespmem:s8], [sflag:$0x3] =	stream.linear.gather [hbm4b:s16+s1], $0x80, $0x38;
	[tilespmem:$0xCC80] =	vst v63  }
0x41: {  	_ =	swait.ge [sflag:s26], $0x80  }
0x42: {  	[sflag:s26] =	ssyncset.done $0x0  }
0x43: {  	s16 =	rddreg [dreg:$0xd];
	[sflag:s26] =	ssyncadd.s32 $0xFFFFFF80  }
0x44: {  	[tilespmem:s9], [sflag:$0x3] =	stream.linear.gather [hbm4b:s16+s1], $0x80, $0x38;
	[tilespmem:$0xCC80] =	vst v63  }
0x45: {  	_ =	swait.ge [sflag:s26], $0x80  }
0x46: {  	[sflag:s26] =	ssyncset.done $0x0  }
0x47: {  	s16 =	rddreg [dreg:$0xe];
	[sflag:s26] =	ssyncadd.s32 $0xFFFFFF80  }
0x48: {  	[tilespmem:s10], [sflag:$0x3] =	stream.linear.gather [hbm4b:s16+s1], $0x80, $0x38;
	[tilespmem:$0xCC80] =	vst v63  }
0x49: {  	_ =	swait.ge [sflag:s26], $0x80  }
0x4a: {  	[sflag:s26] =	ssyncset.done $0x0  }
0x4b: {  	s16 =	simm.s32 $0xC600;
	[sflag:s26] =	ssyncadd.s32 $0xFFFFFF80  }
0x4c: {  	[tilespmem:s16], [sflag:$0x2] =	stream.indirect.gather [hbm4b:s22+s30], $0x1, s1, s30, $0xb8;
	[tilespmem:$0xCC80] =	vst v63  }
0x4d: {  	s16 =	simm.s32 $0xC800  }
0x4e: {  	[tilespmem:s16], [sflag:$0x2] =	stream.indirect.gather [hbm4b:s23+s30], $0x1, s28, s30, $0xb8;
	[tilespmem:$0xCC80] =	vst v63  }
0x4f: {  	s16 =	simm.s32 $0xC680  }
0x50: {  	[tilespmem:s16], [sflag:$0x2] =	stream.indirect.gather [hbm4b:s22+s30], $0x1, s30, s30, $0xb8;
	[tilespmem:$0xCC80] =	vst v63  }
0x51: {  	s16 =	simm.s32 $0xC880  }
0x52: {  	[tilespmem:s16], [sflag:$0x2] =	stream.indirect.gather [hbm4b:s23+s30], $0x1, s31, s30, $0xb8;
	[tilespmem:$0xCC80] =	vst v63  }
0x53: {  	s16 =	simm.s32 $0xC700  }
0x54: {  	[tilespmem:s16], [sflag:$0x2] =	stream.indirect.gather [hbm4b:s22+s30], $0x1, s2, s30, $0xb8;
	[tilespmem:$0xCC80] =	vst v63  }
0x55: {  	s16 =	simm.s32 $0xC900  }
0x56: {  	[tilespmem:s16], [sflag:$0x2] =	stream.indirect.gather [hbm4b:s23+s30], $0x1, s6, s30, $0xb8;
	[tilespmem:$0xCC80] =	vst v63  }
0x57: {  	s16 =	simm.s32 $0xC780  }
0x58: {  	[tilespmem:s16], [sflag:$0x2] =	stream.indirect.gather [hbm4b:s22+s30], $0x1, s8, s30, $0xb8;
	[tilespmem:$0xCC80] =	vst v63  }
0x59: {  	s16 =	simm.s32 $0xC980  }
0x5a: {  	[tilespmem:s16], [sflag:$0x2] =	stream.indirect.gather [hbm4b:s23+s30], $0x1, s9, s30, $0xb8;
	[tilespmem:$0xCC80] =	vst v63  }
0x5b: {  	_ = 	snop  }
0x5c: {  	[tilespmem:s11], [sflag:$0x1] =	stream.indirect.gather [hbm4b:s3+s30], $0x80, s1, s30, $0xb8;
	[tilespmem:$0xCC80] =	vst v63  }
0x5d: {  	_ = 	snop  }
0x5e: {  	[tilespmem:s12], [sflag:$0x1] =	stream.indirect.gather [hbm4b:s4+s30], $0x80, s28, s30, $0xb8;
	[tilespmem:$0xCC80] =	vst v63  }
0x5f: {  	_ = 	snop  }
0x60: {  	[tilespmem:s13], [sflag:$0x1] =	stream.indirect.gather [hbm4b:s5+s30], $0x80, s17, s30, $0xb8;
	[tilespmem:$0xCC80] =	vst v63  }
0x61: {  	_ =	swait.ge [sflag:s14], $0x4000  }
0x62: {  	[sflag:s14] =	ssyncset.done $0x0  }
0x63: {  	[sflag:s14] =	ssyncadd.s32 $0xFFFFC000  }
0x64: {  	_ =	swait.ge [sflag:s14], $0x4000  }
0x65: {  	[sflag:s14] =	ssyncset.done $0x0  }
0x66: {  	[sflag:s14] =	ssyncadd.s32 $0xFFFFC000  }
0x67: {  	_ =	swait.ge [sflag:s14], $0x4000  }
0x68: {  	[sflag:s14] =	ssyncset.done $0x0  }
0x69: {  	s17 =	simm.s32 $0x0;
	[sflag:s14] =	ssyncadd.s32 $0xFFFFC000  }
0x6a: {  	v4 =	vld [tilespmem:s17+$0x4650]  }
0x6b: {  	v2 =	vld [tilespmem:s17+$0x4640]  }
0x6c: {  	v0 =	vld [tilespmem:s17+$0x4630]  }
0x6d: {  	v1 =	vld [tilespmem:s17+$0x4620]  }
0x6e: {  	v3 =	vld [tilespmem:s17+$0x4610]  }
0x6f: {  	v5 =	vld [tilespmem:s17+$0x4600]  }
0x70: {  	v6 =	vld [tilespmem:s17+$0x600]  }
0x71: {  	v7 =	vld [tilespmem:s17+$0x8600]  }
0x72: {  	v8 =	vld [tilespmem:s17+$0x610]  }
0x73: {  	v9 =	vld [tilespmem:s17+$0x8610]  }
0x74: {  	v10 =	vld [tilespmem:s17+$0x620]  }
0x75: {  	v11 =	vld [tilespmem:s17+$0x8620]  }
0x76: {  	v12 =	vld [tilespmem:s17+$0x630];
	v6 =	vadd.f32 v7, v6  }
0x77: {  	v7 =	vld [tilespmem:s17+$0x8630]  }
0x78: {  	v13 =	vld [tilespmem:s17+$0x640];
	v5 =	vmul.f32 v5, v6;
	v6 =	vadd.f32 v9, v8  }
0x79: {  	v8 =	vld [tilespmem:s17+$0x8640];
	v9 =	vimm.f32 $0.0e+00  }
0x7a: {  	v14 =	vld [tilespmem:s17+$0x650];
	v5 =	vadd.f32 v5, v9;
	v3 =	vmul.f32 v3, v6;
	v6 =	vadd.f32 v11, v10  }
0x7b: {  	v9 =	vld [tilespmem:s17+$0x8650]  }
0x7c: {  	v10 =	vld [tilespmem:s17+$0x660];
	v3 =	vadd.f32 v3, v5;
	v1 =	vmul.f32 v1, v6;
	v5 =	vadd.f32 v7, v12  }
0x7d: {  	v6 =	vld [tilespmem:s17+$0x8660]  }
0x7e: {  	s16 =	simm.s32 $0x80;
	v7 =	vld [tilespmem:s17+$0x4660];
	v8 =	vadd.f32 v8, v13;
	v3 =	vadd.f32 v1, v3;
	v5 =	vmul.f32 v0, v5  }
0x7f: {  	v1 =	vld [tilespmem:s16+$0x4650]  }
0x80: {  	v0 =	vld [tilespmem:s16+$0x4640];
	v8 =	vmul.f32 v2, v8;
	v9 =	vadd.f32 v9, v14;
	v5 =	vadd.f32 v5, v3  }
0x81: {  	v2 =	vld [tilespmem:s16+$0x4630]  }
0x82: {  	v3 =	vld [tilespmem:s16+$0x4620];
	v9 =	vmul.f32 v4, v9;
	v10 =	vadd.f32 v6, v10;
	v8 =	vadd.f32 v8, v5  }
0x83: {  	v4 =	vld [tilespmem:s16+$0x4610]  }
0x84: {  	v5 =	vld [tilespmem:s16+$0x4600];
	v6 =	vadd.f32 v9, v8;
	v8 =	vmul.f32 v7, v10  }
0x85: {  	s17 =	simm.s32 $0x400;
	v7 =	vld [tilespmem:s16+$0x600]  }
.LBB2_2:
0x86: {  	p0 =	sne.s32 s17, $0xFE00;
	v9 =	vld [tilespmem:s16+$0x8600];
	v6 =	vadd.f32 v8, v6  }
0x87: {  	v8 =	vld [tilespmem:s16+$0x610]  }
0x88: {  	v10 =	vld [tilespmem:s16+$0x8610]  }
0x89: {  	v11 =	vld [tilespmem:s16+$0x620]  }
0x8a: {  	v12 =	vld [tilespmem:s16+$0x8620]  }
0x8b: {  	v7 =	vadd.f32 v9, v7;
	v9 =	vld [tilespmem:s16+$0x630]  }
0x8c: {  	v13 =	vld [tilespmem:s16+$0x8630]  }
0x8d: {  	v5 =	vmul.f32 v5, v7;
	v7 =	vadd.f32 v10, v8;
	v8 =	vld [tilespmem:s16+$0x640]  }
0x8e: {  	v10 =	vld [tilespmem:s16+$0x8640]  }
0x8f: {  	v5 =	vadd.f32 v5, v6;
	v4 =	vmul.f32 v4, v7;
	v6 =	vadd.f32 v12, v11;
	v7 =	vld [tilespmem:s16+$0x650]  }
0x90: {  	v11 =	vld [tilespmem:s16+$0x8650]  }
0x91: {  	v4 =	vadd.f32 v4, v5;
	v3 =	vmul.f32 v3, v6;
	v5 =	vadd.f32 v13, v9;
	v6 =	vld [tilespmem:s16+$0x660]  }
0x92: {  	v9 =	vld [tilespmem:s16+$0x8660]  }
0x93: {  	v3 =	vadd.f32 v3, v4;
	v2 =	vmul.f32 v2, v5;
	v4 =	vadd.f32 v10, v8;
	v8 =	vld [tilespmem:s16+$0x4660];
	s16 =	sshra.s32 s17, $0x2  }
0x94: {  	v10 =	vld [tilespmem:s16+$0x4650]  }
0x95: {  	v5 =	vadd.f32 v2, v3;
	v4 =	vmul.f32 v0, v4;
	v0 =	vld [tilespmem:s16+$0x4640];
	v7 =	vadd.f32 v11, v7  }
.Ltmp0:
0x96: {  	v2 =	vld [tilespmem:s16+$0x4630];
	(pc) =	sbr.rel @p0 .LBB2_2-.Ltmp0, $4  }
0x97: {  	v3 =	vld [tilespmem:s16+$0x4620];
	v11 =	vadd.f32 v4, v5;
	v12 =	vmul.f32 v1, v7;
	v7 =	vadd.f32 v9, v6  }
0x98: {  	v4 =	vld [tilespmem:s16+$0x4610]  }
0x99: {  	v5 =	vld [tilespmem:s16+$0x4600];
	v6 =	vadd.f32 v12, v11;
	v8 =	vmul.f32 v8, v7;
	v1 =	vmov v10  }
0x9a: {  	s17 =	sadd.s32 $0x200, s17;
	v7 =	vld [tilespmem:s16+$0x600]  }
0x9b: {  	v9 =	vld [tilespmem:s16+$0x8600]  }
0x9c: {  	v10 =	vld [tilespmem:s16+$0x610]  }
0x9d: {  	v11 =	vld [tilespmem:s16+$0x8610]  }
0x9e: {  	v12 =	vld [tilespmem:s16+$0x620]  }
0x9f: {  	v13 =	vld [tilespmem:s16+$0x8620]  }
0xa0: {  	v14 =	vld [tilespmem:s16+$0x630]  }
0xa1: {  	v15 =	vld [tilespmem:s16+$0x8630]  }
0xa2: {  	v16 =	vld [tilespmem:s16+$0x640]  }
0xa3: {  	v17 =	vld [tilespmem:s16+$0x8640]  }
0xa4: {  	v18 =	vld [tilespmem:s16+$0x650]  }
0xa5: {  	v19 =	vld [tilespmem:s16+$0x8650]  }
0xa6: {  	v20 =	vld [tilespmem:s16+$0x660]  }
0xa7: {  	v21 =	vld [tilespmem:s16+$0x8660]  }
0xa8: {  	v22 =	vld [tilespmem:s16+$0x4660];
	[tilespmem:s11], [sflag:$0x1] =	stream.indirect.gather [hbm4b:s3+s30], $0x80, s30, s30, $0xb8  }
0xa9: {  	_ = 	snop  }
0xaa: {  	[tilespmem:s12], [sflag:$0x1] =	stream.indirect.gather [hbm4b:s4+s30], $0x80, s31, s30, $0xb8;
	[tilespmem:$0xCC80] =	vst v63  }
0xab: {  	_ = 	snop  }
0xac: {  	[tilespmem:s13], [sflag:$0x1] =	stream.indirect.gather [hbm4b:s5+s30], $0x80, s0, s30, $0xb8;
	[tilespmem:$0xCC80] =	vst v63  }
0xad: {  	_ =	swait.ge [sflag:s14], $0x4000  }
0xae: {  	[sflag:s14] =	ssyncset.done $0x0  }
0xaf: {  	[sflag:s14] =	ssyncadd.s32 $0xFFFFC000  }
0xb0: {  	_ =	swait.ge [sflag:s14], $0x4000  }
0xb1: {  	[sflag:s14] =	ssyncset.done $0x0  }
0xb2: {  	[sflag:s14] =	ssyncadd.s32 $0xFFFFC000  }
0xb3: {  	_ =	swait.ge [sflag:s14], $0x4000  }
0xb4: {  	v7 =	vadd.f32 v9, v7;
	[sflag:s14] =	ssyncset.done $0x0  }
0xb5: {  	s17 =	simm.s32 $0x0;
	[sflag:s14] =	ssyncadd.s32 $0xFFFFC000  }
0xb6: {  	v6 =	vadd.f32 v8, v6;
	v5 =	vmul.f32 v5, v7;
	v7 =	vadd.f32 v11, v10;
	v9 =	vld [tilespmem:s17+$0x4650]  }
0xb7: {  	v8 =	vld [tilespmem:s17+$0x4640]  }
0xb8: {  	v5 =	vadd.f32 v5, v6;
	v4 =	vmul.f32 v4, v7;
	v6 =	vadd.f32 v13, v12;
	v10 =	vld [tilespmem:s17+$0x4630]  }
0xb9: {  	v7 =	vld [tilespmem:s17+$0x4620]  }
0xba: {  	v4 =	vadd.f32 v4, v5;
	v3 =	vmul.f32 v3, v6;
	v5 =	vadd.f32 v15, v14;
	v11 =	vld [tilespmem:s17+$0x4610]  }
0xbb: {  	v6 =	vld [tilespmem:s17+$0x4600]  }
0xbc: {  	v3 =	vadd.f32 v3, v4;
	v2 =	vmul.f32 v2, v5;
	v4 =	vadd.f32 v17, v16;
	v58 =	vld [tilespmem:s17+$0x600]  }
0xbd: {  	v5 =	vld [tilespmem:s17+$0x8600]  }
0xbe: {  	v59 =	vld [tilespmem:s17+$0x610];
	v2 =	vadd.f32 v2, v3;
	v0 =	vmul.f32 v0, v4;
	v3 =	vadd.f32 v19, v18  }
0xbf: {  	v4 =	vld [tilespmem:s17+$0x8610]  }
0xc0: {  	v60 =	vld [tilespmem:s17+$0x620];
	v0 =	vadd.f32 v0, v2;
	v1 =	vmul.f32 v1, v3;
	v2 =	vadd.f32 v21, v20  }
0xc1: {  	v3 =	vld [tilespmem:s17+$0x8620]  }
0xc2: {  	v61 =	vld [tilespmem:s17+$0x630];
	v0 =	vadd.f32 v1, v0;
	v1 =	vmul.f32 v22, v2;
	v2 =	vadd.f32 v5, v58  }
0xc3: {  	v5 =	vld [tilespmem:s17+$0x8630]  }
0xc4: {  	v62 =	vld [tilespmem:s17+$0x640];
	v0 =	vadd.f32 v1, v0;
	v1 =	vmul.f32 v6, v2;
	v2 =	vadd.f32 v4, v59  }
0xc5: {  	v4 =	vld [tilespmem:s17+$0x8640]  }
0xc6: {  	v6 =	vld [tilespmem:s17+$0x650];
	v0 =	vadd.f32 v1, v0;
	v1 =	vmul.f32 v11, v2;
	v2 =	vadd.f32 v3, v60  }
0xc7: {  	v3 =	vld [tilespmem:s17+$0x8650]  }
0xc8: {  	v11 =	vld [tilespmem:s17+$0x660];
	v0 =	vadd.f32 v1, v0;
	v1 =	vmul.f32 v7, v2;
	v2 =	vadd.f32 v5, v61  }
0xc9: {  	v5 =	vld [tilespmem:s17+$0x8660]  }
0xca: {  	s16 =	simm.s32 $0x80;
	v7 =	vld [tilespmem:s17+$0x4660];
	v4 =	vadd.f32 v4, v62;
	v63 =	vadd.f32 v1, v0;
	v2 =	vmul.f32 v10, v2  }
0xcb: {  	v1 =	vld [tilespmem:s16+$0x4650]  }
0xcc: {  	v0 =	vld [tilespmem:s16+$0x4640];
	v4 =	vmul.f32 v8, v4;
	v6 =	vadd.f32 v3, v6;
	v10 =	vadd.f32 v2, v63  }
0xcd: {  	v3 =	vld [tilespmem:s16+$0x4620]  }
0xce: {  	v2 =	vld [tilespmem:s16+$0x4630];
	v6 =	vmul.f32 v9, v6;
	v9 =	vadd.f32 v5, v11;
	v8 =	vadd.f32 v4, v10  }
0xcf: {  	v5 =	vld [tilespmem:s16+$0x4600]  }
0xd0: {  	v4 =	vld [tilespmem:s16+$0x4610];
	v6 =	vadd.f32 v6, v8;
	v8 =	vmul.f32 v7, v9  }
0xd1: {  	s17 =	simm.s32 $0x400;
	v7 =	vld [tilespmem:s16+$0x600]  }
.LBB2_4:
0xd2: {  	p0 =	sne.s32 s17, $0xFE00;
	v9 =	vld [tilespmem:s16+$0x8600];
	v6 =	vadd.f32 v8, v6  }
0xd3: {  	v8 =	vld [tilespmem:s16+$0x610]  }
0xd4: {  	v10 =	vld [tilespmem:s16+$0x8610]  }
0xd5: {  	v11 =	vld [tilespmem:s16+$0x620]  }
0xd6: {  	v12 =	vld [tilespmem:s16+$0x8620]  }
0xd7: {  	v7 =	vadd.f32 v9, v7;
	v9 =	vld [tilespmem:s16+$0x630]  }
0xd8: {  	v13 =	vld [tilespmem:s16+$0x8630]  }
0xd9: {  	v5 =	vmul.f32 v5, v7;
	v7 =	vadd.f32 v10, v8;
	v8 =	vld [tilespmem:s16+$0x640]  }
0xda: {  	v10 =	vld [tilespmem:s16+$0x8640]  }
0xdb: {  	v5 =	vadd.f32 v5, v6;
	v4 =	vmul.f32 v4, v7;
	v6 =	vadd.f32 v12, v11;
	v7 =	vld [tilespmem:s16+$0x650]  }
0xdc: {  	v11 =	vld [tilespmem:s16+$0x8650]  }
0xdd: {  	v4 =	vadd.f32 v4, v5;
	v3 =	vmul.f32 v3, v6;
	v5 =	vadd.f32 v13, v9;
	v6 =	vld [tilespmem:s16+$0x660]  }
0xde: {  	v9 =	vld [tilespmem:s16+$0x8660]  }
0xdf: {  	v3 =	vadd.f32 v3, v4;
	v2 =	vmul.f32 v2, v5;
	v4 =	vadd.f32 v10, v8;
	v8 =	vld [tilespmem:s16+$0x4660];
	s16 =	sshra.s32 s17, $0x2  }
0xe0: {  	v10 =	vld [tilespmem:s16+$0x4650]  }
0xe1: {  	v5 =	vadd.f32 v2, v3;
	v4 =	vmul.f32 v0, v4;
	v0 =	vld [tilespmem:s16+$0x4640];
	v7 =	vadd.f32 v11, v7  }
.Ltmp1:
0xe2: {  	v2 =	vld [tilespmem:s16+$0x4630];
	(pc) =	sbr.rel @p0 .LBB2_4-.Ltmp1, $4  }
0xe3: {  	v3 =	vld [tilespmem:s16+$0x4620];
	v11 =	vadd.f32 v4, v5;
	v12 =	vmul.f32 v1, v7;
	v7 =	vadd.f32 v9, v6  }
0xe4: {  	v4 =	vld [tilespmem:s16+$0x4610]  }
0xe5: {  	v5 =	vld [tilespmem:s16+$0x4600];
	v6 =	vadd.f32 v12, v11;
	v8 =	vmul.f32 v8, v7;
	v1 =	vmov v10  }
0xe6: {  	s17 =	sadd.s32 $0x200, s17;
	v7 =	vld [tilespmem:s16+$0x600]  }
0xe7: {  	v9 =	vld [tilespmem:s16+$0x8600]  }
0xe8: {  	v10 =	vld [tilespmem:s16+$0x610]  }
0xe9: {  	v11 =	vld [tilespmem:s16+$0x8610]  }
0xea: {  	v12 =	vld [tilespmem:s16+$0x620]  }
0xeb: {  	v13 =	vld [tilespmem:s16+$0x8620]  }
0xec: {  	v14 =	vld [tilespmem:s16+$0x630]  }
0xed: {  	v15 =	vld [tilespmem:s16+$0x8630]  }
0xee: {  	v16 =	vld [tilespmem:s16+$0x640]  }
0xef: {  	v17 =	vld [tilespmem:s16+$0x8640]  }
0xf0: {  	v18 =	vld [tilespmem:s16+$0x650]  }
0xf1: {  	v19 =	vld [tilespmem:s16+$0x8650]  }
0xf2: {  	v20 =	vld [tilespmem:s16+$0x660]  }
0xf3: {  	v21 =	vld [tilespmem:s16+$0x8660]  }
0xf4: {  	v22 =	vld [tilespmem:s16+$0x4660];
	[tilespmem:s11], [sflag:$0x1] =	stream.indirect.gather [hbm4b:s3+s30], $0x80, s2, s30, $0xb8  }
0xf5: {  	_ = 	snop  }
0xf6: {  	[tilespmem:s12], [sflag:$0x1] =	stream.indirect.gather [hbm4b:s4+s30], $0x80, s6, s30, $0xb8;
	[tilespmem:$0xCC80] =	vst v63  }
0xf7: {  	_ = 	snop  }
0xf8: {  	[tilespmem:s13], [sflag:$0x1] =	stream.indirect.gather [hbm4b:s5+s30], $0x80, s7, s30, $0xb8;
	[tilespmem:$0xCC80] =	vst v63  }
0xf9: {  	_ =	swait.ge [sflag:s14], $0x4000  }
0xfa: {  	[sflag:s14] =	ssyncset.done $0x0  }
0xfb: {  	[sflag:s14] =	ssyncadd.s32 $0xFFFFC000  }
0xfc: {  	_ =	swait.ge [sflag:s14], $0x4000  }
0xfd: {  	[sflag:s14] =	ssyncset.done $0x0  }
0xfe: {  	[sflag:s14] =	ssyncadd.s32 $0xFFFFC000  }
0xff: {  	_ =	swait.ge [sflag:s14], $0x4000  }
0x100: {  	v7 =	vadd.f32 v9, v7;
	[sflag:s14] =	ssyncset.done $0x0  }
0x101: {  	s17 =	simm.s32 $0x0;
	[sflag:s14] =	ssyncadd.s32 $0xFFFFC000  }
0x102: {  	v6 =	vadd.f32 v8, v6;
	v5 =	vmul.f32 v5, v7;
	v7 =	vadd.f32 v11, v10;
	v9 =	vld [tilespmem:s17+$0x4650]  }
0x103: {  	v8 =	vld [tilespmem:s17+$0x4640]  }
0x104: {  	v5 =	vadd.f32 v5, v6;
	v4 =	vmul.f32 v4, v7;
	v6 =	vadd.f32 v13, v12;
	v10 =	vld [tilespmem:s17+$0x4630]  }
0x105: {  	v7 =	vld [tilespmem:s17+$0x4620]  }
0x106: {  	v4 =	vadd.f32 v4, v5;
	v3 =	vmul.f32 v3, v6;
	v5 =	vadd.f32 v15, v14;
	v11 =	vld [tilespmem:s17+$0x4610]  }
0x107: {  	v6 =	vld [tilespmem:s17+$0x4600]  }
0x108: {  	v3 =	vadd.f32 v3, v4;
	v2 =	vmul.f32 v2, v5;
	v4 =	vadd.f32 v17, v16;
	v58 =	vld [tilespmem:s17+$0x600]  }
0x109: {  	v5 =	vld [tilespmem:s17+$0x8600]  }
0x10a: {  	v59 =	vld [tilespmem:s17+$0x610];
	v2 =	vadd.f32 v2, v3;
	v0 =	vmul.f32 v0, v4;
	v3 =	vadd.f32 v19, v18  }
0x10b: {  	v4 =	vld [tilespmem:s17+$0x8610]  }
0x10c: {  	v60 =	vld [tilespmem:s17+$0x620];
	v0 =	vadd.f32 v0, v2;
	v1 =	vmul.f32 v1, v3;
	v2 =	vadd.f32 v21, v20  }
0x10d: {  	v3 =	vld [tilespmem:s17+$0x8620]  }
0x10e: {  	v61 =	vld [tilespmem:s17+$0x630];
	v0 =	vadd.f32 v1, v0;
	v1 =	vmul.f32 v22, v2;
	v2 =	vadd.f32 v5, v58  }
0x10f: {  	v5 =	vld [tilespmem:s17+$0x8630]  }
0x110: {  	v62 =	vld [tilespmem:s17+$0x640];
	v0 =	vadd.f32 v1, v0;
	v1 =	vmul.f32 v6, v2;
	v2 =	vadd.f32 v4, v59  }
0x111: {  	v4 =	vld [tilespmem:s17+$0x8640]  }
0x112: {  	v6 =	vld [tilespmem:s17+$0x650];
	v0 =	vadd.f32 v1, v0;
	v1 =	vmul.f32 v11, v2;
	v2 =	vadd.f32 v3, v60  }
0x113: {  	v3 =	vld [tilespmem:s17+$0x8650]  }
0x114: {  	v11 =	vld [tilespmem:s17+$0x660];
	v0 =	vadd.f32 v1, v0;
	v1 =	vmul.f32 v7, v2;
	v2 =	vadd.f32 v5, v61  }
0x115: {  	v5 =	vld [tilespmem:s17+$0x8660]  }
0x116: {  	s16 =	simm.s32 $0x80;
	v7 =	vld [tilespmem:s17+$0x4660];
	v4 =	vadd.f32 v4, v62;
	v63 =	vadd.f32 v1, v0;
	v2 =	vmul.f32 v10, v2  }
0x117: {  	v1 =	vld [tilespmem:s16+$0x4650]  }
0x118: {  	v0 =	vld [tilespmem:s16+$0x4640];
	v4 =	vmul.f32 v8, v4;
	v6 =	vadd.f32 v3, v6;
	v10 =	vadd.f32 v2, v63  }
0x119: {  	v3 =	vld [tilespmem:s16+$0x4620]  }
0x11a: {  	v2 =	vld [tilespmem:s16+$0x4630];
	v6 =	vmul.f32 v9, v6;
	v9 =	vadd.f32 v5, v11;
	v8 =	vadd.f32 v4, v10  }
0x11b: {  	v5 =	vld [tilespmem:s16+$0x4600]  }
0x11c: {  	v4 =	vld [tilespmem:s16+$0x4610];
	v6 =	vadd.f32 v6, v8;
	v8 =	vmul.f32 v7, v9  }
0x11d: {  	s17 =	simm.s32 $0x400;
	v7 =	vld [tilespmem:s16+$0x600]  }
.LBB2_6:
0x11e: {  	p0 =	sne.s32 s17, $0xFE00;
	v9 =	vld [tilespmem:s16+$0x8600];
	v6 =	vadd.f32 v8, v6  }
0x11f: {  	v8 =	vld [tilespmem:s16+$0x610]  }
0x120: {  	v10 =	vld [tilespmem:s16+$0x8610]  }
0x121: {  	v11 =	vld [tilespmem:s16+$0x620]  }
0x122: {  	v12 =	vld [tilespmem:s16+$0x8620]  }
0x123: {  	v7 =	vadd.f32 v9, v7;
	v9 =	vld [tilespmem:s16+$0x630]  }
0x124: {  	v13 =	vld [tilespmem:s16+$0x8630]  }
0x125: {  	v5 =	vmul.f32 v5, v7;
	v7 =	vadd.f32 v10, v8;
	v8 =	vld [tilespmem:s16+$0x640]  }
0x126: {  	v10 =	vld [tilespmem:s16+$0x8640]  }
0x127: {  	v5 =	vadd.f32 v5, v6;
	v4 =	vmul.f32 v4, v7;
	v6 =	vadd.f32 v12, v11;
	v7 =	vld [tilespmem:s16+$0x650]  }
0x128: {  	v11 =	vld [tilespmem:s16+$0x8650]  }
0x129: {  	v4 =	vadd.f32 v4, v5;
	v3 =	vmul.f32 v3, v6;
	v5 =	vadd.f32 v13, v9;
	v6 =	vld [tilespmem:s16+$0x660]  }
0x12a: {  	v9 =	vld [tilespmem:s16+$0x8660]  }
0x12b: {  	v3 =	vadd.f32 v3, v4;
	v2 =	vmul.f32 v2, v5;
	v4 =	vadd.f32 v10, v8;
	v8 =	vld [tilespmem:s16+$0x4660];
	s16 =	sshra.s32 s17, $0x2  }
0x12c: {  	v10 =	vld [tilespmem:s16+$0x4650]  }
0x12d: {  	v5 =	vadd.f32 v2, v3;
	v4 =	vmul.f32 v0, v4;
	v0 =	vld [tilespmem:s16+$0x4640];
	v7 =	vadd.f32 v11, v7  }
.Ltmp2:
0x12e: {  	v2 =	vld [tilespmem:s16+$0x4630];
	(pc) =	sbr.rel @p0 .LBB2_6-.Ltmp2, $4  }
0x12f: {  	v3 =	vld [tilespmem:s16+$0x4620];
	v11 =	vadd.f32 v4, v5;
	v12 =	vmul.f32 v1, v7;
	v7 =	vadd.f32 v9, v6  }
0x130: {  	v4 =	vld [tilespmem:s16+$0x4610]  }
0x131: {  	v5 =	vld [tilespmem:s16+$0x4600];
	v6 =	vadd.f32 v12, v11;
	v8 =	vmul.f32 v8, v7;
	v1 =	vmov v10  }
0x132: {  	s17 =	sadd.s32 $0x200, s17;
	v7 =	vld [tilespmem:s16+$0x600]  }
0x133: {  	v9 =	vld [tilespmem:s16+$0x8600]  }
0x134: {  	v10 =	vld [tilespmem:s16+$0x610]  }
0x135: {  	v11 =	vld [tilespmem:s16+$0x8610]  }
0x136: {  	v12 =	vld [tilespmem:s16+$0x620]  }
0x137: {  	v13 =	vld [tilespmem:s16+$0x8620]  }
0x138: {  	v14 =	vld [tilespmem:s16+$0x630]  }
0x139: {  	v15 =	vld [tilespmem:s16+$0x8630]  }
0x13a: {  	v16 =	vld [tilespmem:s16+$0x640]  }
0x13b: {  	v17 =	vld [tilespmem:s16+$0x8640]  }
0x13c: {  	v18 =	vld [tilespmem:s16+$0x650]  }
0x13d: {  	v19 =	vld [tilespmem:s16+$0x8650]  }
0x13e: {  	v20 =	vld [tilespmem:s16+$0x660]  }
0x13f: {  	v21 =	vld [tilespmem:s16+$0x8660]  }
0x140: {  	v22 =	vld [tilespmem:s16+$0x4660];
	[tilespmem:s11], [sflag:$0x1] =	stream.indirect.gather [hbm4b:s3+s30], $0x80, s8, s30, $0xb8  }
0x141: {  	_ = 	snop  }
0x142: {  	[tilespmem:s12], [sflag:$0x1] =	stream.indirect.gather [hbm4b:s4+s30], $0x80, s9, s30, $0xb8;
	[tilespmem:$0xCC80] =	vst v63  }
0x143: {  	_ = 	snop  }
0x144: {  	[tilespmem:s13], [sflag:$0x1] =	stream.indirect.gather [hbm4b:s5+s30], $0x80, s10, s30, $0xb8;
	[tilespmem:$0xCC80] =	vst v63  }
0x145: {  	_ =	swait.ge [sflag:s14], $0x4000  }
0x146: {  	[sflag:s14] =	ssyncset.done $0x0  }
0x147: {  	[sflag:s14] =	ssyncadd.s32 $0xFFFFC000  }
0x148: {  	_ =	swait.ge [sflag:s14], $0x4000  }
0x149: {  	[sflag:s14] =	ssyncset.done $0x0  }
0x14a: {  	[sflag:s14] =	ssyncadd.s32 $0xFFFFC000  }
0x14b: {  	_ =	swait.ge [sflag:s14], $0x4000  }
0x14c: {  	v7 =	vadd.f32 v9, v7;
	[sflag:s14] =	ssyncset.done $0x0  }
0x14d: {  	s17 =	simm.s32 $0x0;
	[sflag:s14] =	ssyncadd.s32 $0xFFFFC000  }
0x14e: {  	v6 =	vadd.f32 v8, v6;
	v5 =	vmul.f32 v5, v7;
	v7 =	vadd.f32 v11, v10;
	v9 =	vld [tilespmem:s17+$0x4650]  }
0x14f: {  	v8 =	vld [tilespmem:s17+$0x4640]  }
0x150: {  	v5 =	vadd.f32 v5, v6;
	v4 =	vmul.f32 v4, v7;
	v6 =	vadd.f32 v13, v12;
	v10 =	vld [tilespmem:s17+$0x4630]  }
0x151: {  	v7 =	vld [tilespmem:s17+$0x4620]  }
0x152: {  	v4 =	vadd.f32 v4, v5;
	v3 =	vmul.f32 v3, v6;
	v5 =	vadd.f32 v15, v14;
	v11 =	vld [tilespmem:s17+$0x4610]  }
0x153: {  	v6 =	vld [tilespmem:s17+$0x4600]  }
0x154: {  	v3 =	vadd.f32 v3, v4;
	v2 =	vmul.f32 v2, v5;
	v4 =	vadd.f32 v17, v16;
	v12 =	vld [tilespmem:s17+$0x600]  }
0x155: {  	v5 =	vld [tilespmem:s17+$0x8600]  }
0x156: {  	v13 =	vld [tilespmem:s17+$0x610];
	v2 =	vadd.f32 v2, v3;
	v0 =	vmul.f32 v0, v4;
	v3 =	vadd.f32 v19, v18  }
0x157: {  	v4 =	vld [tilespmem:s17+$0x8610]  }
0x158: {  	v14 =	vld [tilespmem:s17+$0x620];
	v0 =	vadd.f32 v0, v2;
	v1 =	vmul.f32 v1, v3;
	v2 =	vadd.f32 v21, v20  }
0x159: {  	v3 =	vld [tilespmem:s17+$0x8620]  }
0x15a: {  	v15 =	vld [tilespmem:s17+$0x630];
	v0 =	vadd.f32 v1, v0;
	v1 =	vmul.f32 v22, v2;
	v2 =	vadd.f32 v5, v12  }
0x15b: {  	v5 =	vld [tilespmem:s17+$0x8630]  }
0x15c: {  	v12 =	vld [tilespmem:s17+$0x640];
	v0 =	vadd.f32 v1, v0;
	v1 =	vmul.f32 v6, v2;
	v2 =	vadd.f32 v4, v13  }
0x15d: {  	v4 =	vld [tilespmem:s17+$0x8640]  }
0x15e: {  	v6 =	vld [tilespmem:s17+$0x650];
	v0 =	vadd.f32 v1, v0;
	v1 =	vmul.f32 v11, v2;
	v2 =	vadd.f32 v3, v14  }
0x15f: {  	v3 =	vld [tilespmem:s17+$0x8650]  }
0x160: {  	v11 =	vld [tilespmem:s17+$0x660];
	v0 =	vadd.f32 v1, v0;
	v1 =	vmul.f32 v7, v2;
	v2 =	vadd.f32 v5, v15  }
0x161: {  	v5 =	vld [tilespmem:s17+$0x8660]  }
0x162: {  	s16 =	simm.s32 $0x80;
	v7 =	vld [tilespmem:s17+$0x4660];
	v4 =	vadd.f32 v4, v12;
	v13 =	vadd.f32 v1, v0;
	v2 =	vmul.f32 v10, v2  }
0x163: {  	v0 =	vld [tilespmem:s16+$0x4650]  }
0x164: {  	v1 =	vld [tilespmem:s16+$0x4640];
	v4 =	vmul.f32 v8, v4;
	v6 =	vadd.f32 v3, v6;
	v10 =	vadd.f32 v2, v13  }
0x165: {  	v3 =	vld [tilespmem:s16+$0x4620]  }
0x166: {  	v2 =	vld [tilespmem:s16+$0x4630];
	v6 =	vmul.f32 v9, v6;
	v9 =	vadd.f32 v5, v11;
	v8 =	vadd.f32 v4, v10  }
0x167: {  	v5 =	vld [tilespmem:s16+$0x4600]  }
0x168: {  	v11 =	vld [tilespmem:s16+$0x600];
	v15 =	vmul.f32 v7, v9;
	v13 =	vadd.f32 v6, v8  }
0x169: {  	s17 =	simm.s32 $0x400;
	v4 =	vld [tilespmem:s16+$0x4610]  }
.LBB2_8:
0x16a: {  	p0 =	sne.s32 s17, $0xFE00;
	v6 =	vld [tilespmem:s16+$0x8600];
	v7 =	vadd.f32 v15, v13  }
0x16b: {  	v8 =	vld [tilespmem:s16+$0x610]  }
0x16c: {  	v9 =	vld [tilespmem:s16+$0x8610]  }
0x16d: {  	v10 =	vld [tilespmem:s16+$0x620]  }
0x16e: {  	v12 =	vld [tilespmem:s16+$0x8620]  }
0x16f: {  	v6 =	vadd.f32 v6, v11;
	v11 =	vld [tilespmem:s16+$0x630]  }
0x170: {  	v13 =	vld [tilespmem:s16+$0x8630]  }
0x171: {  	v5 =	vmul.f32 v5, v6;
	v6 =	vadd.f32 v9, v8;
	v8 =	vld [tilespmem:s16+$0x640]  }
0x172: {  	v9 =	vld [tilespmem:s16+$0x8640]  }
0x173: {  	v5 =	vadd.f32 v5, v7;
	v4 =	vmul.f32 v4, v6;
	v6 =	vadd.f32 v12, v10;
	v7 =	vld [tilespmem:s16+$0x650]  }
0x174: {  	v10 =	vld [tilespmem:s16+$0x8650]  }
0x175: {  	v4 =	vadd.f32 v4, v5;
	v3 =	vmul.f32 v3, v6;
	v5 =	vadd.f32 v13, v11;
	v6 =	vld [tilespmem:s16+$0x660]  }
0x176: {  	v11 =	vld [tilespmem:s16+$0x8660]  }
0x177: {  	v3 =	vadd.f32 v3, v4;
	v2 =	vmul.f32 v2, v5;
	v4 =	vadd.f32 v9, v8;
	v8 =	vld [tilespmem:s16+$0x4660];
	s16 =	sshra.s32 s17, $0x2  }
0x178: {  	v9 =	vld [tilespmem:s16+$0x4650]  }
0x179: {  	v5 =	vadd.f32 v2, v3;
	v4 =	vmul.f32 v1, v4;
	v1 =	vld [tilespmem:s16+$0x4640];
	v7 =	vadd.f32 v10, v7  }
.Ltmp3:
0x17a: {  	v2 =	vld [tilespmem:s16+$0x4630];
	(pc) =	sbr.rel @p0 .LBB2_8-.Ltmp3, $4  }
0x17b: {  	v3 =	vld [tilespmem:s16+$0x4620];
	v10 =	vadd.f32 v4, v5;
	v7 =	vmul.f32 v0, v7;
	v6 =	vadd.f32 v11, v6  }
0x17c: {  	v4 =	vld [tilespmem:s16+$0x4610]  }
0x17d: {  	v5 =	vld [tilespmem:s16+$0x4600];
	v13 =	vadd.f32 v7, v10;
	v15 =	vmul.f32 v8, v6;
	v0 =	vmov v9  }
0x17e: {  	s17 =	sadd.s32 $0x200, s17;
	v11 =	vld [tilespmem:s16+$0x600]  }
0x17f: {  	v22 =	vld [tilespmem:s16+$0x8600]  }
0x180: {  	v20 =	vld [tilespmem:s16+$0x610]  }
0x181: {  	v21 =	vld [tilespmem:s16+$0x8610]  }
0x182: {  	v18 =	vld [tilespmem:s16+$0x620]  }
0x183: {  	v19 =	vld [tilespmem:s16+$0x8620]  }
0x184: {  	v16 =	vld [tilespmem:s16+$0x630]  }
0x185: {  	v17 =	vld [tilespmem:s16+$0x8630]  }
0x186: {  	v12 =	vld [tilespmem:s16+$0x640]  }
0x187: {  	v14 =	vld [tilespmem:s16+$0x8640]  }
0x188: {  	v9 =	vld [tilespmem:s16+$0x650]  }
0x189: {  	v10 =	vld [tilespmem:s16+$0x8650]  }
0x18a: {  	v7 =	vld [tilespmem:s16+$0x660]  }
0x18b: {  	v8 =	vld [tilespmem:s16+$0x8660]  }
0x18c: {  	v6 =	vld [tilespmem:s16+$0x4660];
	_ =	swait.ge [sflag:s29], $0x80  }
0x18d: {  	[sflag:s29] =	ssyncset.done $0x0  }
0x18e: {  	[sflag:s29] =	ssyncadd.s32 $0xFFFFFF80  }
0x18f: {  	_ =	swait.ge [sflag:s29], $0x80  }
0x190: {  	[sflag:s29] =	ssyncset.done $0x0  }
0x191: {  	[sflag:s29] =	ssyncadd.s32 $0xFFFFFF80  }
0x192: {  	_ =	swait.ge [sflag:s29], $0x80  }
0x193: {  	[sflag:s29] =	ssyncset.done $0x0  }
0x194: {  	[sflag:s29] =	ssyncadd.s32 $0xFFFFFF80  }
0x195: {  	_ =	swait.ge [sflag:s29], $0x80  }
0x196: {  	[sflag:s29] =	ssyncset.done $0x0  }
0x197: {  	[sflag:s29] =	ssyncadd.s32 $0xFFFFFF80  }
0x198: {  	_ =	swait.ge [sflag:s29], $0x80  }
0x199: {  	[sflag:s29] =	ssyncset.done $0x0  }
0x19a: {  	[sflag:s29] =	ssyncadd.s32 $0xFFFFFF80  }
0x19b: {  	_ =	swait.ge [sflag:s29], $0x80  }
0x19c: {  	[sflag:s29] =	ssyncset.done $0x0  }
0x19d: {  	[sflag:s29] =	ssyncadd.s32 $0xFFFFFF80  }
0x19e: {  	_ =	swait.ge [sflag:s29], $0x80  }
0x19f: {  	[sflag:s29] =	ssyncset.done $0x0  }
0x1a0: {  	[sflag:s29] =	ssyncadd.s32 $0xFFFFFF80  }
0x1a1: {  	_ =	swait.ge [sflag:s29], $0x80  }
0x1a2: {  	[sflag:s29] =	ssyncset.done $0x0  }
0x1a3: {  	[sflag:s29] =	ssyncadd.s32 $0xFFFFFF80  }
0x1a4: {  	v23 =	vld [tilespmem:$0xC600]  }
0x1a5: {  	v24 =	vld [tilespmem:$0xC800]  }
0x1a6: {  	v25 =	vld [tilespmem:$0xC610]  }
0x1a7: {  	v26 =	vld [tilespmem:$0xC810]  }
0x1a8: {  	v27 =	vld [tilespmem:$0xC620]  }
0x1a9: {  	v28 =	vld [tilespmem:$0xC820]  }
0x1aa: {  	v29 =	vld [tilespmem:$0xC630]  }
0x1ab: {  	v30 =	vld [tilespmem:$0xC830]  }
0x1ac: {  	v31 =	vld [tilespmem:$0xC640]  }
0x1ad: {  	v32 =	vld [tilespmem:$0xC840]  }
0x1ae: {  	v33 =	vld [tilespmem:$0xC650]  }
0x1af: {  	v34 =	vld [tilespmem:$0xC850]  }
0x1b0: {  	v35 =	vld [tilespmem:$0xC660]  }
0x1b1: {  	v44 =	vld [tilespmem:$0xC860];
	v23 =	vadd.f32 v24, v23  }
0x1b2: {  	v45 =	vld [tilespmem:$0xC670];
	v25 =	vadd.f32 v26, v25  }
0x1b3: {  	v47 =	vld [tilespmem:$0xC870];
	v46 =	vadd.f32 v28, v27;
	[tilespmem:$0xCA00] =	vst v23  }
0x1b4: {  	v48 =	vadd.f32 v30, v29;
	[tilespmem:$0xCA10] =	vst v25  }
0x1b5: {  	v49 =	vadd.f32 v32, v31;
	[tilespmem:$0xCA20] =	vst v46  }
0x1b6: {  	v50 =	vadd.f32 v34, v33;
	[tilespmem:$0xCA30] =	vst v48  }
0x1b7: {  	v51 =	vadd.f32 v44, v35;
	[tilespmem:$0xCA40] =	vst v49  }
0x1b8: {  	v52 =	vadd.f32 v47, v45;
	[tilespmem:$0xCA50] =	vst v50  }
0x1b9: {  	[tilespmem:$0xCA60] =	vst v51  }
0x1ba: {  	s17 =	simm.s32 $0xCA00;
	[tilespmem:$0xCA70] =	vst v52  }
0x1bb: {  	[hbm4b:s18+s1] =	stream.linear.scatter [tilespmem:s17], [sflag:$0x3], $0x80, $0x38;
	[tilespmem:$0xCC80] =	vst v63  }
0x1bc: {  	_ =	swait.ge [sflag:s26], $0x80  }
0x1bd: {  	[sflag:s26] =	ssyncset.done $0x0  }
0x1be: {  	[sflag:s26] =	ssyncadd.s32 $0xFFFFFF80  }
0x1bf: {  	v53 =	vld [tilespmem:$0xC680]  }
0x1c0: {  	v54 =	vld [tilespmem:$0xC880]  }
0x1c1: {  	v55 =	vld [tilespmem:$0xC690]  }
0x1c2: {  	v56 =	vld [tilespmem:$0xC890]  }
0x1c3: {  	v57 =	vld [tilespmem:$0xC6A0]  }
0x1c4: {  	v58 =	vld [tilespmem:$0xC8A0]  }
0x1c5: {  	v59 =	vld [tilespmem:$0xC6B0]  }
0x1c6: {  	v60 =	vld [tilespmem:$0xC8B0]  }
0x1c7: {  	v61 =	vld [tilespmem:$0xC6C0]  }
0x1c8: {  	v62 =	vld [tilespmem:$0xC8C0]  }
0x1c9: {  	v63 =	vld [tilespmem:$0xC6D0]  }
0x1ca: {  	v36 =	vld [tilespmem:$0xC8D0]  }
0x1cb: {  	v37 =	vld [tilespmem:$0xC6E0]  }
0x1cc: {  	v38 =	vld [tilespmem:$0xC8E0];
	v23 =	vadd.f32 v54, v53  }
0x1cd: {  	v39 =	vld [tilespmem:$0xC6F0];
	v25 =	vadd.f32 v56, v55  }
0x1ce: {  	v41 =	vld [tilespmem:$0xC8F0];
	v40 =	vadd.f32 v58, v57;
	[tilespmem:$0xCA80] =	vst v23  }
0x1cf: {  	v42 =	vadd.f32 v60, v59;
	[tilespmem:$0xCA90] =	vst v25  }
0x1d0: {  	v43 =	vadd.f32 v62, v61;
	[tilespmem:$0xCAA0] =	vst v40  }
0x1d1: {  	v44 =	vadd.f32 v36, v63;
	[tilespmem:$0xCAB0] =	vst v42  }
0x1d2: {  	v45 =	vadd.f32 v38, v37;
	[tilespmem:$0xCAC0] =	vst v43  }
0x1d3: {  	v46 =	vadd.f32 v41, v39;
	[tilespmem:$0xCAD0] =	vst v44  }
0x1d4: {  	[tilespmem:$0xCAE0] =	vst v45  }
0x1d5: {  	s17 =	simm.s32 $0xCA80;
	[tilespmem:$0xCAF0] =	vst v46  }
0x1d6: {  	[hbm4b:s19+s1] =	stream.linear.scatter [tilespmem:s17], [sflag:$0x3], $0x80, $0x38;
	[tilespmem:$0xCC80] =	vst v63  }
0x1d7: {  	_ =	swait.ge [sflag:s26], $0x80  }
0x1d8: {  	[sflag:s26] =	ssyncset.done $0x0  }
0x1d9: {  	[sflag:s26] =	ssyncadd.s32 $0xFFFFFF80  }
0x1da: {  	v47 =	vld [tilespmem:$0xC700]  }
0x1db: {  	v48 =	vld [tilespmem:$0xC900]  }
0x1dc: {  	v49 =	vld [tilespmem:$0xC710]  }
0x1dd: {  	v50 =	vld [tilespmem:$0xC910]  }
0x1de: {  	v51 =	vld [tilespmem:$0xC720]  }
0x1df: {  	v52 =	vld [tilespmem:$0xC920]  }
0x1e0: {  	v53 =	vld [tilespmem:$0xC730]  }
0x1e1: {  	v54 =	vld [tilespmem:$0xC930]  }
0x1e2: {  	v55 =	vld [tilespmem:$0xC740]  }
0x1e3: {  	v56 =	vld [tilespmem:$0xC940]  }
0x1e4: {  	v57 =	vld [tilespmem:$0xC750]  }
0x1e5: {  	v58 =	vld [tilespmem:$0xC950]  }
0x1e6: {  	v59 =	vld [tilespmem:$0xC760]  }
0x1e7: {  	v60 =	vld [tilespmem:$0xC960];
	v23 =	vadd.f32 v48, v47  }
0x1e8: {  	v61 =	vld [tilespmem:$0xC770];
	v25 =	vadd.f32 v50, v49  }
0x1e9: {  	v63 =	vld [tilespmem:$0xC970];
	v62 =	vadd.f32 v52, v51;
	[tilespmem:$0xCB00] =	vst v23  }
0x1ea: {  	v29 =	vadd.f32 v54, v53;
	[tilespmem:$0xCB10] =	vst v25  }
0x1eb: {  	v30 =	vadd.f32 v56, v55;
	[tilespmem:$0xCB20] =	vst v62  }
0x1ec: {  	v31 =	vadd.f32 v58, v57;
	[tilespmem:$0xCB30] =	vst v29  }
0x1ed: {  	v32 =	vadd.f32 v60, v59;
	[tilespmem:$0xCB40] =	vst v30  }
0x1ee: {  	v33 =	vadd.f32 v63, v61;
	[tilespmem:$0xCB50] =	vst v31  }
0x1ef: {  	[tilespmem:$0xCB60] =	vst v32  }
0x1f0: {  	s17 =	simm.s32 $0xCB00;
	[tilespmem:$0xCB70] =	vst v33  }
0x1f1: {  	[hbm4b:s20+s1] =	stream.linear.scatter [tilespmem:s17], [sflag:$0x3], $0x80, $0x38;
	[tilespmem:$0xCC80] =	vst v63  }
0x1f2: {  	_ =	swait.ge [sflag:s26], $0x80  }
0x1f3: {  	[sflag:s26] =	ssyncset.done $0x0  }
0x1f4: {  	[sflag:s26] =	ssyncadd.s32 $0xFFFFFF80  }
0x1f5: {  	v34 =	vld [tilespmem:$0xC780]  }
0x1f6: {  	v35 =	vld [tilespmem:$0xC980]  }
0x1f7: {  	v36 =	vld [tilespmem:$0xC790]  }
0x1f8: {  	v37 =	vld [tilespmem:$0xC990]  }
0x1f9: {  	v38 =	vld [tilespmem:$0xC7A0]  }
0x1fa: {  	v39 =	vld [tilespmem:$0xC9A0]  }
0x1fb: {  	v40 =	vld [tilespmem:$0xC7B0]  }
0x1fc: {  	v41 =	vld [tilespmem:$0xC9B0]  }
0x1fd: {  	v11 =	vadd.f32 v22, v11;
	v42 =	vld [tilespmem:$0xC7C0]  }
0x1fe: {  	v44 =	vld [tilespmem:$0xC9C0]  }
0x1ff: {  	v13 =	vadd.f32 v15, v13;
	v5 =	vmul.f32 v5, v11;
	v43 =	vadd.f32 v21, v20;
	v45 =	vld [tilespmem:$0xC7D0]  }
0x200: {  	v46 =	vld [tilespmem:$0xC9D0]  }
0x201: {  	v5 =	vadd.f32 v5, v13;
	v4 =	vmul.f32 v4, v43;
	v48 =	vld [tilespmem:$0xC7E0]  }
0x202: {  	v47 =	vadd.f32 v19, v18;
	v50 =	vld [tilespmem:$0xC9E0];
	v49 =	vadd.f32 v35, v34  }
0x203: {  	v4 =	vadd.f32 v4, v5;
	v53 =	vld [tilespmem:$0xC7F0];
	v52 =	vadd.f32 v37, v36  }
0x204: {  	v51 =	vadd.f32 v17, v16;
	v3 =	vmul.f32 v3, v47;
	v55 =	vld [tilespmem:$0xC9F0];
	v54 =	vadd.f32 v39, v38;
	[tilespmem:$0xCB80] =	vst v49  }
0x205: {  	v12 =	vadd.f32 v14, v12;
	v56 =	vadd.f32 v41, v40;
	[tilespmem:$0xCB90] =	vst v52  }
0x206: {  	v2 =	vmul.f32 v2, v51;
	v3 =	vadd.f32 v3, v4;
	v57 =	vadd.f32 v44, v42;
	[tilespmem:$0xCBA0] =	vst v54  }
0x207: {  	v59 =	vadd.f32 v10, v9;
	v58 =	vadd.f32 v46, v45;
	[tilespmem:$0xCBB0] =	vst v56  }
0x208: {  	v1 =	vmul.f32 v1, v12;
	v2 =	vadd.f32 v2, v3;
	v60 =	vadd.f32 v50, v48;
	[tilespmem:$0xCBC0] =	vst v57  }
0x209: {  	v61 =	vadd.f32 v55, v53;
	[tilespmem:$0xCBD0] =	vst v58  }
0x20a: {  	v0 =	vmul.f32 v0, v59;
	v62 =	vadd.f32 v8, v7;
	v1 =	vadd.f32 v1, v2;
	[tilespmem:$0xCBE0] =	vst v60  }
0x20b: {  	s17 =	simm.s32 $0xCB80;
	[tilespmem:$0xCBF0] =	vst v61  }
0x20c: {  	v63 =	vmul.f32 v6, v62;
	v0 =	vadd.f32 v0, v1;
	[hbm4b:s21+s1] =	stream.linear.scatter [tilespmem:s17], [sflag:$0x3], $0x80, $0x38;
	[tilespmem:$0xCC80] =	vst v63  }
0x20d: {  	_ =	swait.ge [sflag:s26], $0x80  }
0x20e: {  	s15 =	sadd.s32 $0x1, s15;
	v0 =	vadd.f32 v63, v0;
	[sflag:s26] =	ssyncset.done $0x0  }
0x20f: {  	p0 =	sne.s32 s15, s25;
	[sflag:s26] =	ssyncadd.s32 $0xFFFFFF80  }
.Ltmp4:
0x210: {  	s17 =	simm.s32 $0xCC00;
	[tilespmem:$0xCC00] =	vst v0;
	(pc) =	sbr.rel @p0 .LBB2_1-.Ltmp4, $4  }
0x211: {  	[hbm4b:s24+s1] =	stream.linear.scatter [tilespmem:s17], [sflag:$0x3], $0x80, $0x38;
	[tilespmem:$0xCC80] =	vst v63  }
0x212: {  	_ =	swait.ge [sflag:s26], $0x80  }
0x213: {  	[sflag:s26] =	ssyncset.done $0x0  }
0x214: {  	[sflag:s26] =	ssyncadd.s32 $0xFFFFFF80  }
0x215: {  	_ =	sfence.sel $0x180000  }
0x216: {  	[bflag:$0x0] =	sbarrier.arrive $0xFFFF  }
0x217: {  	_ =	strace $0x90000047  }
0x218: {  	s0 =	stileid.u32;
	[bflag:$0x2] =	sbarrier.arrive $0xFFFF  }
0x219: {  	p0 =	sne.s32 s0, $0x0;
	s0 =	rddreg [dreg:$0x2]  }
0x21a: {  	s0 =	sadd.s32 @!p0 $0x100000, s0  }
0x21b: {  	[sflag:s0] =	ssyncadd.tile.s32 @!p0 $0x1;
	_ =	shalt  }
.Lfunc_end2:
_tile_overlayer_lowered:
.L_overlay_start_2:
0x21c: {  	(tag) =	ssettag $0x2  }
0x21d: {  	s0 =	rddreg [dreg:$0x0];
	s2 =	stileid.u32  }
0x21e: {  	s1 =	rddreg [dreg:$0x1];
	p0 =	sne.s32 s2, $0x0  }
0x21f: {  	s3 =	rddreg [dreg:$0x2];
	[bflag:$0x3] =	sbarrier.arrive $0xFFFF;
	s2 =	simm.s32 @!p0 $0x1C03  }
0x220: {  	[timem:s3], [sflag:s2] =	dma.local @!p0 [hbm:s0], s1  }
0x221: {  	s0 =	simm.s32 @!p0 $0x3  }
0x222: {  	_ =	swait.ge @!p0 [sflag:s0], s1  }
0x223: {  	s1 =	ssub.s32 @!p0 $0x0, s1;
	[sflag:s0] =	ssyncset.done @!p0 $0x0  }
0x224: {  	[sflag:s0] =	ssyncadd.s32 @!p0 s1  }
0x225: {  	[bflag:$0x3] =	sbarrier.arrive $0xFFFF  }
0x226: {  	_ =	shalt  }

</sc_bundles>
